<compile_context>
chip_gen: v7x
topology: tpu7x:2x2x1
jax: 0.10.2.dev20260603
libtpu: 0.0.44.dev20260713+nightly
codegen_flags: <defaults>
</compile_context>

<pallas_src>
import functools

import jax
import jax.numpy as jnp
from jax import lax
from jax.experimental import pallas as pl
from jax.experimental.pallas import tpu as pltpu
from jax.experimental.pallas import tpu_sc as plsc

NC = 2
NS = 16
NW = NC * NS
LANES = 16
NBUF = 4
PREF = 2
SUBL = 8
TL = 128


def _make_kernel(B, L, V, D, C, interpret=False):
    BC = B // NW
    DT = D // SUBL
    assert BC == TL and L == C and D % LANES == 0
    assert L % NBUF == 0

    mesh = plsc.VectorSubcoreMesh(core_axis_name="c", subcore_axis_name="s")

    @functools.partial(
        pl.kernel,
        out_type=jax.ShapeDtypeStruct((L, DT, NW, SUBL * TL), jnp.float32),
        mesh=mesh,
        compiler_params=pltpu.CompilerParams(
            use_tc_tiling_on_sc=False, needs_layout_passes=False,
            disable_bounds_checks=True),
        interpret=interpret,
        scratch_types=[
            pltpu.VMEM((C, BC), jnp.int32),
            pltpu.VMEM((NBUF, BC, D), jnp.float32),
            pltpu.VMEM((NBUF, DT, SUBL * TL), jnp.float32),
            pltpu.VMEM((C, D), jnp.float32),
            pltpu.VMEM((2 * D,), jnp.float32),
            [pltpu.SemaphoreType.DMA] * NBUF,
            [pltpu.SemaphoreType.DMA] * NBUF,
        ],
    )
    def k(xT_hbm, tok_hbm, pos_hbm, out_hbm,
          idx_v, rows_v, outT_v, pos_v, posd_v, gsems, wsems):
        wid = lax.axis_index("s") * NC + lax.axis_index("c")
        b0 = wid * BC

        pltpu.sync_copy(xT_hbm.at[:, pl.ds(b0, BC)], idx_v)
        pltpu.sync_copy(pos_hbm, pos_v)

        def gather(lp, p):
            return pltpu.make_async_copy(
                tok_hbm.at[idx_v.at[lp]], rows_v.at[p], gsems[p])

        def writeback(lp, p):
            return pltpu.make_async_copy(
                outT_v.at[p], out_hbm.at[lp, :, wid, :], wsems[p])

        for j in range(PREF):
            gather(j, j).start()

        iota = lax.broadcasted_iota(jnp.int32, (LANES,), 0)
        rb = [iota + bs * LANES for bs in range(BC // LANES)]
        rbD = [(iota + bs * LANES) * D for bs in range(BC // LANES)]
        csts = [jnp.full((LANES,), v, jnp.int32) for v in range(NBUF)]
        ones = jnp.ones((LANES,), jnp.bool_)

        def step(l2, j):
            lp = NBUF * l2 + j
            p = j
            q = (j + PREF) % NBUF

            gather(lp, p).wait()

            for c in range(D // LANES):
                pc = pos_v[lp, pl.ds(c * LANES, LANES)]
                posd_v[pl.ds(c * LANES, LANES)] = pc
                posd_v[pl.ds(D + c * LANES, LANES)] = pc

            @plsc.parallel_loop(0, D, step=1, unroll=4)
            def dstep(dstart):
                dvec = (dstart + iota) & (D - 1)
                pv = posd_v[pl.ds(dstart, LANES)]
                dtv = dvec >> 3
                tbase = (dvec & 7) << 7
                cols = [
                    plsc.load_gather(
                        rows_v, [csts[p], rb[bs], dvec], mask=ones)
                    for bs in range(BC // LANES)
                ]
                for bs in range(BC // LANES):
                    plsc.store_scatter(
                        outT_v,
                        [csts[p], dtv, tbase + rb[bs]],
                        cols[bs] + pv, mask=ones)

            writeback(lp, p).start()

            if j < PREF:
                @pl.when(l2 >= 1)
                def _():
                    writeback(lp - PREF, q).wait()

                gather(lp + PREF, q).start()
            else:
                writeback(lp - PREF, q).wait()

                @pl.when(l2 < L // NBUF - 1)
                def _():
                    gather(lp + PREF, q).start()

        def round4(l2, carry):
            for j in range(NBUF):
                step(l2, j)
            return carry

        lax.fori_loop(0, L // NBUF, round4, 0)

        for lp in range(L - PREF, L):
            writeback(lp, lp % NBUF).wait()

    return k


def kernel(x, tok_table, pos_table):
    B, L = x.shape
    V, D = tok_table.shape
    C = pos_table.shape[0]
    k = _make_kernel(B, L, V, D, C)
    out4 = k(x.T, tok_table, pos_table)
    out5 = out4.reshape(L, D // SUBL, B // TL, SUBL, TL)
    out = jnp.transpose(out5, (2, 4, 0, 1, 3)).reshape(B, L, D)
    return out

# --- scband reference (transcript-rebuilt; emitter-appended) ---
"""Pipeline reference for scband-positional-encoding-27960237097642 (READ-ONLY COPY).

The authoritative reference and input builder live on the scoring server;
editing this copy changes nothing except your own understanding.
"""

import jax, jax.numpy as jnp
import numpy as np

VOCAB = 1000000
CTX = 200
D = 64
B = 4096
L = 200

def setup_inputs(seed: int = 0) -> dict:
    key = jax.random.key(seed)
    k1, k2, k3 = jax.random.split(key, 3)
    x = jax.random.randint(k1, (B, L), 0, VOCAB, dtype=jnp.int32)
    tok_table = jax.random.normal(k2, (VOCAB, D), dtype=jnp.float32) * 0.02
    pos_table = jax.random.normal(k3, (CTX, D), dtype=jnp.float32) * 0.02
    return {"x": x, "tok_table": tok_table, "pos_table": pos_table}

def reference(x, tok_table, pos_table):
    # token embedding lookup: gather rows of tok_table
    tx = jnp.take(tok_table, x, axis=0)  # [B, L, D]
    # positional embedding lookup: arange(L) gather of pos_table
    pos_idx = jnp.arange(x.shape[1], dtype=jnp.int32)
    posx = jnp.take(pos_table, pos_idx, axis=0)  # [L, D]
    out = tx + posx[None, :, :]
    return out

if __name__ == "__main__":
    import jax
    _d = setup_inputs()
    print(jax.jit(kernel)(*tuple(_d.values())))

</pallas_src>

<mosaic_0001>
#map = affine_map<(d0, d1) -> (0, 0)>
#map1 = affine_map<(d0, d1) -> (0, 0, 0, 0)>
module attributes {stable_mosaic.version = 14 : i64} {
  func.func @k(%arg0: i32, %arg1: i32, %arg2: memref<200x4096xi32, #tpu.memory_space<hbm>>, %arg3: memref<1000000x64xf32, #tpu.memory_space<hbm>>, %arg4: memref<200x64xf32, #tpu.memory_space<hbm>>, %arg5: memref<200x8x32x1024xf32, #tpu.memory_space<hbm>>, %arg6: memref<200x128xi32, #tpu.memory_space<vmem>>, %arg7: memref<4x128x64xf32, #tpu.memory_space<vmem>>, %arg8: memref<4x8x1024xf32, #tpu.memory_space<vmem>>, %arg9: memref<200x64xf32, #tpu.memory_space<vmem>>, %arg10: memref<128xf32, #tpu.memory_space<vmem>>, %arg11: memref<!tpu.dma_semaphore, #tpu.memory_space<semaphore_mem>>, %arg12: memref<!tpu.dma_semaphore, #tpu.memory_space<semaphore_mem>>, %arg13: memref<!tpu.dma_semaphore, #tpu.memory_space<semaphore_mem>>, %arg14: memref<!tpu.dma_semaphore, #tpu.memory_space<semaphore_mem>>, %arg15: memref<!tpu.dma_semaphore, #tpu.memory_space<semaphore_mem>>, %arg16: memref<!tpu.dma_semaphore, #tpu.memory_space<semaphore_mem>>, %arg17: memref<!tpu.dma_semaphore, #tpu.memory_space<semaphore_mem>>, %arg18: memref<!tpu.dma_semaphore, #tpu.memory_space<semaphore_mem>>) attributes {dimension_semantics = [#tpu.dimension_semantics<core_parallel>, #tpu.dimension_semantics<subcore_parallel>], iteration_bounds = array<i64: 2, 16>, scalar_prefetch = 0 : i64, scratch_operands = 13 : i64, tpu.core_type = #tpu.core_type<sc_vector_subcore>, window_params = [{transform_indices = #map}, {transform_indices = #map}, {transform_indices = #map}, {transform_indices = #map1}]} {
    %mul3A = arith.constant 2 : i32
    %mul3A_0 = arith.muli %arg1, %mul3A : i32
    %add3A = arith.addi %mul3A_0, %arg0 : i32
    %mul3A_1 = arith.constant 128 : i32
    %mul3A_2 = arith.muli %add3A, %mul3A_1 : i32
    "tpu.region"() ({
      %run_scoped3A = tpu.sem_alloc : memref<!tpu.dma_semaphore, #tpu.memory_space<semaphore_mem>>
      %dma_start3A_147 = arith.constant 0 : i32
      %dma_start3A_148 = tpu.memref_slice %arg2[%dma_start3A_147, %mul3A_2] : memref<200x4096xi32, #tpu.memory_space<hbm>> -> memref<200x128xi32, #tpu.memory_space<hbm>>
      %dma_start3A_149 = arith.constant 0 : i32
      %dma_start3A_150 = tpu.memref_slice %arg2[%dma_start3A_149, %mul3A_2] : memref<200x4096xi32, #tpu.memory_space<hbm>> -> memref<200x128xi32, #tpu.memory_space<hbm>>
      tpu.enqueue_dma source(%dma_start3A_150 : memref<200x128xi32, #tpu.memory_space<hbm>>) target(%arg6 : memref<200x128xi32, #tpu.memory_space<vmem>>) target_semaphore(%run_scoped3A : memref<!tpu.dma_semaphore, #tpu.memory_space<semaphore_mem>>)
      %dma_wait3A_151 = arith.constant 0 : i32
      %dma_wait3A_152 = tpu.memref_slice %arg2[%dma_wait3A_151, %mul3A_2] : memref<200x4096xi32, #tpu.memory_space<hbm>> -> memref<200x128xi32, #tpu.memory_space<hbm>>
      %dma_wait3A_153 = arith.constant 0 : i32
      %dma_wait3A_154 = tpu.memref_slice %arg2[%dma_wait3A_153, %mul3A_2] : memref<200x4096xi32, #tpu.memory_space<hbm>> -> memref<200x128xi32, #tpu.memory_space<hbm>>
      tpu.wait_dma2 semaphore(%run_scoped3A : memref<!tpu.dma_semaphore, #tpu.memory_space<semaphore_mem>>) src(%dma_wait3A_154 : memref<200x128xi32, #tpu.memory_space<hbm>>) dst(%arg6 : memref<200x128xi32, #tpu.memory_space<vmem>>)
      tpu.yield
    }) : () -> ()
    "tpu.region"() ({
      %run_scoped3A = tpu.sem_alloc : memref<!tpu.dma_semaphore, #tpu.memory_space<semaphore_mem>>
      tpu.enqueue_dma source(%arg4 : memref<200x64xf32, #tpu.memory_space<hbm>>) target(%arg9 : memref<200x64xf32, #tpu.memory_space<vmem>>) target_semaphore(%run_scoped3A : memref<!tpu.dma_semaphore, #tpu.memory_space<semaphore_mem>>)
      tpu.wait_dma2 semaphore(%run_scoped3A : memref<!tpu.dma_semaphore, #tpu.memory_space<semaphore_mem>>) src(%arg4 : memref<200x64xf32, #tpu.memory_space<hbm>>) dst(%arg9 : memref<200x64xf32, #tpu.memory_space<vmem>>)
      tpu.yield
    }) : () -> ()
    %dma_start3A = arith.constant 0 : i32
    %dma_start3A_3 = arith.constant 0 : i32
    %dma_start3A_4 = arith.constant 0 : i32
    %dma_start3A_5 = arith.constant 0 : i32
    %dma_start3A_6 = tpu.memref_slice %arg7[%dma_start3A_3, %dma_start3A_4, %dma_start3A_5] : memref<4x128x64xf32, #tpu.memory_space<vmem>> -> memref<1x128x64xf32, #tpu.memory_space<vmem>>
    %dma_start3A_7 = tpu.memref_squeeze %dma_start3A_6 : memref<1x128x64xf32, #tpu.memory_space<vmem>> -> memref<128x64xf32, #tpu.memory_space<vmem>>
    %dma_start3A_8 = arith.constant 0 : i32
    %dma_start3A_9 = tpu.memref_slice %arg6[%dma_start3A, %dma_start3A_8] : memref<200x128xi32, #tpu.memory_space<vmem>> -> memref<1x128xi32, #tpu.memory_space<vmem>>
    %dma_start3A_10 = tpu.memref_squeeze %dma_start3A_9 : memref<1x128xi32, #tpu.memory_space<vmem>> -> memref<128xi32, #tpu.memory_space<vmem>>
    %dma_start3A_11 = arith.constant 0 : i32
    %dma_start3A_12 = arith.constant 0 : i32
    %dma_start3A_13 = tpu.memref_slice %arg3[%dma_start3A_11, %dma_start3A_12] : memref<1000000x64xf32, #tpu.memory_space<hbm>> -> memref<1000000x64xf32, #tpu.memory_space<hbm>>
    tpu.enqueue_indirect_dma source(%dma_start3A_13 : memref<1000000x64xf32, #tpu.memory_space<hbm>>) target(%dma_start3A_7 : memref<128x64xf32, #tpu.memory_space<vmem>>) offsets(%dma_start3A_10 : memref<128xi32, #tpu.memory_space<vmem>>) semaphore(%arg11 : memref<!tpu.dma_semaphore, #tpu.memory_space<semaphore_mem>>)
    %dma_start3A_14 = arith.constant 1 : i32
    %dma_start3A_15 = arith.constant 1 : i32
    %dma_start3A_16 = arith.constant 0 : i32
    %dma_start3A_17 = arith.constant 0 : i32
    %dma_start3A_18 = tpu.memref_slice %arg7[%dma_start3A_15, %dma_start3A_16, %dma_start3A_17] : memref<4x128x64xf32, #tpu.memory_space<vmem>> -> memref<1x128x64xf32, #tpu.memory_space<vmem>>
    %dma_start3A_19 = tpu.memref_squeeze %dma_start3A_18 : memref<1x128x64xf32, #tpu.memory_space<vmem>> -> memref<128x64xf32, #tpu.memory_space<vmem>>
    %dma_start3A_20 = arith.constant 0 : i32
    %dma_start3A_21 = tpu.memref_slice %arg6[%dma_start3A_14, %dma_start3A_20] : memref<200x128xi32, #tpu.memory_space<vmem>> -> memref<1x128xi32, #tpu.memory_space<vmem>>
    %dma_start3A_22 = tpu.memref_squeeze %dma_start3A_21 : memref<1x128xi32, #tpu.memory_space<vmem>> -> memref<128xi32, #tpu.memory_space<vmem>>
    %dma_start3A_23 = arith.constant 0 : i32
    %dma_start3A_24 = arith.constant 0 : i32
    %dma_start3A_25 = tpu.memref_slice %arg3[%dma_start3A_23, %dma_start3A_24] : memref<1000000x64xf32, #tpu.memory_space<hbm>> -> memref<1000000x64xf32, #tpu.memory_space<hbm>>
    tpu.enqueue_indirect_dma source(%dma_start3A_25 : memref<1000000x64xf32, #tpu.memory_space<hbm>>) target(%dma_start3A_19 : memref<128x64xf32, #tpu.memory_space<vmem>>) offsets(%dma_start3A_22 : memref<128xi32, #tpu.memory_space<vmem>>) semaphore(%arg12 : memref<!tpu.dma_semaphore, #tpu.memory_space<semaphore_mem>>)
    %iota3A = tpu.iota {dimensions = array<i32: 0>} : vector<16xi32>
    %add3A_26 = arith.constant 0 : i32
    %add3A_27 = vector.broadcast %add3A_26 : i32 to vector<16xi32>
    %add3A_28 = arith.addi %iota3A, %add3A_27 : vector<16xi32>
    %add3A_29 = arith.constant 16 : i32
    %add3A_30 = vector.broadcast %add3A_29 : i32 to vector<16xi32>
    %add3A_31 = arith.addi %iota3A, %add3A_30 : vector<16xi32>
    %add3A_32 = arith.constant 32 : i32
    %add3A_33 = vector.broadcast %add3A_32 : i32 to vector<16xi32>
    %add3A_34 = arith.addi %iota3A, %add3A_33 : vector<16xi32>
    %add3A_35 = arith.constant 48 : i32
    %add3A_36 = vector.broadcast %add3A_35 : i32 to vector<16xi32>
    %add3A_37 = arith.addi %iota3A, %add3A_36 : vector<16xi32>
    %add3A_38 = arith.constant 64 : i32
    %add3A_39 = vector.broadcast %add3A_38 : i32 to vector<16xi32>
    %add3A_40 = arith.addi %iota3A, %add3A_39 : vector<16xi32>
    %add3A_41 = arith.constant 80 : i32
    %add3A_42 = vector.broadcast %add3A_41 : i32 to vector<16xi32>
    %add3A_43 = arith.addi %iota3A, %add3A_42 : vector<16xi32>
    %add3A_44 = arith.constant 96 : i32
    %add3A_45 = vector.broadcast %add3A_44 : i32 to vector<16xi32>
    %add3A_46 = arith.addi %iota3A, %add3A_45 : vector<16xi32>
    %add3A_47 = arith.constant 112 : i32
    %add3A_48 = vector.broadcast %add3A_47 : i32 to vector<16xi32>
    %add3A_49 = arith.addi %iota3A, %add3A_48 : vector<16xi32>
    %add3A_50 = arith.constant 0 : i32
    %add3A_51 = vector.broadcast %add3A_50 : i32 to vector<16xi32>
    %add3A_52 = arith.addi %iota3A, %add3A_51 : vector<16xi32>
    %mul3A_53 = arith.constant 64 : i32
    %mul3A_54 = vector.broadcast %mul3A_53 : i32 to vector<16xi32>
    %mul3A_55 = arith.muli %add3A_52, %mul3A_54 : vector<16xi32>
    %add3A_56 = arith.constant 16 : i32
    %add3A_57 = vector.broadcast %add3A_56 : i32 to vector<16xi32>
    %add3A_58 = arith.addi %iota3A, %add3A_57 : vector<16xi32>
    %mul3A_59 = arith.constant 64 : i32
    %mul3A_60 = vector.broadcast %mul3A_59 : i32 to vector<16xi32>
    %mul3A_61 = arith.muli %add3A_58, %mul3A_60 : vector<16xi32>
    %add3A_62 = arith.constant 32 : i32
    %add3A_63 = vector.broadcast %add3A_62 : i32 to vector<16xi32>
    %add3A_64 = arith.addi %iota3A, %add3A_63 : vector<16xi32>
    %mul3A_65 = arith.constant 64 : i32
    %mul3A_66 = vector.broadcast %mul3A_65 : i32 to vector<16xi32>
    %mul3A_67 = arith.muli %add3A_64, %mul3A_66 : vector<16xi32>
    %add3A_68 = arith.constant 48 : i32
    %add3A_69 = vector.broadcast %add3A_68 : i32 to vector<16xi32>
    %add3A_70 = arith.addi %iota3A, %add3A_69 : vector<16xi32>
    %mul3A_71 = arith.constant 64 : i32
    %mul3A_72 = vector.broadcast %mul3A_71 : i32 to vector<16xi32>
    %mul3A_73 = arith.muli %add3A_70, %mul3A_72 : vector<16xi32>
    %add3A_74 = arith.constant 64 : i32
    %add3A_75 = vector.broadcast %add3A_74 : i32 to vector<16xi32>
    %add3A_76 = arith.addi %iota3A, %add3A_75 : vector<16xi32>
    %mul3A_77 = arith.constant 64 : i32
    %mul3A_78 = vector.broadcast %mul3A_77 : i32 to vector<16xi32>
    %mul3A_79 = arith.muli %add3A_76, %mul3A_78 : vector<16xi32>
    %add3A_80 = arith.constant 80 : i32
    %add3A_81 = vector.broadcast %add3A_80 : i32 to vector<16xi32>
    %add3A_82 = arith.addi %iota3A, %add3A_81 : vector<16xi32>
    %mul3A_83 = arith.constant 64 : i32
    %mul3A_84 = vector.broadcast %mul3A_83 : i32 to vector<16xi32>
    %mul3A_85 = arith.muli %add3A_82, %mul3A_84 : vector<16xi32>
    %add3A_86 = arith.constant 96 : i32
    %add3A_87 = vector.broadcast %add3A_86 : i32 to vector<16xi32>
    %add3A_88 = arith.addi %iota3A, %add3A_87 : vector<16xi32>
    %mul3A_89 = arith.constant 64 : i32
    %mul3A_90 = vector.broadcast %mul3A_89 : i32 to vector<16xi32>
    %mul3A_91 = arith.muli %add3A_88, %mul3A_90 : vector<16xi32>
    %add3A_92 = arith.constant 112 : i32
    %add3A_93 = vector.broadcast %add3A_92 : i32 to vector<16xi32>
    %add3A_94 = arith.addi %iota3A, %add3A_93 : vector<16xi32>
    %mul3A_95 = arith.constant 64 : i32
    %mul3A_96 = vector.broadcast %mul3A_95 : i32 to vector<16xi32>
    %mul3A_97 = arith.muli %add3A_94, %mul3A_96 : vector<16xi32>
    %broadcast_in_dim3A = arith.constant 0 : i32
    %broadcast_in_dim3A_98 = vector.broadcast %broadcast_in_dim3A : i32 to vector<16xi32>
    %broadcast_in_dim3A_99 = arith.constant 1 : i32
    %broadcast_in_dim3A_100 = vector.broadcast %broadcast_in_dim3A_99 : i32 to vector<16xi32>
    %broadcast_in_dim3A_101 = arith.constant 2 : i32
    %broadcast_in_dim3A_102 = vector.broadcast %broadcast_in_dim3A_101 : i32 to vector<16xi32>
    %broadcast_in_dim3A_103 = arith.constant 3 : i32
    %broadcast_in_dim3A_104 = vector.broadcast %broadcast_in_dim3A_103 : i32 to vector<16xi32>
    %broadcast_in_dim3A_105 = arith.constant true
    %broadcast_in_dim3A_106 = vector.broadcast %broadcast_in_dim3A_105 : i1 to vector<16xi1>
    %scan3A = arith.constant 0 : i32
    %scan3A_107 = arith.constant 0 : i32
    %scan3A_108 = arith.constant 50 : i32
    %scan3A_109 = arith.addi %scan3A_107, %scan3A_108 : i32
    %scan3A_110 = arith.constant 1 : i32
    scf.for %scan3A_147 = %scan3A_107 to %scan3A_109 step %scan3A_110  : i32 {
      %mul3A_148 = arith.constant 4 : i32
      %mul3A_149 = arith.muli %mul3A_148, %scan3A_147 : i32
      %add3A_150 = arith.constant 0 : i32
      %add3A_151 = arith.addi %mul3A_149, %add3A_150 : i32
      %dma_wait3A_152 = arith.constant 0 : i32
      %dma_wait3A_153 = arith.constant 0 : i32
      %dma_wait3A_154 = arith.constant 0 : i32
      %dma_wait3A_155 = tpu.memref_slice %arg7[%dma_wait3A_152, %dma_wait3A_153, %dma_wait3A_154] : memref<4x128x64xf32, #tpu.memory_space<vmem>> -> memref<1x128x64xf32, #tpu.memory_space<vmem>>
      %dma_wait3A_156 = tpu.memref_squeeze %dma_wait3A_155 : memref<1x128x64xf32, #tpu.memory_space<vmem>> -> memref<128x64xf32, #tpu.memory_space<vmem>>
      %dma_wait3A_157 = arith.constant 0 : i32
      %dma_wait3A_158 = tpu.memref_slice %arg6[%add3A_151, %dma_wait3A_157] : memref<200x128xi32, #tpu.memory_space<vmem>> -> memref<1x128xi32, #tpu.memory_space<vmem>>
      %dma_wait3A_159 = tpu.memref_squeeze %dma_wait3A_158 : memref<1x128xi32, #tpu.memory_space<vmem>> -> memref<128xi32, #tpu.memory_space<vmem>>
      %dma_wait3A_160 = arith.constant 0 : i32
      %dma_wait3A_161 = arith.constant 0 : i32
      %dma_wait3A_162 = tpu.memref_slice %arg3[%dma_wait3A_160, %dma_wait3A_161] : memref<1000000x64xf32, #tpu.memory_space<hbm>> -> memref<1000000x64xf32, #tpu.memory_space<hbm>>
      tpu.wait_indirect_dma semaphore(%arg11 : memref<!tpu.dma_semaphore, #tpu.memory_space<semaphore_mem>>) src(%dma_wait3A_162 : memref<1000000x64xf32, #tpu.memory_space<hbm>>) dst(%dma_wait3A_156 : memref<128x64xf32, #tpu.memory_space<vmem>>)
      %get3A = arith.index_cast %add3A_151 : i32 to index
      %get3A_163 = arith.constant 0 : index
      %get3A_164 = tpu.vector_load %arg9[%get3A, %get3A_163] {strides = array<i32>} : memref<200x64xf32, #tpu.memory_space<vmem>>, vector<16xf32>,
      %swap3A = arith.constant 0 : index
      %swap3A_165 = tpu.vector_load %arg10[%swap3A] {strides = array<i32>} : memref<128xf32, #tpu.memory_space<vmem>>, vector<16xf32>,
      tpu.vector_store %arg10[%swap3A], %get3A_164 {strides = array<i32>} : memref<128xf32, #tpu.memory_space<vmem>>, vector<16xf32>,
      %swap3A_166 = arith.constant 64 : index
      %swap3A_167 = tpu.vector_load %arg10[%swap3A_166] {strides = array<i32>} : memref<128xf32, #tpu.memory_space<vmem>>, vector<16xf32>,
      tpu.vector_store %arg10[%swap3A_166], %get3A_164 {strides = array<i32>} : memref<128xf32, #tpu.memory_space<vmem>>, vector<16xf32>,
      %get3A_168 = arith.index_cast %add3A_151 : i32 to index
      %get3A_169 = arith.constant 16 : index
      %get3A_170 = tpu.vector_load %arg9[%get3A_168, %get3A_169] {strides = array<i32>} : memref<200x64xf32, #tpu.memory_space<vmem>>, vector<16xf32>,
      %swap3A_171 = arith.constant 16 : index
      %swap3A_172 = tpu.vector_load %arg10[%swap3A_171] {strides = array<i32>} : memref<128xf32, #tpu.memory_space<vmem>>, vector<16xf32>,
      tpu.vector_store %arg10[%swap3A_171], %get3A_170 {strides = array<i32>} : memref<128xf32, #tpu.memory_space<vmem>>, vector<16xf32>,
      %swap3A_173 = arith.constant 80 : index
      %swap3A_174 = tpu.vector_load %arg10[%swap3A_173] {strides = array<i32>} : memref<128xf32, #tpu.memory_space<vmem>>, vector<16xf32>,
      tpu.vector_store %arg10[%swap3A_173], %get3A_170 {strides = array<i32>} : memref<128xf32, #tpu.memory_space<vmem>>, vector<16xf32>,
      %get3A_175 = arith.index_cast %add3A_151 : i32 to index
      %get3A_176 = arith.constant 32 : index
      %get3A_177 = tpu.vector_load %arg9[%get3A_175, %get3A_176] {strides = array<i32>} : memref<200x64xf32, #tpu.memory_space<vmem>>, vector<16xf32>,
      %swap3A_178 = arith.constant 32 : index
      %swap3A_179 = tpu.vector_load %arg10[%swap3A_178] {strides = array<i32>} : memref<128xf32, #tpu.memory_space<vmem>>, vector<16xf32>,
      tpu.vector_store %arg10[%swap3A_178], %get3A_177 {strides = array<i32>} : memref<128xf32, #tpu.memory_space<vmem>>, vector<16xf32>,
      %swap3A_180 = arith.constant 96 : index
      %swap3A_181 = tpu.vector_load %arg10[%swap3A_180] {strides = array<i32>} : memref<128xf32, #tpu.memory_space<vmem>>, vector<16xf32>,
      tpu.vector_store %arg10[%swap3A_180], %get3A_177 {strides = array<i32>} : memref<128xf32, #tpu.memory_space<vmem>>, vector<16xf32>,
      %get3A_182 = arith.index_cast %add3A_151 : i32 to index
      %get3A_183 = arith.constant 48 : index
      %get3A_184 = tpu.vector_load %arg9[%get3A_182, %get3A_183] {strides = array<i32>} : memref<200x64xf32, #tpu.memory_space<vmem>>, vector<16xf32>,
      %swap3A_185 = arith.constant 48 : index
      %swap3A_186 = tpu.vector_load %arg10[%swap3A_185] {strides = array<i32>} : memref<128xf32, #tpu.memory_space<vmem>>, vector<16xf32>,
      tpu.vector_store %arg10[%swap3A_185], %get3A_184 {strides = array<i32>} : memref<128xf32, #tpu.memory_space<vmem>>, vector<16xf32>,
      %swap3A_187 = arith.constant 112 : index
      %swap3A_188 = tpu.vector_load %arg10[%swap3A_187] {strides = array<i32>} : memref<128xf32, #tpu.memory_space<vmem>>, vector<16xf32>,
      tpu.vector_store %arg10[%swap3A_187], %get3A_184 {strides = array<i32>} : memref<128xf32, #tpu.memory_space<vmem>>, vector<16xf32>,
      %parallel_loop3A = arith.constant 0 : i32
      %parallel_loop3A_189 = arith.constant 64 : i32
      %parallel_loop3A_190 = arith.constant 1 : i32
      scf.for %parallel_loop3A_476 = %parallel_loop3A to %parallel_loop3A_189 step %parallel_loop3A_190  : i32 {
        %parallel_loop3A_477 = vector.broadcast %parallel_loop3A_476 : i32 to vector<16xi32>
        %parallel_loop3A_478 = arith.addi %parallel_loop3A_477, %iota3A : vector<16xi32>
        %parallel_loop3A_479 = arith.constant 63 : i32
        %parallel_loop3A_480 = vector.broadcast %parallel_loop3A_479 : i32 to vector<16xi32>
        %parallel_loop3A_481 = arith.andi %parallel_loop3A_478, %parallel_loop3A_480 : vector<16xi32>
        %parallel_loop3A_482 = arith.index_cast %parallel_loop3A_476 : i32 to index
        %parallel_loop3A_483 = tpu.vector_load %arg10[%parallel_loop3A_482] {strides = array<i32>} : memref<128xf32, #tpu.memory_space<vmem>>, vector<16xf32>,
        %parallel_loop3A_484 = arith.constant 3 : i32
        %parallel_loop3A_485 = vector.broadcast %parallel_loop3A_484 : i32 to vector<16xi32>
        %parallel_loop3A_486 = arith.shrsi %parallel_loop3A_481, %parallel_loop3A_485 : vector<16xi32>
        %parallel_loop3A_487 = arith.constant 7 : i32
        %parallel_loop3A_488 = vector.broadcast %parallel_loop3A_487 : i32 to vector<16xi32>
        %parallel_loop3A_489 = arith.andi %parallel_loop3A_481, %parallel_loop3A_488 : vector<16xi32>
        %parallel_loop3A_490 = arith.constant 7 : i32
        %parallel_loop3A_491 = vector.broadcast %parallel_loop3A_490 : i32 to vector<16xi32>
        %parallel_loop3A_492 = arith.shli %parallel_loop3A_489, %parallel_loop3A_491 : vector<16xi32>
        %parallel_loop3A_493 = tpu.vector_load_idx %arg7[%broadcast_in_dim3A_98, %add3A_28, %parallel_loop3A_481] masked %broadcast_in_dim3A_106 : memref<4x128x64xf32, #tpu.memory_space<vmem>>[vector<16xi32>, vector<16xi32>, vector<16xi32>], vector<16xf32>, vector<16xi1>
        %parallel_loop3A_494 = tpu.vector_load_idx %arg7[%broadcast_in_dim3A_98, %add3A_31, %parallel_loop3A_481] masked %broadcast_in_dim3A_106 : memref<4x128x64xf32, #tpu.memory_space<vmem>>[vector<16xi32>, vector<16xi32>, vector<16xi32>], vector<16xf32>, vector<16xi1>
        %parallel_loop3A_495 = tpu.vector_load_idx %arg7[%broadcast_in_dim3A_98, %add3A_34, %parallel_loop3A_481] masked %broadcast_in_dim3A_106 : memref<4x128x64xf32, #tpu.memory_space<vmem>>[vector<16xi32>, vector<16xi32>, vector<16xi32>], vector<16xf32>, vector<16xi1>
        %parallel_loop3A_496 = tpu.vector_load_idx %arg7[%broadcast_in_dim3A_98, %add3A_37, %parallel_loop3A_481] masked %broadcast_in_dim3A_106 : memref<4x128x64xf32, #tpu.memory_space<vmem>>[vector<16xi32>, vector<16xi32>, vector<16xi32>], vector<16xf32>, vector<16xi1>
        %parallel_loop3A_497 = tpu.vector_load_idx %arg7[%broadcast_in_dim3A_98, %add3A_40, %parallel_loop3A_481] masked %broadcast_in_dim3A_106 : memref<4x128x64xf32, #tpu.memory_space<vmem>>[vector<16xi32>, vector<16xi32>, vector<16xi32>], vector<16xf32>, vector<16xi1>
        %parallel_loop3A_498 = tpu.vector_load_idx %arg7[%broadcast_in_dim3A_98, %add3A_43, %parallel_loop3A_481] masked %broadcast_in_dim3A_106 : memref<4x128x64xf32, #tpu.memory_space<vmem>>[vector<16xi32>, vector<16xi32>, vector<16xi32>], vector<16xf32>, vector<16xi1>
        %parallel_loop3A_499 = tpu.vector_load_idx %arg7[%broadcast_in_dim3A_98, %add3A_46, %parallel_loop3A_481] masked %broadcast_in_dim3A_106 : memref<4x128x64xf32, #tpu.memory_space<vmem>>[vector<16xi32>, vector<16xi32>, vector<16xi32>], vector<16xf32>, vector<16xi1>
        %parallel_loop3A_500 = tpu.vector_load_idx %arg7[%broadcast_in_dim3A_98, %add3A_49, %parallel_loop3A_481] masked %broadcast_in_dim3A_106 : memref<4x128x64xf32, #tpu.memory_space<vmem>>[vector<16xi32>, vector<16xi32>, vector<16xi32>], vector<16xf32>, vector<16xi1>
        %parallel_loop3A_501 = arith.addi %parallel_loop3A_492, %add3A_28 : vector<16xi32>
        %parallel_loop3A_502 = arith.addf %parallel_loop3A_493, %parallel_loop3A_483 : vector<16xf32>
        tpu.vector_store_idx %arg8[%broadcast_in_dim3A_98, %parallel_loop3A_486, %parallel_loop3A_501], %parallel_loop3A_502 masked %broadcast_in_dim3A_106 : memref<4x8x1024xf32, #tpu.memory_space<vmem>>[vector<16xi32>, vector<16xi32>, vector<16xi32>], vector<16xf32>, vector<16xi1>
        %parallel_loop3A_503 = arith.addi %parallel_loop3A_492, %add3A_31 : vector<16xi32>
        %parallel_loop3A_504 = arith.addf %parallel_loop3A_494, %parallel_loop3A_483 : vector<16xf32>
        tpu.vector_store_idx %arg8[%broadcast_in_dim3A_98, %parallel_loop3A_486, %parallel_loop3A_503], %parallel_loop3A_504 masked %broadcast_in_dim3A_106 : memref<4x8x1024xf32, #tpu.memory_space<vmem>>[vector<16xi32>, vector<16xi32>, vector<16xi32>], vector<16xf32>, vector<16xi1>
        %parallel_loop3A_505 = arith.addi %parallel_loop3A_492, %add3A_34 : vector<16xi32>
        %parallel_loop3A_506 = arith.addf %parallel_loop3A_495, %parallel_loop3A_483 : vector<16xf32>
        tpu.vector_store_idx %arg8[%broadcast_in_dim3A_98, %parallel_loop3A_486, %parallel_loop3A_505], %parallel_loop3A_506 masked %broadcast_in_dim3A_106 : memref<4x8x1024xf32, #tpu.memory_space<vmem>>[vector<16xi32>, vector<16xi32>, vector<16xi32>], vector<16xf32>, vector<16xi1>
        %parallel_loop3A_507 = arith.addi %parallel_loop3A_492, %add3A_37 : vector<16xi32>
        %parallel_loop3A_508 = arith.addf %parallel_loop3A_496, %parallel_loop3A_483 : vector<16xf32>
        tpu.vector_store_idx %arg8[%broadcast_in_dim3A_98, %parallel_loop3A_486, %parallel_loop3A_507], %parallel_loop3A_508 masked %broadcast_in_dim3A_106 : memref<4x8x1024xf32, #tpu.memory_space<vmem>>[vector<16xi32>, vector<16xi32>, vector<16xi32>], vector<16xf32>, vector<16xi1>
        %parallel_loop3A_509 = arith.addi %parallel_loop3A_492, %add3A_40 : vector<16xi32>
        %parallel_loop3A_510 = arith.addf %parallel_loop3A_497, %parallel_loop3A_483 : vector<16xf32>
        tpu.vector_store_idx %arg8[%broadcast_in_dim3A_98, %parallel_loop3A_486, %parallel_loop3A_509], %parallel_loop3A_510 masked %broadcast_in_dim3A_106 : memref<4x8x1024xf32, #tpu.memory_space<vmem>>[vector<16xi32>, vector<16xi32>, vector<16xi32>], vector<16xf32>, vector<16xi1>
        %parallel_loop3A_511 = arith.addi %parallel_loop3A_492, %add3A_43 : vector<16xi32>
        %parallel_loop3A_512 = arith.addf %parallel_loop3A_498, %parallel_loop3A_483 : vector<16xf32>
        tpu.vector_store_idx %arg8[%broadcast_in_dim3A_98, %parallel_loop3A_486, %parallel_loop3A_511], %parallel_loop3A_512 masked %broadcast_in_dim3A_106 : memref<4x8x1024xf32, #tpu.memory_space<vmem>>[vector<16xi32>, vector<16xi32>, vector<16xi32>], vector<16xf32>, vector<16xi1>
        %parallel_loop3A_513 = arith.addi %parallel_loop3A_492, %add3A_46 : vector<16xi32>
        %parallel_loop3A_514 = arith.addf %parallel_loop3A_499, %parallel_loop3A_483 : vector<16xf32>
        tpu.vector_store_idx %arg8[%broadcast_in_dim3A_98, %parallel_loop3A_486, %parallel_loop3A_513], %parallel_loop3A_514 masked %broadcast_in_dim3A_106 : memref<4x8x1024xf32, #tpu.memory_space<vmem>>[vector<16xi32>, vector<16xi32>, vector<16xi32>], vector<16xf32>, vector<16xi1>
        %parallel_loop3A_515 = arith.addi %parallel_loop3A_492, %add3A_49 : vector<16xi32>
        %parallel_loop3A_516 = arith.addf %parallel_loop3A_500, %parallel_loop3A_483 : vector<16xf32>
        tpu.vector_store_idx %arg8[%broadcast_in_dim3A_98, %parallel_loop3A_486, %parallel_loop3A_515], %parallel_loop3A_516 masked %broadcast_in_dim3A_106 : memref<4x8x1024xf32, #tpu.memory_space<vmem>>[vector<16xi32>, vector<16xi32>, vector<16xi32>], vector<16xf32>, vector<16xi1>
      } {sc.loop_unroll_factor = 4 : i64, sc.parallel_access}
      %dma_start3A_191 = arith.constant 0 : i32
      %dma_start3A_192 = arith.constant 0 : i32
      %dma_start3A_193 = arith.constant 0 : i32
      %dma_start3A_194 = tpu.memref_slice %arg8[%dma_start3A_191, %dma_start3A_192, %dma_start3A_193] : memref<4x8x1024xf32, #tpu.memory_space<vmem>> -> memref<1x8x1024xf32, #tpu.memory_space<vmem>>
      %dma_start3A_195 = tpu.memref_squeeze %dma_start3A_194 : memref<1x8x1024xf32, #tpu.memory_space<vmem>> -> memref<8x1024xf32, #tpu.memory_space<vmem>>
      %dma_start3A_196 = arith.constant 0 : i32
      %dma_start3A_197 = arith.constant 0 : i32
      %dma_start3A_198 = tpu.memref_slice %arg5[%add3A_151, %dma_start3A_196, %add3A, %dma_start3A_197] : memref<200x8x32x1024xf32, #tpu.memory_space<hbm>> -> memref<1x8x1x1024xf32, #tpu.memory_space<hbm>>
      %dma_start3A_199 = tpu.memref_squeeze %dma_start3A_198 : memref<1x8x1x1024xf32, #tpu.memory_space<hbm>> -> memref<8x1024xf32, #tpu.memory_space<hbm>>
      %dma_start3A_200 = arith.constant 0 : i32
      %dma_start3A_201 = arith.constant 0 : i32
      %dma_start3A_202 = tpu.memref_slice %arg5[%add3A_151, %dma_start3A_200, %add3A, %dma_start3A_201] : memref<200x8x32x1024xf32, #tpu.memory_space<hbm>> -> memref<1x8x1x1024xf32, #tpu.memory_space<hbm>>
      %dma_start3A_203 = tpu.memref_squeeze %dma_start3A_202 : memref<1x8x1x1024xf32, #tpu.memory_space<hbm>> -> memref<8x1024xf32, #tpu.memory_space<hbm>>
      %dma_start3A_204 = arith.constant 0 : i32
      %dma_start3A_205 = arith.constant 0 : i32
      %dma_start3A_206 = tpu.memref_slice %arg8[%dma_start3A_191, %dma_start3A_204, %dma_start3A_205] : memref<4x8x1024xf32, #tpu.memory_space<vmem>> -> memref<1x8x1024xf32, #tpu.memory_space<vmem>>
      %dma_start3A_207 = tpu.memref_squeeze %dma_start3A_206 : memref<1x8x1024xf32, #tpu.memory_space<vmem>> -> memref<8x1024xf32, #tpu.memory_space<vmem>>
      tpu.enqueue_dma source(%dma_start3A_207 : memref<8x1024xf32, #tpu.memory_space<vmem>>) target(%dma_start3A_203 : memref<8x1024xf32, #tpu.memory_space<hbm>>) target_semaphore(%arg15 : memref<!tpu.dma_semaphore, #tpu.memory_space<semaphore_mem>>)
      %ge3A = arith.constant 1 : i32
      %ge3A_208 = arith.cmpi sge, %scan3A_147, %ge3A : i32
      %convert_element_type3A = arith.extui %ge3A_208 : i1 to i32
      %cond3A = arith.constant 0 : i32
      %cond3A_209 = arith.cmpi ne, %convert_element_type3A, %cond3A : i32
      scf.if %cond3A_209 {
        %sub3A_476 = arith.constant 2 : i32
        %sub3A_477 = arith.subi %add3A_151, %sub3A_476 : i32
        %dma_wait3A_478 = arith.constant 2 : i32
        %dma_wait3A_479 = arith.constant 0 : i32
        %dma_wait3A_480 = arith.constant 0 : i32
        %dma_wait3A_481 = tpu.memref_slice %arg8[%dma_wait3A_478, %dma_wait3A_479, %dma_wait3A_480] : memref<4x8x1024xf32, #tpu.memory_space<vmem>> -> memref<1x8x1024xf32, #tpu.memory_space<vmem>>
        %dma_wait3A_482 = tpu.memref_squeeze %dma_wait3A_481 : memref<1x8x1024xf32, #tpu.memory_space<vmem>> -> memref<8x1024xf32, #tpu.memory_space<vmem>>
        %dma_wait3A_483 = arith.constant 0 : i32
        %dma_wait3A_484 = arith.constant 0 : i32
        %dma_wait3A_485 = tpu.memref_slice %arg5[%sub3A_477, %dma_wait3A_483, %add3A, %dma_wait3A_484] : memref<200x8x32x1024xf32, #tpu.memory_space<hbm>> -> memref<1x8x1x1024xf32, #tpu.memory_space<hbm>>
        %dma_wait3A_486 = tpu.memref_squeeze %dma_wait3A_485 : memref<1x8x1x1024xf32, #tpu.memory_space<hbm>> -> memref<8x1024xf32, #tpu.memory_space<hbm>>
        %dma_wait3A_487 = arith.constant 0 : i32
        %dma_wait3A_488 = arith.constant 0 : i32
        %dma_wait3A_489 = tpu.memref_slice %arg5[%sub3A_477, %dma_wait3A_487, %add3A, %dma_wait3A_488] : memref<200x8x32x1024xf32, #tpu.memory_space<hbm>> -> memref<1x8x1x1024xf32, #tpu.memory_space<hbm>>
        %dma_wait3A_490 = tpu.memref_squeeze %dma_wait3A_489 : memref<1x8x1x1024xf32, #tpu.memory_space<hbm>> -> memref<8x1024xf32, #tpu.memory_space<hbm>>
        %dma_wait3A_491 = arith.constant 0 : i32
        %dma_wait3A_492 = arith.constant 0 : i32
        %dma_wait3A_493 = tpu.memref_slice %arg8[%dma_wait3A_478, %dma_wait3A_491, %dma_wait3A_492] : memref<4x8x1024xf32, #tpu.memory_space<vmem>> -> memref<1x8x1024xf32, #tpu.memory_space<vmem>>
        %dma_wait3A_494 = tpu.memref_squeeze %dma_wait3A_493 : memref<1x8x1024xf32, #tpu.memory_space<vmem>> -> memref<8x1024xf32, #tpu.memory_space<vmem>>
        tpu.wait_dma2 semaphore(%arg17 : memref<!tpu.dma_semaphore, #tpu.memory_space<semaphore_mem>>) src(%dma_wait3A_494 : memref<8x1024xf32, #tpu.memory_space<vmem>>) dst(%dma_wait3A_490 : memref<8x1024xf32, #tpu.memory_space<hbm>>)
      } else {
      }
      %add3A_210 = arith.constant 2 : i32
      %add3A_211 = arith.addi %add3A_151, %add3A_210 : i32
      %dma_start3A_212 = arith.constant 2 : i32
      %dma_start3A_213 = arith.constant 0 : i32
      %dma_start3A_214 = arith.constant 0 : i32
      %dma_start3A_215 = tpu.memref_slice %arg7[%dma_start3A_212, %dma_start3A_213, %dma_start3A_214] : memref<4x128x64xf32, #tpu.memory_space<vmem>> -> memref<1x128x64xf32, #tpu.memory_space<vmem>>
      %dma_start3A_216 = tpu.memref_squeeze %dma_start3A_215 : memref<1x128x64xf32, #tpu.memory_space<vmem>> -> memref<128x64xf32, #tpu.memory_space<vmem>>
      %dma_start3A_217 = arith.constant 0 : i32
      %dma_start3A_218 = tpu.memref_slice %arg6[%add3A_211, %dma_start3A_217] : memref<200x128xi32, #tpu.memory_space<vmem>> -> memref<1x128xi32, #tpu.memory_space<vmem>>
      %dma_start3A_219 = tpu.memref_squeeze %dma_start3A_218 : memref<1x128xi32, #tpu.memory_space<vmem>> -> memref<128xi32, #tpu.memory_space<vmem>>
      %dma_start3A_220 = arith.constant 0 : i32
      %dma_start3A_221 = arith.constant 0 : i32
      %dma_start3A_222 = tpu.memref_slice %arg3[%dma_start3A_220, %dma_start3A_221] : memref<1000000x64xf32, #tpu.memory_space<hbm>> -> memref<1000000x64xf32, #tpu.memory_space<hbm>>
      tpu.enqueue_indirect_dma source(%dma_start3A_222 : memref<1000000x64xf32, #tpu.memory_space<hbm>>) target(%dma_start3A_216 : memref<128x64xf32, #tpu.memory_space<vmem>>) offsets(%dma_start3A_219 : memref<128xi32, #tpu.memory_space<vmem>>) semaphore(%arg13 : memref<!tpu.dma_semaphore, #tpu.memory_space<semaphore_mem>>)
      %mul3A_223 = arith.constant 4 : i32
      %mul3A_224 = arith.muli %mul3A_223, %scan3A_147 : i32
      %add3A_225 = arith.constant 1 : i32
      %add3A_226 = arith.addi %mul3A_224, %add3A_225 : i32
      %dma_wait3A_227 = arith.constant 1 : i32
      %dma_wait3A_228 = arith.constant 0 : i32
      %dma_wait3A_229 = arith.constant 0 : i32
      %dma_wait3A_230 = tpu.memref_slice %arg7[%dma_wait3A_227, %dma_wait3A_228, %dma_wait3A_229] : memref<4x128x64xf32, #tpu.memory_space<vmem>> -> memref<1x128x64xf32, #tpu.memory_space<vmem>>
      %dma_wait3A_231 = tpu.memref_squeeze %dma_wait3A_230 : memref<1x128x64xf32, #tpu.memory_space<vmem>> -> memref<128x64xf32, #tpu.memory_space<vmem>>
      %dma_wait3A_232 = arith.constant 0 : i32
      %dma_wait3A_233 = tpu.memref_slice %arg6[%add3A_226, %dma_wait3A_232] : memref<200x128xi32, #tpu.memory_space<vmem>> -> memref<1x128xi32, #tpu.memory_space<vmem>>
      %dma_wait3A_234 = tpu.memref_squeeze %dma_wait3A_233 : memref<1x128xi32, #tpu.memory_space<vmem>> -> memref<128xi32, #tpu.memory_space<vmem>>
      %dma_wait3A_235 = arith.constant 0 : i32
      %dma_wait3A_236 = arith.constant 0 : i32
      %dma_wait3A_237 = tpu.memref_slice %arg3[%dma_wait3A_235, %dma_wait3A_236] : memref<1000000x64xf32, #tpu.memory_space<hbm>> -> memref<1000000x64xf32, #tpu.memory_space<hbm>>
      tpu.wait_indirect_dma semaphore(%arg12 : memref<!tpu.dma_semaphore, #tpu.memory_space<semaphore_mem>>) src(%dma_wait3A_237 : memref<1000000x64xf32, #tpu.memory_space<hbm>>) dst(%dma_wait3A_231 : memref<128x64xf32, #tpu.memory_space<vmem>>)
      %get3A_238 = arith.index_cast %add3A_226 : i32 to index
      %get3A_239 = arith.constant 0 : index
      %get3A_240 = tpu.vector_load %arg9[%get3A_238, %get3A_239] {strides = array<i32>} : memref<200x64xf32, #tpu.memory_space<vmem>>, vector<16xf32>,
      %swap3A_241 = arith.constant 0 : index
      %swap3A_242 = tpu.vector_load %arg10[%swap3A_241] {strides = array<i32>} : memref<128xf32, #tpu.memory_space<vmem>>, vector<16xf32>,
      tpu.vector_store %arg10[%swap3A_241], %get3A_240 {strides = array<i32>} : memref<128xf32, #tpu.memory_space<vmem>>, vector<16xf32>,
      %swap3A_243 = arith.constant 64 : index
      %swap3A_244 = tpu.vector_load %arg10[%swap3A_243] {strides = array<i32>} : memref<128xf32, #tpu.memory_space<vmem>>, vector<16xf32>,
      tpu.vector_store %arg10[%swap3A_243], %get3A_240 {strides = array<i32>} : memref<128xf32, #tpu.memory_space<vmem>>, vector<16xf32>,
      %get3A_245 = arith.index_cast %add3A_226 : i32 to index
      %get3A_246 = arith.constant 16 : index
      %get3A_247 = tpu.vector_load %arg9[%get3A_245, %get3A_246] {strides = array<i32>} : memref<200x64xf32, #tpu.memory_space<vmem>>, vector<16xf32>,
      %swap3A_248 = arith.constant 16 : index
      %swap3A_249 = tpu.vector_load %arg10[%swap3A_248] {strides = array<i32>} : memref<128xf32, #tpu.memory_space<vmem>>, vector<16xf32>,
      tpu.vector_store %arg10[%swap3A_248], %get3A_247 {strides = array<i32>} : memref<128xf32, #tpu.memory_space<vmem>>, vector<16xf32>,
      %swap3A_250 = arith.constant 80 : index
      %swap3A_251 = tpu.vector_load %arg10[%swap3A_250] {strides = array<i32>} : memref<128xf32, #tpu.memory_space<vmem>>, vector<16xf32>,
      tpu.vector_store %arg10[%swap3A_250], %get3A_247 {strides = array<i32>} : memref<128xf32, #tpu.memory_space<vmem>>, vector<16xf32>,
      %get3A_252 = arith.index_cast %add3A_226 : i32 to index
      %get3A_253 = arith.constant 32 : index
      %get3A_254 = tpu.vector_load %arg9[%get3A_252, %get3A_253] {strides = array<i32>} : memref<200x64xf32, #tpu.memory_space<vmem>>, vector<16xf32>,
      %swap3A_255 = arith.constant 32 : index
      %swap3A_256 = tpu.vector_load %arg10[%swap3A_255] {strides = array<i32>} : memref<128xf32, #tpu.memory_space<vmem>>, vector<16xf32>,
      tpu.vector_store %arg10[%swap3A_255], %get3A_254 {strides = array<i32>} : memref<128xf32, #tpu.memory_space<vmem>>, vector<16xf32>,
      %swap3A_257 = arith.constant 96 : index
      %swap3A_258 = tpu.vector_load %arg10[%swap3A_257] {strides = array<i32>} : memref<128xf32, #tpu.memory_space<vmem>>, vector<16xf32>,
      tpu.vector_store %arg10[%swap3A_257], %get3A_254 {strides = array<i32>} : memref<128xf32, #tpu.memory_space<vmem>>, vector<16xf32>,
      %get3A_259 = arith.index_cast %add3A_226 : i32 to index
      %get3A_260 = arith.constant 48 : index
      %get3A_261 = tpu.vector_load %arg9[%get3A_259, %get3A_260] {strides = array<i32>} : memref<200x64xf32, #tpu.memory_space<vmem>>, vector<16xf32>,
      %swap3A_262 = arith.constant 48 : index
      %swap3A_263 = tpu.vector_load %arg10[%swap3A_262] {strides = array<i32>} : memref<128xf32, #tpu.memory_space<vmem>>, vector<16xf32>,
      tpu.vector_store %arg10[%swap3A_262], %get3A_261 {strides = array<i32>} : memref<128xf32, #tpu.memory_space<vmem>>, vector<16xf32>,
      %swap3A_264 = arith.constant 112 : index
      %swap3A_265 = tpu.vector_load %arg10[%swap3A_264] {strides = array<i32>} : memref<128xf32, #tpu.memory_space<vmem>>, vector<16xf32>,
      tpu.vector_store %arg10[%swap3A_264], %get3A_261 {strides = array<i32>} : memref<128xf32, #tpu.memory_space<vmem>>, vector<16xf32>,
      %parallel_loop3A_266 = arith.constant 0 : i32
      %parallel_loop3A_267 = arith.constant 64 : i32
      %parallel_loop3A_268 = arith.constant 1 : i32
      scf.for %parallel_loop3A_476 = %parallel_loop3A_266 to %parallel_loop3A_267 step %parallel_loop3A_268  : i32 {
        %parallel_loop3A_477 = vector.broadcast %parallel_loop3A_476 : i32 to vector<16xi32>
        %parallel_loop3A_478 = arith.addi %parallel_loop3A_477, %iota3A : vector<16xi32>
        %parallel_loop3A_479 = arith.constant 63 : i32
        %parallel_loop3A_480 = vector.broadcast %parallel_loop3A_479 : i32 to vector<16xi32>
        %parallel_loop3A_481 = arith.andi %parallel_loop3A_478, %parallel_loop3A_480 : vector<16xi32>
        %parallel_loop3A_482 = arith.index_cast %parallel_loop3A_476 : i32 to index
        %parallel_loop3A_483 = tpu.vector_load %arg10[%parallel_loop3A_482] {strides = array<i32>} : memref<128xf32, #tpu.memory_space<vmem>>, vector<16xf32>,
        %parallel_loop3A_484 = arith.constant 3 : i32
        %parallel_loop3A_485 = vector.broadcast %parallel_loop3A_484 : i32 to vector<16xi32>
        %parallel_loop3A_486 = arith.shrsi %parallel_loop3A_481, %parallel_loop3A_485 : vector<16xi32>
        %parallel_loop3A_487 = arith.constant 7 : i32
        %parallel_loop3A_488 = vector.broadcast %parallel_loop3A_487 : i32 to vector<16xi32>
        %parallel_loop3A_489 = arith.andi %parallel_loop3A_481, %parallel_loop3A_488 : vector<16xi32>
        %parallel_loop3A_490 = arith.constant 7 : i32
        %parallel_loop3A_491 = vector.broadcast %parallel_loop3A_490 : i32 to vector<16xi32>
        %parallel_loop3A_492 = arith.shli %parallel_loop3A_489, %parallel_loop3A_491 : vector<16xi32>
        %parallel_loop3A_493 = tpu.vector_load_idx %arg7[%broadcast_in_dim3A_100, %add3A_28, %parallel_loop3A_481] masked %broadcast_in_dim3A_106 : memref<4x128x64xf32, #tpu.memory_space<vmem>>[vector<16xi32>, vector<16xi32>, vector<16xi32>], vector<16xf32>, vector<16xi1>
        %parallel_loop3A_494 = tpu.vector_load_idx %arg7[%broadcast_in_dim3A_100, %add3A_31, %parallel_loop3A_481] masked %broadcast_in_dim3A_106 : memref<4x128x64xf32, #tpu.memory_space<vmem>>[vector<16xi32>, vector<16xi32>, vector<16xi32>], vector<16xf32>, vector<16xi1>
        %parallel_loop3A_495 = tpu.vector_load_idx %arg7[%broadcast_in_dim3A_100, %add3A_34, %parallel_loop3A_481] masked %broadcast_in_dim3A_106 : memref<4x128x64xf32, #tpu.memory_space<vmem>>[vector<16xi32>, vector<16xi32>, vector<16xi32>], vector<16xf32>, vector<16xi1>
        %parallel_loop3A_496 = tpu.vector_load_idx %arg7[%broadcast_in_dim3A_100, %add3A_37, %parallel_loop3A_481] masked %broadcast_in_dim3A_106 : memref<4x128x64xf32, #tpu.memory_space<vmem>>[vector<16xi32>, vector<16xi32>, vector<16xi32>], vector<16xf32>, vector<16xi1>
        %parallel_loop3A_497 = tpu.vector_load_idx %arg7[%broadcast_in_dim3A_100, %add3A_40, %parallel_loop3A_481] masked %broadcast_in_dim3A_106 : memref<4x128x64xf32, #tpu.memory_space<vmem>>[vector<16xi32>, vector<16xi32>, vector<16xi32>], vector<16xf32>, vector<16xi1>
        %parallel_loop3A_498 = tpu.vector_load_idx %arg7[%broadcast_in_dim3A_100, %add3A_43, %parallel_loop3A_481] masked %broadcast_in_dim3A_106 : memref<4x128x64xf32, #tpu.memory_space<vmem>>[vector<16xi32>, vector<16xi32>, vector<16xi32>], vector<16xf32>, vector<16xi1>
        %parallel_loop3A_499 = tpu.vector_load_idx %arg7[%broadcast_in_dim3A_100, %add3A_46, %parallel_loop3A_481] masked %broadcast_in_dim3A_106 : memref<4x128x64xf32, #tpu.memory_space<vmem>>[vector<16xi32>, vector<16xi32>, vector<16xi32>], vector<16xf32>, vector<16xi1>
        %parallel_loop3A_500 = tpu.vector_load_idx %arg7[%broadcast_in_dim3A_100, %add3A_49, %parallel_loop3A_481] masked %broadcast_in_dim3A_106 : memref<4x128x64xf32, #tpu.memory_space<vmem>>[vector<16xi32>, vector<16xi32>, vector<16xi32>], vector<16xf32>, vector<16xi1>
        %parallel_loop3A_501 = arith.addi %parallel_loop3A_492, %add3A_28 : vector<16xi32>
        %parallel_loop3A_502 = arith.addf %parallel_loop3A_493, %parallel_loop3A_483 : vector<16xf32>
        tpu.vector_store_idx %arg8[%broadcast_in_dim3A_100, %parallel_loop3A_486, %parallel_loop3A_501], %parallel_loop3A_502 masked %broadcast_in_dim3A_106 : memref<4x8x1024xf32, #tpu.memory_space<vmem>>[vector<16xi32>, vector<16xi32>, vector<16xi32>], vector<16xf32>, vector<16xi1>
        %parallel_loop3A_503 = arith.addi %parallel_loop3A_492, %add3A_31 : vector<16xi32>
        %parallel_loop3A_504 = arith.addf %parallel_loop3A_494, %parallel_loop3A_483 : vector<16xf32>
        tpu.vector_store_idx %arg8[%broadcast_in_dim3A_100, %parallel_loop3A_486, %parallel_loop3A_503], %parallel_loop3A_504 masked %broadcast_in_dim3A_106 : memref<4x8x1024xf32, #tpu.memory_space<vmem>>[vector<16xi32>, vector<16xi32>, vector<16xi32>], vector<16xf32>, vector<16xi1>
        %parallel_loop3A_505 = arith.addi %parallel_loop3A_492, %add3A_34 : vector<16xi32>
        %parallel_loop3A_506 = arith.addf %parallel_loop3A_495, %parallel_loop3A_483 : vector<16xf32>
        tpu.vector_store_idx %arg8[%broadcast_in_dim3A_100, %parallel_loop3A_486, %parallel_loop3A_505], %parallel_loop3A_506 masked %broadcast_in_dim3A_106 : memref<4x8x1024xf32, #tpu.memory_space<vmem>>[vector<16xi32>, vector<16xi32>, vector<16xi32>], vector<16xf32>, vector<16xi1>
        %parallel_loop3A_507 = arith.addi %parallel_loop3A_492, %add3A_37 : vector<16xi32>
        %parallel_loop3A_508 = arith.addf %parallel_loop3A_496, %parallel_loop3A_483 : vector<16xf32>
        tpu.vector_store_idx %arg8[%broadcast_in_dim3A_100, %parallel_loop3A_486, %parallel_loop3A_507], %parallel_loop3A_508 masked %broadcast_in_dim3A_106 : memref<4x8x1024xf32, #tpu.memory_space<vmem>>[vector<16xi32>, vector<16xi32>, vector<16xi32>], vector<16xf32>, vector<16xi1>
        %parallel_loop3A_509 = arith.addi %parallel_loop3A_492, %add3A_40 : vector<16xi32>
        %parallel_loop3A_510 = arith.addf %parallel_loop3A_497, %parallel_loop3A_483 : vector<16xf32>
        tpu.vector_store_idx %arg8[%broadcast_in_dim3A_100, %parallel_loop3A_486, %parallel_loop3A_509], %parallel_loop3A_510 masked %broadcast_in_dim3A_106 : memref<4x8x1024xf32, #tpu.memory_space<vmem>>[vector<16xi32>, vector<16xi32>, vector<16xi32>], vector<16xf32>, vector<16xi1>
        %parallel_loop3A_511 = arith.addi %parallel_loop3A_492, %add3A_43 : vector<16xi32>
        %parallel_loop3A_512 = arith.addf %parallel_loop3A_498, %parallel_loop3A_483 : vector<16xf32>
        tpu.vector_store_idx %arg8[%broadcast_in_dim3A_100, %parallel_loop3A_486, %parallel_loop3A_511], %parallel_loop3A_512 masked %broadcast_in_dim3A_106 : memref<4x8x1024xf32, #tpu.memory_space<vmem>>[vector<16xi32>, vector<16xi32>, vector<16xi32>], vector<16xf32>, vector<16xi1>
        %parallel_loop3A_513 = arith.addi %parallel_loop3A_492, %add3A_46 : vector<16xi32>
        %parallel_loop3A_514 = arith.addf %parallel_loop3A_499, %parallel_loop3A_483 : vector<16xf32>
        tpu.vector_store_idx %arg8[%broadcast_in_dim3A_100, %parallel_loop3A_486, %parallel_loop3A_513], %parallel_loop3A_514 masked %broadcast_in_dim3A_106 : memref<4x8x1024xf32, #tpu.memory_space<vmem>>[vector<16xi32>, vector<16xi32>, vector<16xi32>], vector<16xf32>, vector<16xi1>
        %parallel_loop3A_515 = arith.addi %parallel_loop3A_492, %add3A_49 : vector<16xi32>
        %parallel_loop3A_516 = arith.addf %parallel_loop3A_500, %parallel_loop3A_483 : vector<16xf32>
        tpu.vector_store_idx %arg8[%broadcast_in_dim3A_100, %parallel_loop3A_486, %parallel_loop3A_515], %parallel_loop3A_516 masked %broadcast_in_dim3A_106 : memref<4x8x1024xf32, #tpu.memory_space<vmem>>[vector<16xi32>, vector<16xi32>, vector<16xi32>], vector<16xf32>, vector<16xi1>
      } {sc.loop_unroll_factor = 4 : i64, sc.parallel_access}
      %dma_start3A_269 = arith.constant 1 : i32
      %dma_start3A_270 = arith.constant 0 : i32
      %dma_start3A_271 = arith.constant 0 : i32
      %dma_start3A_272 = tpu.memref_slice %arg8[%dma_start3A_269, %dma_start3A_270, %dma_start3A_271] : memref<4x8x1024xf32, #tpu.memory_space<vmem>> -> memref<1x8x1024xf32, #tpu.memory_space<vmem>>
      %dma_start3A_273 = tpu.memref_squeeze %dma_start3A_272 : memref<1x8x1024xf32, #tpu.memory_space<vmem>> -> memref<8x1024xf32, #tpu.memory_space<vmem>>
      %dma_start3A_274 = arith.constant 0 : i32
      %dma_start3A_275 = arith.constant 0 : i32
      %dma_start3A_276 = tpu.memref_slice %arg5[%add3A_226, %dma_start3A_274, %add3A, %dma_start3A_275] : memref<200x8x32x1024xf32, #tpu.memory_space<hbm>> -> memref<1x8x1x1024xf32, #tpu.memory_space<hbm>>
      %dma_start3A_277 = tpu.memref_squeeze %dma_start3A_276 : memref<1x8x1x1024xf32, #tpu.memory_space<hbm>> -> memref<8x1024xf32, #tpu.memory_space<hbm>>
      %dma_start3A_278 = arith.constant 0 : i32
      %dma_start3A_279 = arith.constant 0 : i32
      %dma_start3A_280 = tpu.memref_slice %arg5[%add3A_226, %dma_start3A_278, %add3A, %dma_start3A_279] : memref<200x8x32x1024xf32, #tpu.memory_space<hbm>> -> memref<1x8x1x1024xf32, #tpu.memory_space<hbm>>
      %dma_start3A_281 = tpu.memref_squeeze %dma_start3A_280 : memref<1x8x1x1024xf32, #tpu.memory_space<hbm>> -> memref<8x1024xf32, #tpu.memory_space<hbm>>
      %dma_start3A_282 = arith.constant 0 : i32
      %dma_start3A_283 = arith.constant 0 : i32
      %dma_start3A_284 = tpu.memref_slice %arg8[%dma_start3A_269, %dma_start3A_282, %dma_start3A_283] : memref<4x8x1024xf32, #tpu.memory_space<vmem>> -> memref<1x8x1024xf32, #tpu.memory_space<vmem>>
      %dma_start3A_285 = tpu.memref_squeeze %dma_start3A_284 : memref<1x8x1024xf32, #tpu.memory_space<vmem>> -> memref<8x1024xf32, #tpu.memory_space<vmem>>
      tpu.enqueue_dma source(%dma_start3A_285 : memref<8x1024xf32, #tpu.memory_space<vmem>>) target(%dma_start3A_281 : memref<8x1024xf32, #tpu.memory_space<hbm>>) target_semaphore(%arg16 : memref<!tpu.dma_semaphore, #tpu.memory_space<semaphore_mem>>)
      %ge3A_286 = arith.constant 1 : i32
      %ge3A_287 = arith.cmpi sge, %scan3A_147, %ge3A_286 : i32
      %convert_element_type3A_288 = arith.extui %ge3A_287 : i1 to i32
      %cond3A_289 = arith.constant 0 : i32
      %cond3A_290 = arith.cmpi ne, %convert_element_type3A_288, %cond3A_289 : i32
      scf.if %cond3A_290 {
        %sub3A_476 = arith.constant 2 : i32
        %sub3A_477 = arith.subi %add3A_226, %sub3A_476 : i32
        %dma_wait3A_478 = arith.constant 3 : i32
        %dma_wait3A_479 = arith.constant 0 : i32
        %dma_wait3A_480 = arith.constant 0 : i32
        %dma_wait3A_481 = tpu.memref_slice %arg8[%dma_wait3A_478, %dma_wait3A_479, %dma_wait3A_480] : memref<4x8x1024xf32, #tpu.memory_space<vmem>> -> memref<1x8x1024xf32, #tpu.memory_space<vmem>>
        %dma_wait3A_482 = tpu.memref_squeeze %dma_wait3A_481 : memref<1x8x1024xf32, #tpu.memory_space<vmem>> -> memref<8x1024xf32, #tpu.memory_space<vmem>>
        %dma_wait3A_483 = arith.constant 0 : i32
        %dma_wait3A_484 = arith.constant 0 : i32
        %dma_wait3A_485 = tpu.memref_slice %arg5[%sub3A_477, %dma_wait3A_483, %add3A, %dma_wait3A_484] : memref<200x8x32x1024xf32, #tpu.memory_space<hbm>> -> memref<1x8x1x1024xf32, #tpu.memory_space<hbm>>
        %dma_wait3A_486 = tpu.memref_squeeze %dma_wait3A_485 : memref<1x8x1x1024xf32, #tpu.memory_space<hbm>> -> memref<8x1024xf32, #tpu.memory_space<hbm>>
        %dma_wait3A_487 = arith.constant 0 : i32
        %dma_wait3A_488 = arith.constant 0 : i32
        %dma_wait3A_489 = tpu.memref_slice %arg5[%sub3A_477, %dma_wait3A_487, %add3A, %dma_wait3A_488] : memref<200x8x32x1024xf32, #tpu.memory_space<hbm>> -> memref<1x8x1x1024xf32, #tpu.memory_space<hbm>>
        %dma_wait3A_490 = tpu.memref_squeeze %dma_wait3A_489 : memref<1x8x1x1024xf32, #tpu.memory_space<hbm>> -> memref<8x1024xf32, #tpu.memory_space<hbm>>
        %dma_wait3A_491 = arith.constant 0 : i32
        %dma_wait3A_492 = arith.constant 0 : i32
        %dma_wait3A_493 = tpu.memref_slice %arg8[%dma_wait3A_478, %dma_wait3A_491, %dma_wait3A_492] : memref<4x8x1024xf32, #tpu.memory_space<vmem>> -> memref<1x8x1024xf32, #tpu.memory_space<vmem>>
        %dma_wait3A_494 = tpu.memref_squeeze %dma_wait3A_493 : memref<1x8x1024xf32, #tpu.memory_space<vmem>> -> memref<8x1024xf32, #tpu.memory_space<vmem>>
        tpu.wait_dma2 semaphore(%arg18 : memref<!tpu.dma_semaphore, #tpu.memory_space<semaphore_mem>>) src(%dma_wait3A_494 : memref<8x1024xf32, #tpu.memory_space<vmem>>) dst(%dma_wait3A_490 : memref<8x1024xf32, #tpu.memory_space<hbm>>)
      } else {
      }
      %add3A_291 = arith.constant 2 : i32
      %add3A_292 = arith.addi %add3A_226, %add3A_291 : i32
      %dma_start3A_293 = arith.constant 3 : i32
      %dma_start3A_294 = arith.constant 0 : i32
      %dma_start3A_295 = arith.constant 0 : i32
      %dma_start3A_296 = tpu.memref_slice %arg7[%dma_start3A_293, %dma_start3A_294, %dma_start3A_295] : memref<4x128x64xf32, #tpu.memory_space<vmem>> -> memref<1x128x64xf32, #tpu.memory_space<vmem>>
      %dma_start3A_297 = tpu.memref_squeeze %dma_start3A_296 : memref<1x128x64xf32, #tpu.memory_space<vmem>> -> memref<128x64xf32, #tpu.memory_space<vmem>>
      %dma_start3A_298 = arith.constant 0 : i32
      %dma_start3A_299 = tpu.memref_slice %arg6[%add3A_292, %dma_start3A_298] : memref<200x128xi32, #tpu.memory_space<vmem>> -> memref<1x128xi32, #tpu.memory_space<vmem>>
      %dma_start3A_300 = tpu.memref_squeeze %dma_start3A_299 : memref<1x128xi32, #tpu.memory_space<vmem>> -> memref<128xi32, #tpu.memory_space<vmem>>
      %dma_start3A_301 = arith.constant 0 : i32
      %dma_start3A_302 = arith.constant 0 : i32
      %dma_start3A_303 = tpu.memref_slice %arg3[%dma_start3A_301, %dma_start3A_302] : memref<1000000x64xf32, #tpu.memory_space<hbm>> -> memref<1000000x64xf32, #tpu.memory_space<hbm>>
      tpu.enqueue_indirect_dma source(%dma_start3A_303 : memref<1000000x64xf32, #tpu.memory_space<hbm>>) target(%dma_start3A_297 : memref<128x64xf32, #tpu.memory_space<vmem>>) offsets(%dma_start3A_300 : memref<128xi32, #tpu.memory_space<vmem>>) semaphore(%arg14 : memref<!tpu.dma_semaphore, #tpu.memory_space<semaphore_mem>>)
      %mul3A_304 = arith.constant 4 : i32
      %mul3A_305 = arith.muli %mul3A_304, %scan3A_147 : i32
      %add3A_306 = arith.constant 2 : i32
      %add3A_307 = arith.addi %mul3A_305, %add3A_306 : i32
      %dma_wait3A_308 = arith.constant 2 : i32
      %dma_wait3A_309 = arith.constant 0 : i32
      %dma_wait3A_310 = arith.constant 0 : i32
      %dma_wait3A_311 = tpu.memref_slice %arg7[%dma_wait3A_308, %dma_wait3A_309, %dma_wait3A_310] : memref<4x128x64xf32, #tpu.memory_space<vmem>> -> memref<1x128x64xf32, #tpu.memory_space<vmem>>
      %dma_wait3A_312 = tpu.memref_squeeze %dma_wait3A_311 : memref<1x128x64xf32, #tpu.memory_space<vmem>> -> memref<128x64xf32, #tpu.memory_space<vmem>>
      %dma_wait3A_313 = arith.constant 0 : i32
      %dma_wait3A_314 = tpu.memref_slice %arg6[%add3A_307, %dma_wait3A_313] : memref<200x128xi32, #tpu.memory_space<vmem>> -> memref<1x128xi32, #tpu.memory_space<vmem>>
      %dma_wait3A_315 = tpu.memref_squeeze %dma_wait3A_314 : memref<1x128xi32, #tpu.memory_space<vmem>> -> memref<128xi32, #tpu.memory_space<vmem>>
      %dma_wait3A_316 = arith.constant 0 : i32
      %dma_wait3A_317 = arith.constant 0 : i32
      %dma_wait3A_318 = tpu.memref_slice %arg3[%dma_wait3A_316, %dma_wait3A_317] : memref<1000000x64xf32, #tpu.memory_space<hbm>> -> memref<1000000x64xf32, #tpu.memory_space<hbm>>
      tpu.wait_indirect_dma semaphore(%arg13 : memref<!tpu.dma_semaphore, #tpu.memory_space<semaphore_mem>>) src(%dma_wait3A_318 : memref<1000000x64xf32, #tpu.memory_space<hbm>>) dst(%dma_wait3A_312 : memref<128x64xf32, #tpu.memory_space<vmem>>)
      %get3A_319 = arith.index_cast %add3A_307 : i32 to index
      %get3A_320 = arith.constant 0 : index
      %get3A_321 = tpu.vector_load %arg9[%get3A_319, %get3A_320] {strides = array<i32>} : memref<200x64xf32, #tpu.memory_space<vmem>>, vector<16xf32>,
      %swap3A_322 = arith.constant 0 : index
      %swap3A_323 = tpu.vector_load %arg10[%swap3A_322] {strides = array<i32>} : memref<128xf32, #tpu.memory_space<vmem>>, vector<16xf32>,
      tpu.vector_store %arg10[%swap3A_322], %get3A_321 {strides = array<i32>} : memref<128xf32, #tpu.memory_space<vmem>>, vector<16xf32>,
      %swap3A_324 = arith.constant 64 : index
      %swap3A_325 = tpu.vector_load %arg10[%swap3A_324] {strides = array<i32>} : memref<128xf32, #tpu.memory_space<vmem>>, vector<16xf32>,
      tpu.vector_store %arg10[%swap3A_324], %get3A_321 {strides = array<i32>} : memref<128xf32, #tpu.memory_space<vmem>>, vector<16xf32>,
      %get3A_326 = arith.index_cast %add3A_307 : i32 to index
      %get3A_327 = arith.constant 16 : index
      %get3A_328 = tpu.vector_load %arg9[%get3A_326, %get3A_327] {strides = array<i32>} : memref<200x64xf32, #tpu.memory_space<vmem>>, vector<16xf32>,
      %swap3A_329 = arith.constant 16 : index
      %swap3A_330 = tpu.vector_load %arg10[%swap3A_329] {strides = array<i32>} : memref<128xf32, #tpu.memory_space<vmem>>, vector<16xf32>,
      tpu.vector_store %arg10[%swap3A_329], %get3A_328 {strides = array<i32>} : memref<128xf32, #tpu.memory_space<vmem>>, vector<16xf32>,
      %swap3A_331 = arith.constant 80 : index
      %swap3A_332 = tpu.vector_load %arg10[%swap3A_331] {strides = array<i32>} : memref<128xf32, #tpu.memory_space<vmem>>, vector<16xf32>,
      tpu.vector_store %arg10[%swap3A_331], %get3A_328 {strides = array<i32>} : memref<128xf32, #tpu.memory_space<vmem>>, vector<16xf32>,
      %get3A_333 = arith.index_cast %add3A_307 : i32 to index
      %get3A_334 = arith.constant 32 : index
      %get3A_335 = tpu.vector_load %arg9[%get3A_333, %get3A_334] {strides = array<i32>} : memref<200x64xf32, #tpu.memory_space<vmem>>, vector<16xf32>,
      %swap3A_336 = arith.constant 32 : index
      %swap3A_337 = tpu.vector_load %arg10[%swap3A_336] {strides = array<i32>} : memref<128xf32, #tpu.memory_space<vmem>>, vector<16xf32>,
      tpu.vector_store %arg10[%swap3A_336], %get3A_335 {strides = array<i32>} : memref<128xf32, #tpu.memory_space<vmem>>, vector<16xf32>,
      %swap3A_338 = arith.constant 96 : index
      %swap3A_339 = tpu.vector_load %arg10[%swap3A_338] {strides = array<i32>} : memref<128xf32, #tpu.memory_space<vmem>>, vector<16xf32>,
      tpu.vector_store %arg10[%swap3A_338], %get3A_335 {strides = array<i32>} : memref<128xf32, #tpu.memory_space<vmem>>, vector<16xf32>,
      %get3A_340 = arith.index_cast %add3A_307 : i32 to index
      %get3A_341 = arith.constant 48 : index
      %get3A_342 = tpu.vector_load %arg9[%get3A_340, %get3A_341] {strides = array<i32>} : memref<200x64xf32, #tpu.memory_space<vmem>>, vector<16xf32>,
      %swap3A_343 = arith.constant 48 : index
      %swap3A_344 = tpu.vector_load %arg10[%swap3A_343] {strides = array<i32>} : memref<128xf32, #tpu.memory_space<vmem>>, vector<16xf32>,
      tpu.vector_store %arg10[%swap3A_343], %get3A_342 {strides = array<i32>} : memref<128xf32, #tpu.memory_space<vmem>>, vector<16xf32>,
      %swap3A_345 = arith.constant 112 : index
      %swap3A_346 = tpu.vector_load %arg10[%swap3A_345] {strides = array<i32>} : memref<128xf32, #tpu.memory_space<vmem>>, vector<16xf32>,
      tpu.vector_store %arg10[%swap3A_345], %get3A_342 {strides = array<i32>} : memref<128xf32, #tpu.memory_space<vmem>>, vector<16xf32>,
      %parallel_loop3A_347 = arith.constant 0 : i32
      %parallel_loop3A_348 = arith.constant 64 : i32
      %parallel_loop3A_349 = arith.constant 1 : i32
      scf.for %parallel_loop3A_476 = %parallel_loop3A_347 to %parallel_loop3A_348 step %parallel_loop3A_349  : i32 {
        %parallel_loop3A_477 = vector.broadcast %parallel_loop3A_476 : i32 to vector<16xi32>
        %parallel_loop3A_478 = arith.addi %parallel_loop3A_477, %iota3A : vector<16xi32>
        %parallel_loop3A_479 = arith.constant 63 : i32
        %parallel_loop3A_480 = vector.broadcast %parallel_loop3A_479 : i32 to vector<16xi32>
        %parallel_loop3A_481 = arith.andi %parallel_loop3A_478, %parallel_loop3A_480 : vector<16xi32>
        %parallel_loop3A_482 = arith.index_cast %parallel_loop3A_476 : i32 to index
        %parallel_loop3A_483 = tpu.vector_load %arg10[%parallel_loop3A_482] {strides = array<i32>} : memref<128xf32, #tpu.memory_space<vmem>>, vector<16xf32>,
        %parallel_loop3A_484 = arith.constant 3 : i32
        %parallel_loop3A_485 = vector.broadcast %parallel_loop3A_484 : i32 to vector<16xi32>
        %parallel_loop3A_486 = arith.shrsi %parallel_loop3A_481, %parallel_loop3A_485 : vector<16xi32>
        %parallel_loop3A_487 = arith.constant 7 : i32
        %parallel_loop3A_488 = vector.broadcast %parallel_loop3A_487 : i32 to vector<16xi32>
        %parallel_loop3A_489 = arith.andi %parallel_loop3A_481, %parallel_loop3A_488 : vector<16xi32>
        %parallel_loop3A_490 = arith.constant 7 : i32
        %parallel_loop3A_491 = vector.broadcast %parallel_loop3A_490 : i32 to vector<16xi32>
        %parallel_loop3A_492 = arith.shli %parallel_loop3A_489, %parallel_loop3A_491 : vector<16xi32>
        %parallel_loop3A_493 = tpu.vector_load_idx %arg7[%broadcast_in_dim3A_102, %add3A_28, %parallel_loop3A_481] masked %broadcast_in_dim3A_106 : memref<4x128x64xf32, #tpu.memory_space<vmem>>[vector<16xi32>, vector<16xi32>, vector<16xi32>], vector<16xf32>, vector<16xi1>
        %parallel_loop3A_494 = tpu.vector_load_idx %arg7[%broadcast_in_dim3A_102, %add3A_31, %parallel_loop3A_481] masked %broadcast_in_dim3A_106 : memref<4x128x64xf32, #tpu.memory_space<vmem>>[vector<16xi32>, vector<16xi32>, vector<16xi32>], vector<16xf32>, vector<16xi1>
        %parallel_loop3A_495 = tpu.vector_load_idx %arg7[%broadcast_in_dim3A_102, %add3A_34, %parallel_loop3A_481] masked %broadcast_in_dim3A_106 : memref<4x128x64xf32, #tpu.memory_space<vmem>>[vector<16xi32>, vector<16xi32>, vector<16xi32>], vector<16xf32>, vector<16xi1>
        %parallel_loop3A_496 = tpu.vector_load_idx %arg7[%broadcast_in_dim3A_102, %add3A_37, %parallel_loop3A_481] masked %broadcast_in_dim3A_106 : memref<4x128x64xf32, #tpu.memory_space<vmem>>[vector<16xi32>, vector<16xi32>, vector<16xi32>], vector<16xf32>, vector<16xi1>
        %parallel_loop3A_497 = tpu.vector_load_idx %arg7[%broadcast_in_dim3A_102, %add3A_40, %parallel_loop3A_481] masked %broadcast_in_dim3A_106 : memref<4x128x64xf32, #tpu.memory_space<vmem>>[vector<16xi32>, vector<16xi32>, vector<16xi32>], vector<16xf32>, vector<16xi1>
        %parallel_loop3A_498 = tpu.vector_load_idx %arg7[%broadcast_in_dim3A_102, %add3A_43, %parallel_loop3A_481] masked %broadcast_in_dim3A_106 : memref<4x128x64xf32, #tpu.memory_space<vmem>>[vector<16xi32>, vector<16xi32>, vector<16xi32>], vector<16xf32>, vector<16xi1>
        %parallel_loop3A_499 = tpu.vector_load_idx %arg7[%broadcast_in_dim3A_102, %add3A_46, %parallel_loop3A_481] masked %broadcast_in_dim3A_106 : memref<4x128x64xf32, #tpu.memory_space<vmem>>[vector<16xi32>, vector<16xi32>, vector<16xi32>], vector<16xf32>, vector<16xi1>
        %parallel_loop3A_500 = tpu.vector_load_idx %arg7[%broadcast_in_dim3A_102, %add3A_49, %parallel_loop3A_481] masked %broadcast_in_dim3A_106 : memref<4x128x64xf32, #tpu.memory_space<vmem>>[vector<16xi32>, vector<16xi32>, vector<16xi32>], vector<16xf32>, vector<16xi1>
        %parallel_loop3A_501 = arith.addi %parallel_loop3A_492, %add3A_28 : vector<16xi32>
        %parallel_loop3A_502 = arith.addf %parallel_loop3A_493, %parallel_loop3A_483 : vector<16xf32>
        tpu.vector_store_idx %arg8[%broadcast_in_dim3A_102, %parallel_loop3A_486, %parallel_loop3A_501], %parallel_loop3A_502 masked %broadcast_in_dim3A_106 : memref<4x8x1024xf32, #tpu.memory_space<vmem>>[vector<16xi32>, vector<16xi32>, vector<16xi32>], vector<16xf32>, vector<16xi1>
        %parallel_loop3A_503 = arith.addi %parallel_loop3A_492, %add3A_31 : vector<16xi32>
        %parallel_loop3A_504 = arith.addf %parallel_loop3A_494, %parallel_loop3A_483 : vector<16xf32>
        tpu.vector_store_idx %arg8[%broadcast_in_dim3A_102, %parallel_loop3A_486, %parallel_loop3A_503], %parallel_loop3A_504 masked %broadcast_in_dim3A_106 : memref<4x8x1024xf32, #tpu.memory_space<vmem>>[vector<16xi32>, vector<16xi32>, vector<16xi32>], vector<16xf32>, vector<16xi1>
        %parallel_loop3A_505 = arith.addi %parallel_loop3A_492, %add3A_34 : vector<16xi32>
        %parallel_loop3A_506 = arith.addf %parallel_loop3A_495, %parallel_loop3A_483 : vector<16xf32>
        tpu.vector_store_idx %arg8[%broadcast_in_dim3A_102, %parallel_loop3A_486, %parallel_loop3A_505], %parallel_loop3A_506 masked %broadcast_in_dim3A_106 : memref<4x8x1024xf32, #tpu.memory_space<vmem>>[vector<16xi32>, vector<16xi32>, vector<16xi32>], vector<16xf32>, vector<16xi1>
        %parallel_loop3A_507 = arith.addi %parallel_loop3A_492, %add3A_37 : vector<16xi32>
        %parallel_loop3A_508 = arith.addf %parallel_loop3A_496, %parallel_loop3A_483 : vector<16xf32>
        tpu.vector_store_idx %arg8[%broadcast_in_dim3A_102, %parallel_loop3A_486, %parallel_loop3A_507], %parallel_loop3A_508 masked %broadcast_in_dim3A_106 : memref<4x8x1024xf32, #tpu.memory_space<vmem>>[vector<16xi32>, vector<16xi32>, vector<16xi32>], vector<16xf32>, vector<16xi1>
        %parallel_loop3A_509 = arith.addi %parallel_loop3A_492, %add3A_40 : vector<16xi32>
        %parallel_loop3A_510 = arith.addf %parallel_loop3A_497, %parallel_loop3A_483 : vector<16xf32>
        tpu.vector_store_idx %arg8[%broadcast_in_dim3A_102, %parallel_loop3A_486, %parallel_loop3A_509], %parallel_loop3A_510 masked %broadcast_in_dim3A_106 : memref<4x8x1024xf32, #tpu.memory_space<vmem>>[vector<16xi32>, vector<16xi32>, vector<16xi32>], vector<16xf32>, vector<16xi1>
        %parallel_loop3A_511 = arith.addi %parallel_loop3A_492, %add3A_43 : vector<16xi32>
        %parallel_loop3A_512 = arith.addf %parallel_loop3A_498, %parallel_loop3A_483 : vector<16xf32>
        tpu.vector_store_idx %arg8[%broadcast_in_dim3A_102, %parallel_loop3A_486, %parallel_loop3A_511], %parallel_loop3A_512 masked %broadcast_in_dim3A_106 : memref<4x8x1024xf32, #tpu.memory_space<vmem>>[vector<16xi32>, vector<16xi32>, vector<16xi32>], vector<16xf32>, vector<16xi1>
        %parallel_loop3A_513 = arith.addi %parallel_loop3A_492, %add3A_46 : vector<16xi32>
        %parallel_loop3A_514 = arith.addf %parallel_loop3A_499, %parallel_loop3A_483 : vector<16xf32>
        tpu.vector_store_idx %arg8[%broadcast_in_dim3A_102, %parallel_loop3A_486, %parallel_loop3A_513], %parallel_loop3A_514 masked %broadcast_in_dim3A_106 : memref<4x8x1024xf32, #tpu.memory_space<vmem>>[vector<16xi32>, vector<16xi32>, vector<16xi32>], vector<16xf32>, vector<16xi1>
        %parallel_loop3A_515 = arith.addi %parallel_loop3A_492, %add3A_49 : vector<16xi32>
        %parallel_loop3A_516 = arith.addf %parallel_loop3A_500, %parallel_loop3A_483 : vector<16xf32>
        tpu.vector_store_idx %arg8[%broadcast_in_dim3A_102, %parallel_loop3A_486, %parallel_loop3A_515], %parallel_loop3A_516 masked %broadcast_in_dim3A_106 : memref<4x8x1024xf32, #tpu.memory_space<vmem>>[vector<16xi32>, vector<16xi32>, vector<16xi32>], vector<16xf32>, vector<16xi1>
      } {sc.loop_unroll_factor = 4 : i64, sc.parallel_access}
      %dma_start3A_350 = arith.constant 2 : i32
      %dma_start3A_351 = arith.constant 0 : i32
      %dma_start3A_352 = arith.constant 0 : i32
      %dma_start3A_353 = tpu.memref_slice %arg8[%dma_start3A_350, %dma_start3A_351, %dma_start3A_352] : memref<4x8x1024xf32, #tpu.memory_space<vmem>> -> memref<1x8x1024xf32, #tpu.memory_space<vmem>>
      %dma_start3A_354 = tpu.memref_squeeze %dma_start3A_353 : memref<1x8x1024xf32, #tpu.memory_space<vmem>> -> memref<8x1024xf32, #tpu.memory_space<vmem>>
      %dma_start3A_355 = arith.constant 0 : i32
      %dma_start3A_356 = arith.constant 0 : i32
      %dma_start3A_357 = tpu.memref_slice %arg5[%add3A_307, %dma_start3A_355, %add3A, %dma_start3A_356] : memref<200x8x32x1024xf32, #tpu.memory_space<hbm>> -> memref<1x8x1x1024xf32, #tpu.memory_space<hbm>>
      %dma_start3A_358 = tpu.memref_squeeze %dma_start3A_357 : memref<1x8x1x1024xf32, #tpu.memory_space<hbm>> -> memref<8x1024xf32, #tpu.memory_space<hbm>>
      %dma_start3A_359 = arith.constant 0 : i32
      %dma_start3A_360 = arith.constant 0 : i32
      %dma_start3A_361 = tpu.memref_slice %arg5[%add3A_307, %dma_start3A_359, %add3A, %dma_start3A_360] : memref<200x8x32x1024xf32, #tpu.memory_space<hbm>> -> memref<1x8x1x1024xf32, #tpu.memory_space<hbm>>
      %dma_start3A_362 = tpu.memref_squeeze %dma_start3A_361 : memref<1x8x1x1024xf32, #tpu.memory_space<hbm>> -> memref<8x1024xf32, #tpu.memory_space<hbm>>
      %dma_start3A_363 = arith.constant 0 : i32
      %dma_start3A_364 = arith.constant 0 : i32
      %dma_start3A_365 = tpu.memref_slice %arg8[%dma_start3A_350, %dma_start3A_363, %dma_start3A_364] : memref<4x8x1024xf32, #tpu.memory_space<vmem>> -> memref<1x8x1024xf32, #tpu.memory_space<vmem>>
      %dma_start3A_366 = tpu.memref_squeeze %dma_start3A_365 : memref<1x8x1024xf32, #tpu.memory_space<vmem>> -> memref<8x1024xf32, #tpu.memory_space<vmem>>
      tpu.enqueue_dma source(%dma_start3A_366 : memref<8x1024xf32, #tpu.memory_space<vmem>>) target(%dma_start3A_362 : memref<8x1024xf32, #tpu.memory_space<hbm>>) target_semaphore(%arg17 : memref<!tpu.dma_semaphore, #tpu.memory_space<semaphore_mem>>)
      %sub3A = arith.constant 2 : i32
      %sub3A_367 = arith.subi %add3A_307, %sub3A : i32
      %dma_wait3A_368 = arith.constant 0 : i32
      %dma_wait3A_369 = arith.constant 0 : i32
      %dma_wait3A_370 = arith.constant 0 : i32
      %dma_wait3A_371 = tpu.memref_slice %arg8[%dma_wait3A_368, %dma_wait3A_369, %dma_wait3A_370] : memref<4x8x1024xf32, #tpu.memory_space<vmem>> -> memref<1x8x1024xf32, #tpu.memory_space<vmem>>
      %dma_wait3A_372 = tpu.memref_squeeze %dma_wait3A_371 : memref<1x8x1024xf32, #tpu.memory_space<vmem>> -> memref<8x1024xf32, #tpu.memory_space<vmem>>
      %dma_wait3A_373 = arith.constant 0 : i32
      %dma_wait3A_374 = arith.constant 0 : i32
      %dma_wait3A_375 = tpu.memref_slice %arg5[%sub3A_367, %dma_wait3A_373, %add3A, %dma_wait3A_374] : memref<200x8x32x1024xf32, #tpu.memory_space<hbm>> -> memref<1x8x1x1024xf32, #tpu.memory_space<hbm>>
      %dma_wait3A_376 = tpu.memref_squeeze %dma_wait3A_375 : memref<1x8x1x1024xf32, #tpu.memory_space<hbm>> -> memref<8x1024xf32, #tpu.memory_space<hbm>>
      %dma_wait3A_377 = arith.constant 0 : i32
      %dma_wait3A_378 = arith.constant 0 : i32
      %dma_wait3A_379 = tpu.memref_slice %arg5[%sub3A_367, %dma_wait3A_377, %add3A, %dma_wait3A_378] : memref<200x8x32x1024xf32, #tpu.memory_space<hbm>> -> memref<1x8x1x1024xf32, #tpu.memory_space<hbm>>
      %dma_wait3A_380 = tpu.memref_squeeze %dma_wait3A_379 : memref<1x8x1x1024xf32, #tpu.memory_space<hbm>> -> memref<8x1024xf32, #tpu.memory_space<hbm>>
      %dma_wait3A_381 = arith.constant 0 : i32
      %dma_wait3A_382 = arith.constant 0 : i32
      %dma_wait3A_383 = tpu.memref_slice %arg8[%dma_wait3A_368, %dma_wait3A_381, %dma_wait3A_382] : memref<4x8x1024xf32, #tpu.memory_space<vmem>> -> memref<1x8x1024xf32, #tpu.memory_space<vmem>>
      %dma_wait3A_384 = tpu.memref_squeeze %dma_wait3A_383 : memref<1x8x1024xf32, #tpu.memory_space<vmem>> -> memref<8x1024xf32, #tpu.memory_space<vmem>>
      tpu.wait_dma2 semaphore(%arg15 : memref<!tpu.dma_semaphore, #tpu.memory_space<semaphore_mem>>) src(%dma_wait3A_384 : memref<8x1024xf32, #tpu.memory_space<vmem>>) dst(%dma_wait3A_380 : memref<8x1024xf32, #tpu.memory_space<hbm>>)
      %lt3A = arith.constant 49 : i32
      %lt3A_385 = arith.cmpi slt, %scan3A_147, %lt3A : i32
      %convert_element_type3A_386 = arith.extui %lt3A_385 : i1 to i32
      %cond3A_387 = arith.constant 0 : i32
      %cond3A_388 = arith.cmpi ne, %convert_element_type3A_386, %cond3A_387 : i32
      scf.if %cond3A_388 {
        %add3A_476 = arith.constant 2 : i32
        %add3A_477 = arith.addi %add3A_307, %add3A_476 : i32
        %dma_start3A_478 = arith.constant 0 : i32
        %dma_start3A_479 = arith.constant 0 : i32
        %dma_start3A_480 = arith.constant 0 : i32
        %dma_start3A_481 = tpu.memref_slice %arg7[%dma_start3A_478, %dma_start3A_479, %dma_start3A_480] : memref<4x128x64xf32, #tpu.memory_space<vmem>> -> memref<1x128x64xf32, #tpu.memory_space<vmem>>
        %dma_start3A_482 = tpu.memref_squeeze %dma_start3A_481 : memref<1x128x64xf32, #tpu.memory_space<vmem>> -> memref<128x64xf32, #tpu.memory_space<vmem>>
        %dma_start3A_483 = arith.constant 0 : i32
        %dma_start3A_484 = tpu.memref_slice %arg6[%add3A_477, %dma_start3A_483] : memref<200x128xi32, #tpu.memory_space<vmem>> -> memref<1x128xi32, #tpu.memory_space<vmem>>
        %dma_start3A_485 = tpu.memref_squeeze %dma_start3A_484 : memref<1x128xi32, #tpu.memory_space<vmem>> -> memref<128xi32, #tpu.memory_space<vmem>>
        %dma_start3A_486 = arith.constant 0 : i32
        %dma_start3A_487 = arith.constant 0 : i32
        %dma_start3A_488 = tpu.memref_slice %arg3[%dma_start3A_486, %dma_start3A_487] : memref<1000000x64xf32, #tpu.memory_space<hbm>> -> memref<1000000x64xf32, #tpu.memory_space<hbm>>
        tpu.enqueue_indirect_dma source(%dma_start3A_488 : memref<1000000x64xf32, #tpu.memory_space<hbm>>) target(%dma_start3A_482 : memref<128x64xf32, #tpu.memory_space<vmem>>) offsets(%dma_start3A_485 : memref<128xi32, #tpu.memory_space<vmem>>) semaphore(%arg11 : memref<!tpu.dma_semaphore, #tpu.memory_space<semaphore_mem>>)
      } else {
      }
      %mul3A_389 = arith.constant 4 : i32
      %mul3A_390 = arith.muli %mul3A_389, %scan3A_147 : i32
      %add3A_391 = arith.constant 3 : i32
      %add3A_392 = arith.addi %mul3A_390, %add3A_391 : i32
      %dma_wait3A_393 = arith.constant 3 : i32
      %dma_wait3A_394 = arith.constant 0 : i32
      %dma_wait3A_395 = arith.constant 0 : i32
      %dma_wait3A_396 = tpu.memref_slice %arg7[%dma_wait3A_393, %dma_wait3A_394, %dma_wait3A_395] : memref<4x128x64xf32, #tpu.memory_space<vmem>> -> memref<1x128x64xf32, #tpu.memory_space<vmem>>
      %dma_wait3A_397 = tpu.memref_squeeze %dma_wait3A_396 : memref<1x128x64xf32, #tpu.memory_space<vmem>> -> memref<128x64xf32, #tpu.memory_space<vmem>>
      %dma_wait3A_398 = arith.constant 0 : i32
      %dma_wait3A_399 = tpu.memref_slice %arg6[%add3A_392, %dma_wait3A_398] : memref<200x128xi32, #tpu.memory_space<vmem>> -> memref<1x128xi32, #tpu.memory_space<vmem>>
      %dma_wait3A_400 = tpu.memref_squeeze %dma_wait3A_399 : memref<1x128xi32, #tpu.memory_space<vmem>> -> memref<128xi32, #tpu.memory_space<vmem>>
      %dma_wait3A_401 = arith.constant 0 : i32
      %dma_wait3A_402 = arith.constant 0 : i32
      %dma_wait3A_403 = tpu.memref_slice %arg3[%dma_wait3A_401, %dma_wait3A_402] : memref<1000000x64xf32, #tpu.memory_space<hbm>> -> memref<1000000x64xf32, #tpu.memory_space<hbm>>
      tpu.wait_indirect_dma semaphore(%arg14 : memref<!tpu.dma_semaphore, #tpu.memory_space<semaphore_mem>>) src(%dma_wait3A_403 : memref<1000000x64xf32, #tpu.memory_space<hbm>>) dst(%dma_wait3A_397 : memref<128x64xf32, #tpu.memory_space<vmem>>)
      %get3A_404 = arith.index_cast %add3A_392 : i32 to index
      %get3A_405 = arith.constant 0 : index
      %get3A_406 = tpu.vector_load %arg9[%get3A_404, %get3A_405] {strides = array<i32>} : memref<200x64xf32, #tpu.memory_space<vmem>>, vector<16xf32>,
      %swap3A_407 = arith.constant 0 : index
      %swap3A_408 = tpu.vector_load %arg10[%swap3A_407] {strides = array<i32>} : memref<128xf32, #tpu.memory_space<vmem>>, vector<16xf32>,
      tpu.vector_store %arg10[%swap3A_407], %get3A_406 {strides = array<i32>} : memref<128xf32, #tpu.memory_space<vmem>>, vector<16xf32>,
      %swap3A_409 = arith.constant 64 : index
      %swap3A_410 = tpu.vector_load %arg10[%swap3A_409] {strides = array<i32>} : memref<128xf32, #tpu.memory_space<vmem>>, vector<16xf32>,
      tpu.vector_store %arg10[%swap3A_409], %get3A_406 {strides = array<i32>} : memref<128xf32, #tpu.memory_space<vmem>>, vector<16xf32>,
      %get3A_411 = arith.index_cast %add3A_392 : i32 to index
      %get3A_412 = arith.constant 16 : index
      %get3A_413 = tpu.vector_load %arg9[%get3A_411, %get3A_412] {strides = array<i32>} : memref<200x64xf32, #tpu.memory_space<vmem>>, vector<16xf32>,
      %swap3A_414 = arith.constant 16 : index
      %swap3A_415 = tpu.vector_load %arg10[%swap3A_414] {strides = array<i32>} : memref<128xf32, #tpu.memory_space<vmem>>, vector<16xf32>,
      tpu.vector_store %arg10[%swap3A_414], %get3A_413 {strides = array<i32>} : memref<128xf32, #tpu.memory_space<vmem>>, vector<16xf32>,
      %swap3A_416 = arith.constant 80 : index
      %swap3A_417 = tpu.vector_load %arg10[%swap3A_416] {strides = array<i32>} : memref<128xf32, #tpu.memory_space<vmem>>, vector<16xf32>,
      tpu.vector_store %arg10[%swap3A_416], %get3A_413 {strides = array<i32>} : memref<128xf32, #tpu.memory_space<vmem>>, vector<16xf32>,
      %get3A_418 = arith.index_cast %add3A_392 : i32 to index
      %get3A_419 = arith.constant 32 : index
      %get3A_420 = tpu.vector_load %arg9[%get3A_418, %get3A_419] {strides = array<i32>} : memref<200x64xf32, #tpu.memory_space<vmem>>, vector<16xf32>,
      %swap3A_421 = arith.constant 32 : index
      %swap3A_422 = tpu.vector_load %arg10[%swap3A_421] {strides = array<i32>} : memref<128xf32, #tpu.memory_space<vmem>>, vector<16xf32>,
      tpu.vector_store %arg10[%swap3A_421], %get3A_420 {strides = array<i32>} : memref<128xf32, #tpu.memory_space<vmem>>, vector<16xf32>,
      %swap3A_423 = arith.constant 96 : index
      %swap3A_424 = tpu.vector_load %arg10[%swap3A_423] {strides = array<i32>} : memref<128xf32, #tpu.memory_space<vmem>>, vector<16xf32>,
      tpu.vector_store %arg10[%swap3A_423], %get3A_420 {strides = array<i32>} : memref<128xf32, #tpu.memory_space<vmem>>, vector<16xf32>,
      %get3A_425 = arith.index_cast %add3A_392 : i32 to index
      %get3A_426 = arith.constant 48 : index
      %get3A_427 = tpu.vector_load %arg9[%get3A_425, %get3A_426] {strides = array<i32>} : memref<200x64xf32, #tpu.memory_space<vmem>>, vector<16xf32>,
      %swap3A_428 = arith.constant 48 : index
      %swap3A_429 = tpu.vector_load %arg10[%swap3A_428] {strides = array<i32>} : memref<128xf32, #tpu.memory_space<vmem>>, vector<16xf32>,
      tpu.vector_store %arg10[%swap3A_428], %get3A_427 {strides = array<i32>} : memref<128xf32, #tpu.memory_space<vmem>>, vector<16xf32>,
      %swap3A_430 = arith.constant 112 : index
      %swap3A_431 = tpu.vector_load %arg10[%swap3A_430] {strides = array<i32>} : memref<128xf32, #tpu.memory_space<vmem>>, vector<16xf32>,
      tpu.vector_store %arg10[%swap3A_430], %get3A_427 {strides = array<i32>} : memref<128xf32, #tpu.memory_space<vmem>>, vector<16xf32>,
      %parallel_loop3A_432 = arith.constant 0 : i32
      %parallel_loop3A_433 = arith.constant 64 : i32
      %parallel_loop3A_434 = arith.constant 1 : i32
      scf.for %parallel_loop3A_476 = %parallel_loop3A_432 to %parallel_loop3A_433 step %parallel_loop3A_434  : i32 {
        %parallel_loop3A_477 = vector.broadcast %parallel_loop3A_476 : i32 to vector<16xi32>
        %parallel_loop3A_478 = arith.addi %parallel_loop3A_477, %iota3A : vector<16xi32>
        %parallel_loop3A_479 = arith.constant 63 : i32
        %parallel_loop3A_480 = vector.broadcast %parallel_loop3A_479 : i32 to vector<16xi32>
        %parallel_loop3A_481 = arith.andi %parallel_loop3A_478, %parallel_loop3A_480 : vector<16xi32>
        %parallel_loop3A_482 = arith.index_cast %parallel_loop3A_476 : i32 to index
        %parallel_loop3A_483 = tpu.vector_load %arg10[%parallel_loop3A_482] {strides = array<i32>} : memref<128xf32, #tpu.memory_space<vmem>>, vector<16xf32>,
        %parallel_loop3A_484 = arith.constant 3 : i32
        %parallel_loop3A_485 = vector.broadcast %parallel_loop3A_484 : i32 to vector<16xi32>
        %parallel_loop3A_486 = arith.shrsi %parallel_loop3A_481, %parallel_loop3A_485 : vector<16xi32>
        %parallel_loop3A_487 = arith.constant 7 : i32
        %parallel_loop3A_488 = vector.broadcast %parallel_loop3A_487 : i32 to vector<16xi32>
        %parallel_loop3A_489 = arith.andi %parallel_loop3A_481, %parallel_loop3A_488 : vector<16xi32>
        %parallel_loop3A_490 = arith.constant 7 : i32
        %parallel_loop3A_491 = vector.broadcast %parallel_loop3A_490 : i32 to vector<16xi32>
        %parallel_loop3A_492 = arith.shli %parallel_loop3A_489, %parallel_loop3A_491 : vector<16xi32>
        %parallel_loop3A_493 = tpu.vector_load_idx %arg7[%broadcast_in_dim3A_104, %add3A_28, %parallel_loop3A_481] masked %broadcast_in_dim3A_106 : memref<4x128x64xf32, #tpu.memory_space<vmem>>[vector<16xi32>, vector<16xi32>, vector<16xi32>], vector<16xf32>, vector<16xi1>
        %parallel_loop3A_494 = tpu.vector_load_idx %arg7[%broadcast_in_dim3A_104, %add3A_31, %parallel_loop3A_481] masked %broadcast_in_dim3A_106 : memref<4x128x64xf32, #tpu.memory_space<vmem>>[vector<16xi32>, vector<16xi32>, vector<16xi32>], vector<16xf32>, vector<16xi1>
        %parallel_loop3A_495 = tpu.vector_load_idx %arg7[%broadcast_in_dim3A_104, %add3A_34, %parallel_loop3A_481] masked %broadcast_in_dim3A_106 : memref<4x128x64xf32, #tpu.memory_space<vmem>>[vector<16xi32>, vector<16xi32>, vector<16xi32>], vector<16xf32>, vector<16xi1>
        %parallel_loop3A_496 = tpu.vector_load_idx %arg7[%broadcast_in_dim3A_104, %add3A_37, %parallel_loop3A_481] masked %broadcast_in_dim3A_106 : memref<4x128x64xf32, #tpu.memory_space<vmem>>[vector<16xi32>, vector<16xi32>, vector<16xi32>], vector<16xf32>, vector<16xi1>
        %parallel_loop3A_497 = tpu.vector_load_idx %arg7[%broadcast_in_dim3A_104, %add3A_40, %parallel_loop3A_481] masked %broadcast_in_dim3A_106 : memref<4x128x64xf32, #tpu.memory_space<vmem>>[vector<16xi32>, vector<16xi32>, vector<16xi32>], vector<16xf32>, vector<16xi1>
        %parallel_loop3A_498 = tpu.vector_load_idx %arg7[%broadcast_in_dim3A_104, %add3A_43, %parallel_loop3A_481] masked %broadcast_in_dim3A_106 : memref<4x128x64xf32, #tpu.memory_space<vmem>>[vector<16xi32>, vector<16xi32>, vector<16xi32>], vector<16xf32>, vector<16xi1>
        %parallel_loop3A_499 = tpu.vector_load_idx %arg7[%broadcast_in_dim3A_104, %add3A_46, %parallel_loop3A_481] masked %broadcast_in_dim3A_106 : memref<4x128x64xf32, #tpu.memory_space<vmem>>[vector<16xi32>, vector<16xi32>, vector<16xi32>], vector<16xf32>, vector<16xi1>
        %parallel_loop3A_500 = tpu.vector_load_idx %arg7[%broadcast_in_dim3A_104, %add3A_49, %parallel_loop3A_481] masked %broadcast_in_dim3A_106 : memref<4x128x64xf32, #tpu.memory_space<vmem>>[vector<16xi32>, vector<16xi32>, vector<16xi32>], vector<16xf32>, vector<16xi1>
        %parallel_loop3A_501 = arith.addi %parallel_loop3A_492, %add3A_28 : vector<16xi32>
        %parallel_loop3A_502 = arith.addf %parallel_loop3A_493, %parallel_loop3A_483 : vector<16xf32>
        tpu.vector_store_idx %arg8[%broadcast_in_dim3A_104, %parallel_loop3A_486, %parallel_loop3A_501], %parallel_loop3A_502 masked %broadcast_in_dim3A_106 : memref<4x8x1024xf32, #tpu.memory_space<vmem>>[vector<16xi32>, vector<16xi32>, vector<16xi32>], vector<16xf32>, vector<16xi1>
        %parallel_loop3A_503 = arith.addi %parallel_loop3A_492, %add3A_31 : vector<16xi32>
        %parallel_loop3A_504 = arith.addf %parallel_loop3A_494, %parallel_loop3A_483 : vector<16xf32>
        tpu.vector_store_idx %arg8[%broadcast_in_dim3A_104, %parallel_loop3A_486, %parallel_loop3A_503], %parallel_loop3A_504 masked %broadcast_in_dim3A_106 : memref<4x8x1024xf32, #tpu.memory_space<vmem>>[vector<16xi32>, vector<16xi32>, vector<16xi32>], vector<16xf32>, vector<16xi1>
        %parallel_loop3A_505 = arith.addi %parallel_loop3A_492, %add3A_34 : vector<16xi32>
        %parallel_loop3A_506 = arith.addf %parallel_loop3A_495, %parallel_loop3A_483 : vector<16xf32>
        tpu.vector_store_idx %arg8[%broadcast_in_dim3A_104, %parallel_loop3A_486, %parallel_loop3A_505], %parallel_loop3A_506 masked %broadcast_in_dim3A_106 : memref<4x8x1024xf32, #tpu.memory_space<vmem>>[vector<16xi32>, vector<16xi32>, vector<16xi32>], vector<16xf32>, vector<16xi1>
        %parallel_loop3A_507 = arith.addi %parallel_loop3A_492, %add3A_37 : vector<16xi32>
        %parallel_loop3A_508 = arith.addf %parallel_loop3A_496, %parallel_loop3A_483 : vector<16xf32>
        tpu.vector_store_idx %arg8[%broadcast_in_dim3A_104, %parallel_loop3A_486, %parallel_loop3A_507], %parallel_loop3A_508 masked %broadcast_in_dim3A_106 : memref<4x8x1024xf32, #tpu.memory_space<vmem>>[vector<16xi32>, vector<16xi32>, vector<16xi32>], vector<16xf32>, vector<16xi1>
        %parallel_loop3A_509 = arith.addi %parallel_loop3A_492, %add3A_40 : vector<16xi32>
        %parallel_loop3A_510 = arith.addf %parallel_loop3A_497, %parallel_loop3A_483 : vector<16xf32>
        tpu.vector_store_idx %arg8[%broadcast_in_dim3A_104, %parallel_loop3A_486, %parallel_loop3A_509], %parallel_loop3A_510 masked %broadcast_in_dim3A_106 : memref<4x8x1024xf32, #tpu.memory_space<vmem>>[vector<16xi32>, vector<16xi32>, vector<16xi32>], vector<16xf32>, vector<16xi1>
        %parallel_loop3A_511 = arith.addi %parallel_loop3A_492, %add3A_43 : vector<16xi32>
        %parallel_loop3A_512 = arith.addf %parallel_loop3A_498, %parallel_loop3A_483 : vector<16xf32>
        tpu.vector_store_idx %arg8[%broadcast_in_dim3A_104, %parallel_loop3A_486, %parallel_loop3A_511], %parallel_loop3A_512 masked %broadcast_in_dim3A_106 : memref<4x8x1024xf32, #tpu.memory_space<vmem>>[vector<16xi32>, vector<16xi32>, vector<16xi32>], vector<16xf32>, vector<16xi1>
        %parallel_loop3A_513 = arith.addi %parallel_loop3A_492, %add3A_46 : vector<16xi32>
        %parallel_loop3A_514 = arith.addf %parallel_loop3A_499, %parallel_loop3A_483 : vector<16xf32>
        tpu.vector_store_idx %arg8[%broadcast_in_dim3A_104, %parallel_loop3A_486, %parallel_loop3A_513], %parallel_loop3A_514 masked %broadcast_in_dim3A_106 : memref<4x8x1024xf32, #tpu.memory_space<vmem>>[vector<16xi32>, vector<16xi32>, vector<16xi32>], vector<16xf32>, vector<16xi1>
        %parallel_loop3A_515 = arith.addi %parallel_loop3A_492, %add3A_49 : vector<16xi32>
        %parallel_loop3A_516 = arith.addf %parallel_loop3A_500, %parallel_loop3A_483 : vector<16xf32>
        tpu.vector_store_idx %arg8[%broadcast_in_dim3A_104, %parallel_loop3A_486, %parallel_loop3A_515], %parallel_loop3A_516 masked %broadcast_in_dim3A_106 : memref<4x8x1024xf32, #tpu.memory_space<vmem>>[vector<16xi32>, vector<16xi32>, vector<16xi32>], vector<16xf32>, vector<16xi1>
      } {sc.loop_unroll_factor = 4 : i64, sc.parallel_access}
      %dma_start3A_435 = arith.constant 3 : i32
      %dma_start3A_436 = arith.constant 0 : i32
      %dma_start3A_437 = arith.constant 0 : i32
      %dma_start3A_438 = tpu.memref_slice %arg8[%dma_start3A_435, %dma_start3A_436, %dma_start3A_437] : memref<4x8x1024xf32, #tpu.memory_space<vmem>> -> memref<1x8x1024xf32, #tpu.memory_space<vmem>>
      %dma_start3A_439 = tpu.memref_squeeze %dma_start3A_438 : memref<1x8x1024xf32, #tpu.memory_space<vmem>> -> memref<8x1024xf32, #tpu.memory_space<vmem>>
      %dma_start3A_440 = arith.constant 0 : i32
      %dma_start3A_441 = arith.constant 0 : i32
      %dma_start3A_442 = tpu.memref_slice %arg5[%add3A_392, %dma_start3A_440, %add3A, %dma_start3A_441] : memref<200x8x32x1024xf32, #tpu.memory_space<hbm>> -> memref<1x8x1x1024xf32, #tpu.memory_space<hbm>>
      %dma_start3A_443 = tpu.memref_squeeze %dma_start3A_442 : memref<1x8x1x1024xf32, #tpu.memory_space<hbm>> -> memref<8x1024xf32, #tpu.memory_space<hbm>>
      %dma_start3A_444 = arith.constant 0 : i32
      %dma_start3A_445 = arith.constant 0 : i32
      %dma_start3A_446 = tpu.memref_slice %arg5[%add3A_392, %dma_start3A_444, %add3A, %dma_start3A_445] : memref<200x8x32x1024xf32, #tpu.memory_space<hbm>> -> memref<1x8x1x1024xf32, #tpu.memory_space<hbm>>
      %dma_start3A_447 = tpu.memref_squeeze %dma_start3A_446 : memref<1x8x1x1024xf32, #tpu.memory_space<hbm>> -> memref<8x1024xf32, #tpu.memory_space<hbm>>
      %dma_start3A_448 = arith.constant 0 : i32
      %dma_start3A_449 = arith.constant 0 : i32
      %dma_start3A_450 = tpu.memref_slice %arg8[%dma_start3A_435, %dma_start3A_448, %dma_start3A_449] : memref<4x8x1024xf32, #tpu.memory_space<vmem>> -> memref<1x8x1024xf32, #tpu.memory_space<vmem>>
      %dma_start3A_451 = tpu.memref_squeeze %dma_start3A_450 : memref<1x8x1024xf32, #tpu.memory_space<vmem>> -> memref<8x1024xf32, #tpu.memory_space<vmem>>
      tpu.enqueue_dma source(%dma_start3A_451 : memref<8x1024xf32, #tpu.memory_space<vmem>>) target(%dma_start3A_447 : memref<8x1024xf32, #tpu.memory_space<hbm>>) target_semaphore(%arg18 : memref<!tpu.dma_semaphore, #tpu.memory_space<semaphore_mem>>)
      %sub3A_452 = arith.constant 2 : i32
      %sub3A_453 = arith.subi %add3A_392, %sub3A_452 : i32
      %dma_wait3A_454 = arith.constant 1 : i32
      %dma_wait3A_455 = arith.constant 0 : i32
      %dma_wait3A_456 = arith.constant 0 : i32
      %dma_wait3A_457 = tpu.memref_slice %arg8[%dma_wait3A_454, %dma_wait3A_455, %dma_wait3A_456] : memref<4x8x1024xf32, #tpu.memory_space<vmem>> -> memref<1x8x1024xf32, #tpu.memory_space<vmem>>
      %dma_wait3A_458 = tpu.memref_squeeze %dma_wait3A_457 : memref<1x8x1024xf32, #tpu.memory_space<vmem>> -> memref<8x1024xf32, #tpu.memory_space<vmem>>
      %dma_wait3A_459 = arith.constant 0 : i32
      %dma_wait3A_460 = arith.constant 0 : i32
      %dma_wait3A_461 = tpu.memref_slice %arg5[%sub3A_453, %dma_wait3A_459, %add3A, %dma_wait3A_460] : memref<200x8x32x1024xf32, #tpu.memory_space<hbm>> -> memref<1x8x1x1024xf32, #tpu.memory_space<hbm>>
      %dma_wait3A_462 = tpu.memref_squeeze %dma_wait3A_461 : memref<1x8x1x1024xf32, #tpu.memory_space<hbm>> -> memref<8x1024xf32, #tpu.memory_space<hbm>>
      %dma_wait3A_463 = arith.constant 0 : i32
      %dma_wait3A_464 = arith.constant 0 : i32
      %dma_wait3A_465 = tpu.memref_slice %arg5[%sub3A_453, %dma_wait3A_463, %add3A, %dma_wait3A_464] : memref<200x8x32x1024xf32, #tpu.memory_space<hbm>> -> memref<1x8x1x1024xf32, #tpu.memory_space<hbm>>
      %dma_wait3A_466 = tpu.memref_squeeze %dma_wait3A_465 : memref<1x8x1x1024xf32, #tpu.memory_space<hbm>> -> memref<8x1024xf32, #tpu.memory_space<hbm>>
      %dma_wait3A_467 = arith.constant 0 : i32
      %dma_wait3A_468 = arith.constant 0 : i32
      %dma_wait3A_469 = tpu.memref_slice %arg8[%dma_wait3A_454, %dma_wait3A_467, %dma_wait3A_468] : memref<4x8x1024xf32, #tpu.memory_space<vmem>> -> memref<1x8x1024xf32, #tpu.memory_space<vmem>>
      %dma_wait3A_470 = tpu.memref_squeeze %dma_wait3A_469 : memref<1x8x1024xf32, #tpu.memory_space<vmem>> -> memref<8x1024xf32, #tpu.memory_space<vmem>>
      tpu.wait_dma2 semaphore(%arg16 : memref<!tpu.dma_semaphore, #tpu.memory_space<semaphore_mem>>) src(%dma_wait3A_470 : memref<8x1024xf32, #tpu.memory_space<vmem>>) dst(%dma_wait3A_466 : memref<8x1024xf32, #tpu.memory_space<hbm>>)
      %lt3A_471 = arith.constant 49 : i32
      %lt3A_472 = arith.cmpi slt, %scan3A_147, %lt3A_471 : i32
      %convert_element_type3A_473 = arith.extui %lt3A_472 : i1 to i32
      %cond3A_474 = arith.constant 0 : i32
      %cond3A_475 = arith.cmpi ne, %convert_element_type3A_473, %cond3A_474 : i32
      scf.if %cond3A_475 {
        %add3A_476 = arith.constant 2 : i32
        %add3A_477 = arith.addi %add3A_392, %add3A_476 : i32
        %dma_start3A_478 = arith.constant 1 : i32
        %dma_start3A_479 = arith.constant 0 : i32
        %dma_start3A_480 = arith.constant 0 : i32
        %dma_start3A_481 = tpu.memref_slice %arg7[%dma_start3A_478, %dma_start3A_479, %dma_start3A_480] : memref<4x128x64xf32, #tpu.memory_space<vmem>> -> memref<1x128x64xf32, #tpu.memory_space<vmem>>
        %dma_start3A_482 = tpu.memref_squeeze %dma_start3A_481 : memref<1x128x64xf32, #tpu.memory_space<vmem>> -> memref<128x64xf32, #tpu.memory_space<vmem>>
        %dma_start3A_483 = arith.constant 0 : i32
        %dma_start3A_484 = tpu.memref_slice %arg6[%add3A_477, %dma_start3A_483] : memref<200x128xi32, #tpu.memory_space<vmem>> -> memref<1x128xi32, #tpu.memory_space<vmem>>
        %dma_start3A_485 = tpu.memref_squeeze %dma_start3A_484 : memref<1x128xi32, #tpu.memory_space<vmem>> -> memref<128xi32, #tpu.memory_space<vmem>>
        %dma_start3A_486 = arith.constant 0 : i32
        %dma_start3A_487 = arith.constant 0 : i32
        %dma_start3A_488 = tpu.memref_slice %arg3[%dma_start3A_486, %dma_start3A_487] : memref<1000000x64xf32, #tpu.memory_space<hbm>> -> memref<1000000x64xf32, #tpu.memory_space<hbm>>
        tpu.enqueue_indirect_dma source(%dma_start3A_488 : memref<1000000x64xf32, #tpu.memory_space<hbm>>) target(%dma_start3A_482 : memref<128x64xf32, #tpu.memory_space<vmem>>) offsets(%dma_start3A_485 : memref<128xi32, #tpu.memory_space<vmem>>) semaphore(%arg12 : memref<!tpu.dma_semaphore, #tpu.memory_space<semaphore_mem>>)
      } else {
      }
    }
    %scan3A_111 = arith.constant 50 : i32
    %dma_wait3A = arith.constant 2 : i32
    %dma_wait3A_112 = arith.constant 198 : i32
    %dma_wait3A_113 = arith.constant 0 : i32
    %dma_wait3A_114 = arith.constant 0 : i32
    %dma_wait3A_115 = tpu.memref_slice %arg8[%dma_wait3A, %dma_wait3A_113, %dma_wait3A_114] : memref<4x8x1024xf32, #tpu.memory_space<vmem>> -> memref<1x8x1024xf32, #tpu.memory_space<vmem>>
    %dma_wait3A_116 = tpu.memref_squeeze %dma_wait3A_115 : memref<1x8x1024xf32, #tpu.memory_space<vmem>> -> memref<8x1024xf32, #tpu.memory_space<vmem>>
    %dma_wait3A_117 = arith.constant 0 : i32
    %dma_wait3A_118 = arith.constant 0 : i32
    %dma_wait3A_119 = tpu.memref_slice %arg5[%dma_wait3A_112, %dma_wait3A_117, %add3A, %dma_wait3A_118] : memref<200x8x32x1024xf32, #tpu.memory_space<hbm>> -> memref<1x8x1x1024xf32, #tpu.memory_space<hbm>>
    %dma_wait3A_120 = tpu.memref_squeeze %dma_wait3A_119 : memref<1x8x1x1024xf32, #tpu.memory_space<hbm>> -> memref<8x1024xf32, #tpu.memory_space<hbm>>
    %dma_wait3A_121 = arith.constant 0 : i32
    %dma_wait3A_122 = arith.constant 0 : i32
    %dma_wait3A_123 = tpu.memref_slice %arg5[%dma_wait3A_112, %dma_wait3A_121, %add3A, %dma_wait3A_122] : memref<200x8x32x1024xf32, #tpu.memory_space<hbm>> -> memref<1x8x1x1024xf32, #tpu.memory_space<hbm>>
    %dma_wait3A_124 = tpu.memref_squeeze %dma_wait3A_123 : memref<1x8x1x1024xf32, #tpu.memory_space<hbm>> -> memref<8x1024xf32, #tpu.memory_space<hbm>>
    %dma_wait3A_125 = arith.constant 0 : i32
    %dma_wait3A_126 = arith.constant 0 : i32
    %dma_wait3A_127 = tpu.memref_slice %arg8[%dma_wait3A, %dma_wait3A_125, %dma_wait3A_126] : memref<4x8x1024xf32, #tpu.memory_space<vmem>> -> memref<1x8x1024xf32, #tpu.memory_space<vmem>>
    %dma_wait3A_128 = tpu.memref_squeeze %dma_wait3A_127 : memref<1x8x1024xf32, #tpu.memory_space<vmem>> -> memref<8x1024xf32, #tpu.memory_space<vmem>>
    tpu.wait_dma2 semaphore(%arg17 : memref<!tpu.dma_semaphore, #tpu.memory_space<semaphore_mem>>) src(%dma_wait3A_128 : memref<8x1024xf32, #tpu.memory_space<vmem>>) dst(%dma_wait3A_124 : memref<8x1024xf32, #tpu.memory_space<hbm>>)
    %dma_wait3A_129 = arith.constant 3 : i32
    %dma_wait3A_130 = arith.constant 199 : i32
    %dma_wait3A_131 = arith.constant 0 : i32
    %dma_wait3A_132 = arith.constant 0 : i32
    %dma_wait3A_133 = tpu.memref_slice %arg8[%dma_wait3A_129, %dma_wait3A_131, %dma_wait3A_132] : memref<4x8x1024xf32, #tpu.memory_space<vmem>> -> memref<1x8x1024xf32, #tpu.memory_space<vmem>>
    %dma_wait3A_134 = tpu.memref_squeeze %dma_wait3A_133 : memref<1x8x1024xf32, #tpu.memory_space<vmem>> -> memref<8x1024xf32, #tpu.memory_space<vmem>>
    %dma_wait3A_135 = arith.constant 0 : i32
    %dma_wait3A_136 = arith.constant 0 : i32
    %dma_wait3A_137 = tpu.memref_slice %arg5[%dma_wait3A_130, %dma_wait3A_135, %add3A, %dma_wait3A_136] : memref<200x8x32x1024xf32, #tpu.memory_space<hbm>> -> memref<1x8x1x1024xf32, #tpu.memory_space<hbm>>
    %dma_wait3A_138 = tpu.memref_squeeze %dma_wait3A_137 : memref<1x8x1x1024xf32, #tpu.memory_space<hbm>> -> memref<8x1024xf32, #tpu.memory_space<hbm>>
    %dma_wait3A_139 = arith.constant 0 : i32
    %dma_wait3A_140 = arith.constant 0 : i32
    %dma_wait3A_141 = tpu.memref_slice %arg5[%dma_wait3A_130, %dma_wait3A_139, %add3A, %dma_wait3A_140] : memref<200x8x32x1024xf32, #tpu.memory_space<hbm>> -> memref<1x8x1x1024xf32, #tpu.memory_space<hbm>>
    %dma_wait3A_142 = tpu.memref_squeeze %dma_wait3A_141 : memref<1x8x1x1024xf32, #tpu.memory_space<hbm>> -> memref<8x1024xf32, #tpu.memory_space<hbm>>
    %dma_wait3A_143 = arith.constant 0 : i32
    %dma_wait3A_144 = arith.constant 0 : i32
    %dma_wait3A_145 = tpu.memref_slice %arg8[%dma_wait3A_129, %dma_wait3A_143, %dma_wait3A_144] : memref<4x8x1024xf32, #tpu.memory_space<vmem>> -> memref<1x8x1024xf32, #tpu.memory_space<vmem>>
    %dma_wait3A_146 = tpu.memref_squeeze %dma_wait3A_145 : memref<1x8x1024xf32, #tpu.memory_space<vmem>> -> memref<8x1024xf32, #tpu.memory_space<vmem>>
    tpu.wait_dma2 semaphore(%arg18 : memref<!tpu.dma_semaphore, #tpu.memory_space<semaphore_mem>>) src(%dma_wait3A_146 : memref<8x1024xf32, #tpu.memory_space<vmem>>) dst(%dma_wait3A_142 : memref<8x1024xf32, #tpu.memory_space<hbm>>)
    return
  }
}

</mosaic_0001>

<sc_bundles>
// kernel: kernel.3.cloned.1.call-start
scs
__scs_entry_jumppad:
0x0: {  	(pc) =	sbr.rel $0x88, $3  }
0x1: {  	(tag) =	ssettag $0x0;
	lr =	simm.s32 $0x1  }
0x2: {  	[smem:$0x3F9E] =	sst lr;
	_ =	strace $0xD0000000  }
0x3: {  	_ = 	snop  }
0x4: {  	_ = 	snop  }
0x5: {  	_ = 	snop  }
0x6: {  	_ = 	snop  }
0x7: {  	_ = 	snop  }
__scs_overlays_trampoline_lowered:
0x8: {  	[smem:$0x3FAD] =	sst s0  }
0x9: {  	[smem:$0x3FAE] =	sst s1  }
0xa: {  	[smem:$0x3FAF] =	sst s2  }
0xb: {  	[smem:$0x3FB0] =	sst s3  }
0xc: {  	[smem:$0x3FB1] =	sst s4  }
0xd: {  	[smem:$0x3FB2] =	sst s5  }
0xe: {  	[smem:$0x3FB3] =	sst s6  }
0xf: {  	[smem:$0x3FB4] =	sst s7  }
0x10: {  	[smem:$0x3FB5] =	sst s8  }
0x11: {  	[smem:$0x3FB6] =	sst s9;
	s0 =	simm.s32 @!p0 $0x0  }
0x12: {  	s1 =	sld [smem:$0x3F9C];
	s0 =	simm.s32 @p0 $0x1  }
0x13: {  	[smem:$0x3FB7] =	sst s0;
	s0 =	simm.s32 @!p1 $0x0  }
0x14: {  	s2 =	sld [smem:$0x3F9B];
	s0 =	simm.s32 @p1 $0x1  }
0x15: {  	[smem:$0x3FB8] =	sst s0;
	s0 =	simm.s32 @!p2 $0x0  }
0x16: {  	s3 =	sld [smem:$0x3FDB];
	s0 =	simm.s32 @p2 $0x1  }
0x17: {  	s4 =	simm.s32 $0x1BF5;
	[smem:$0x3FBA] =	sst s0  }
0x18: {  	s0 =	sld [smem:$0x3F9D];
	_ =	swait.ge [sflag:s4], $0x0  }
0x19: {  	s7 =	sld [smem:$0x3F9E]  }
0x1a: {  	s8 =	sadd.s32 $0xFFFFE003, lr  }
0x1b: {  	s9 =	sadd.s32 $0xFFFFFEF7, lr;
	s5 =	simm.s32 $0xFFFFFFFF;
	p2 =	slt.u32 s8, $0xFFFFF086  }
0x1c: {  	p1 =	slt.u32 s9, $0xF7A;
	s5 =	simm.s32 @!p2 $0x0  }
0x1d: {  	s5 =	simm.s32 @p1 $0x1;
	p0 =	seq.s32 s7, s2  }
0x1e: {  	s7 =	smul.u32 @!p0 $0xF7A, s2;
	p2 =	seq.s32 @!p0 s5, $0x0  }
0x1f: {  	s9 =	smul.u32 $0xF7A, s1;
	s8 =	simm.s32 @!p0 $0x1BF5;
	p2 =	por !p2, p0  }
0x20: {  	[sflag:s8] =	ssyncset.s32 @!p0 $0xFFFFF086;
	s6 =	sadd.s32 @!p0 s3, s7;
	s7 =	simm.s32 @!p0 $0x108  }
0x21: {  	s3 =	sadd.s32 s3, s9;
	s6 =	sadd.s32 @!p0 $0x88, s6;
	s7 =	simm.s32 @p2 $0x1082  }
0x22: {  	[simem:s7], [sflag:s8] =	dma.local @!p0 [hbm:s6], $0xF7A  }
0x23: {  	s9 =	sor.u32 $0xD0000000, s2;
	s6 =	simm.s32 $0x108;
	_ =	swait.ge @!p0 [sflag:s8], $0x0  }
0x24: {  	s3 =	sadd.s32 $0x88, s3;
	s6 =	simm.s32 @!p1 $0x1082;
	[sflag:s4] =	ssyncset.s32 $0xFFFFF086  }
0x25: {  	[simem:s6], [sflag:s4] =	dma.local [hbm:s3], $0xF7A  }
0x26: {  	[smem:$0x3F9E] =	sst s1;
	(tag) =	ssettag s2;
	_ =	strace s9  }
0x27: {  	s1 =	sld [smem:$0x3FAE]  }
0x28: {  	s2 =	sld [smem:$0x3FAF]  }
0x29: {  	s4 =	sld [smem:$0x3FB1]  }
0x2a: {  	p0 =	seq.s32 s5, $0x0;
	s5 =	sld [smem:$0x3FB2]  }
0x2b: {  	s6 =	sld [smem:$0x3FB3]  }
0x2c: {  	s7 =	sld [smem:$0x3FB4]  }
0x2d: {  	s3 =	simm.s32 $0x108;
	s8 =	sld [smem:$0x3FB5]  }
0x2e: {  	s3 =	simm.s32 @!p0 $0x1082;
	s9 =	sld [smem:$0x3FB6]  }
0x2f: {  	lr =	sadd.s32 s0, s3;
	s0 =	sld [smem:$0x3FAD]  }
0x30: {  	s3 =	sld [smem:$0x3FB0]  }
0x31: {  	[smem:$0x3FB9] =	sst s10  }
0x32: {  	s10 =	sld [smem:$0x3FB7];
	_ =	sdelay $0x3  }
0x33: {  	p0 =	seq.s32 s10, $0x1;
	s10 =	sld [smem:$0x3FB9];
	_ =	sdelay $0x3  }
0x34: {  	[smem:$0x3FB9] =	sst s10  }
0x35: {  	s10 =	sld [smem:$0x3FB8];
	_ =	sdelay $0x3  }
0x36: {  	p1 =	seq.s32 s10, $0x1;
	s10 =	sld [smem:$0x3FB9];
	_ =	sdelay $0x3  }
0x37: {  	[smem:$0x3FB9] =	sst s10  }
0x38: {  	s10 =	sld [smem:$0x3FBA]  }
0x39: {  	_ = 	snop;
	(pc) =	sbr.ind lr, $3  }
0x3a: {  	_ = 	snop  }
0x3b: {  	_ = 	snop  }
0x3c: {  	p2 =	seq.s32 s10, $0x1;
	s10 =	sld [smem:$0x3FB9]  }
0x3d: {  	_ =	shalt  }
0x3e: {  	_ =	shalt  }
0x3f: {  	_ =	shalt  }
0x40: {  	_ =	shalt  }
0x41: {  	_ =	shalt  }
0x42: {  	_ =	shalt  }
0x43: {  	_ =	shalt  }
0x44: {  	_ =	shalt  }
0x45: {  	_ =	shalt  }
0x46: {  	_ =	shalt  }
0x47: {  	_ =	shalt  }
0x48: {  	_ =	shalt  }
0x49: {  	_ =	shalt  }
0x4a: {  	_ =	shalt  }
0x4b: {  	_ =	shalt  }
0x4c: {  	_ =	shalt  }
0x4d: {  	_ =	shalt  }
0x4e: {  	_ =	shalt  }
0x4f: {  	_ =	shalt  }
0x50: {  	_ =	shalt  }
0x51: {  	_ =	shalt  }
0x52: {  	_ =	shalt  }
0x53: {  	_ =	shalt  }
0x54: {  	_ =	shalt  }
0x55: {  	_ =	shalt  }
0x56: {  	_ =	shalt  }
0x57: {  	_ =	shalt  }
0x58: {  	_ =	shalt  }
0x59: {  	_ =	shalt  }
0x5a: {  	_ =	shalt  }
0x5b: {  	_ =	shalt  }
0x5c: {  	_ =	shalt  }
0x5d: {  	_ =	shalt  }
0x5e: {  	_ =	shalt  }
0x5f: {  	_ =	shalt  }
0x60: {  	_ =	shalt  }
0x61: {  	_ =	shalt  }
0x62: {  	_ =	shalt  }
0x63: {  	_ =	shalt  }
0x64: {  	_ =	shalt  }
0x65: {  	_ =	shalt  }
0x66: {  	_ =	shalt  }
0x67: {  	_ =	shalt  }
0x68: {  	_ =	shalt  }
0x69: {  	_ =	shalt  }
0x6a: {  	_ =	shalt  }
0x6b: {  	_ =	shalt  }
0x6c: {  	_ =	shalt  }
0x6d: {  	_ =	shalt  }
0x6e: {  	_ =	shalt  }
0x6f: {  	_ =	shalt  }
0x70: {  	_ =	shalt  }
0x71: {  	_ =	shalt  }
0x72: {  	_ =	shalt  }
0x73: {  	_ =	shalt  }
0x74: {  	_ =	shalt  }
0x75: {  	_ =	shalt  }
0x76: {  	_ =	shalt  }
0x77: {  	_ =	shalt  }
0x78: {  	_ =	shalt  }
0x79: {  	_ =	shalt  }
0x7a: {  	_ =	shalt  }
0x7b: {  	_ =	shalt  }
0x7c: {  	_ =	shalt  }
0x7d: {  	_ =	shalt  }
0x7e: {  	_ =	shalt  }
0x7f: {  	_ =	shalt  }
0x80: {  	_ =	shalt  }
0x81: {  	_ =	shalt  }
0x82: {  	_ =	shalt  }
0x83: {  	_ =	shalt  }
0x84: {  	_ =	shalt  }
0x85: {  	_ =	shalt  }
0x86: {  	_ =	shalt  }
0x87: {  	_ =	shalt  }
.Lfunc_end0:
.L_simem_size_0:
called_computation_lowered:
.L_overlay_start_0:
0x88: {  	s2 =	sld [smem:$0x3FD9]  }
0x89: {  	s3 =	sld [smem:$0x3FFE];
	_ =	sdelay $0x1  }
0x8a: {  	s1 =	srdreg.scid  }
0x8b: {  	s0 =	sand.u32 $0x1, s1  }
0x8c: {  	s17 =	sshll.u32 s0, $0xA;
	s2 =	sadd.s32 s3, s2  }
0x8d: {  	s2 =	sadd.s32 s2, s17  }
0x8e: {  	[smem:$0x3FC5] =	sst s2  }
0x8f: {  	_ = 	snop  }
0x90: {  	s2 =	sld [smem:$0x3FD0];
	(tm) =	ssettm $0x1  }
0x91: {  	s18 =	sld [smem:$0x3FFB];
	_ =	sdelay $0x3  }
0x92: {  	_ =	strace s18  }
0x93: {  	s3 =	sld [smem:$0x3FFC];
	_ =	sdelay $0x3  }
0x94: {  	_ =	strace s3  }
0x95: {  	s3 =	sld [smem:$0x3FFD];
	_ =	sdelay $0x3  }
0x96: {  	_ =	strace s3  }
0x97: {  	_ =	strace $0x8FFFFFFF  }
0x98: {  	s19 =	sld [smem:$0x3FDB];
	_ =	sdelay $0x1  }
0x99: {  	s4 =	simm.s32 $_scs_section_size  }
0x9a: {  	s5 =	simm.s32 $_size__tile_overlayer_lowered;
	s6 =	simm.s32 $_tile_overlayer_lowered  }
0x9b: {  	s22 =	simm.s32 $0x1BFF;
	s21 =	sshll.u32 s6, $0x1;
	s3 =	sadd.s32 s4, s19  }
0x9c: {  	s7 =	simm.s32 $0x0;
	s20 =	sshll.u32 s5, $0x1;
	s5 =	sadd.s32 s21, s3  }
0x9d: {  	[timem:s7], [sflag:s22] =	dma.local [hbm:s5], s20  }
0x9e: {  	_ =	swait.ge [sflag:s22], s20  }
0x9f: {  	s4 =	ssub.s32 $0x0, s20;
	[sflag:s22] =	ssyncset.done $0x0  }
0xa0: {  	[sflag:s22] =	ssyncadd.s32 s4;
	_ =	sdelay $0x1  }
0xa1: {  	s23 =	simm.s32 $0x1B8B  }
0xa2: {  	_ =	swait.ge [sflag:s23], $0x1  }
0xa3: {  	[sflag:s23] =	ssyncset.done $0x0  }
0xa4: {  	s25 =	simm.s32 $0x1B8E;
	s24 =	sld [smem:$0x3FFE];
	[sflag:s23] =	ssyncadd.s32 $0xFFFFFFFF  }
0xa5: {  	s26 =	simm.s32 $execute0_lowered;
	[smem:$0x3FD2] =	sst s25  }
0xa6: {  	s5 =	sshll.u32 s26, $0x1;
	_ =	strace $0x80000046;
	[dreg:$0x1] =	wrdreg $0xFFFFFFFF  }
0xa7: {  	s28 =	simm.s32 $_size_execute0_lowered;
	s3 =	sadd.s32 s3, s5;
	[dreg:$0x0] =	wrdreg $0x0  }
0xa8: {  	s5 =	sshll.u32 s28, $0x1;
	[dreg:$0x2] =	wrdreg s3  }
0xa9: {  	[dreg:$0x3] =	wrdreg s5  }
0xaa: {  	[dreg:$0x4] =	wrdreg $0xC0  }
0xab: {  	_ =	task [dreg:s7], $0x5FFFF  }
0xac: {  	[dreg:$0x1] =	wrdreg $0xFFFFFFFF  }
0xad: {  	[dreg:$0x0] =	wrdreg $0x60  }
0xae: {  	[dreg:$0x2] =	wrdreg s24  }
0xaf: {  	[dreg:$0x3] =	wrdreg s2  }
0xb0: {  	[dreg:$0x4] =	wrdreg $0x9  }
0xb1: {  	_ =	task.clear_ibuf [dreg:s7], $0x5FFFF;
	_ =	strace $0x90000046  }
0xb2: {  	s29 =	simm.s32 $0x9;
	_ =	strace $0x80000048  }
0xb3: {  	_ =	swait.ge [sflag:s29], $0x1  }
0xb4: {  	[sflag:s29] =	ssyncadd.s32 $0xFFFFFFFF  }
0xb5: {  	_ =	strace $0x90000048  }
0xb6: {  	_ =	sfence  }
0xb7: {  	s30 =	sld [smem:$0x0];
	_ =	sdelay $0x2  }
0xb8: {  	s31 =	sshll.u32 s1, $0xD;
	s1 =	sshrl.u32 s1, $0x2  }
0xb9: {  	s3 =	sand.u32 $0x4000, s31;
	s1 =	sadd.s32 s1, s30  }
0xba: {  	s0 =	sor.u32 s3, s0;
	s1 =	sshll.u32 s1, $0x11  }
0xbb: {  	s0 =	sor.u32 s1, s0  }
0xbc: {  	s0 =	sadd.s32 $0x8F2B, s0  }
0xbd: {  	[sflag:s0] =	ssyncadd.remote.s32 $0x1  }
0xbe: {  	_ =	sfence.sel $0xFFFF  }
0xbf: {  	[dreg:$0x0] =	wrdreg $0xFFFFFFFF;
	(pc) =	sbr.abs _section_cstart, $3  }
0xc0: {  	[dreg:$0x1] =	wrdreg $0xFFFFFFFF  }
0xc1: {  	_ =	task.clear_ibuf [dreg:s7], $0x2FFFF;
	_ =	strace $0x9FFFFFFF  }
0xc2: {  	(tm) =	ssettm $0x7FFFFFFF  }
0xc3: {  	_ =	shalt  }
tec
execute0_lowered:
.L_overlay_start_1:
0x0: {  	(tag) =	ssettag $0x1  }
0x1: {  	s0 =	rddreg [dreg:$0x0];
	s4 =	simm.s32 $0x0;
	v0 =	vlaneseq.u32  }
0x2: {  	[smem:$0x7FF] =	sst s4;
	v1 =	vor.u32 $0x30, v0  }
0x3: {  	s2 =	rddreg [dreg:$0x1];
	v58 =	vor.u32 $0x40, v0;
	_ =	strace $0x80000047;
	[tilespmem:$0x1FE70] =	vst v1  }
0x4: {  	v59 =	vor.u32 $0x50, v0;
	[tilespmem:$0x1FE80] =	vst v58  }
0x5: {  	v11 =	vmul.u32 $0x40, v0;
	v24 =	vand.u32 $0x7, v0;
	v60 =	vor.u32 $0x60, v0;
	[tilespmem:$0x1FE90] =	vst v59  }
0x6: {  	v22 =	vor.u32 $0x10, v0;
	v23 =	vor.u32 $0x20, v0;
	v0 =	vor.u32 $0x70, v0;
	[tilespmem:$0x1FEA0] =	vst v60  }
0x7: {  	[tilespmem:$0x1FEB0] =	vst v0  }
0x8: {  	[tilespmem:$0x1FF40] =	vst v24  }
0x9: {  	[tilespmem:$0x1FF50] =	vst v22  }
0xa: {  	[tilespmem:$0x1FF60] =	vst v23  }
0xb: {  	v8 =	vor.u32 $0x2000, v24;
	[tilespmem:$0x1FEC0] =	vst v11  }
0xc: {  	v38 =	vor.u32 $0x400, v11;
	[tilespmem:$0x1FFF0] =	vst v8  }
0xd: {  	v45 =	vor.u32 $0x800, v11;
	[tilespmem:$0x1FED0] =	vst v38  }
0xe: {  	v53 =	vor.u32 $0xC00, v11;
	[tilespmem:$0x1FEE0] =	vst v45  }
0xf: {  	s1 =	srdreg.scid;
	s3 =	stileid.u32;
	v61 =	vor.u32 $0x1000, v11;
	[tilespmem:$0x1FEF0] =	vst v53  }
0x10: {  	s9 =	simm.s32 $0x80;
	s11 =	simm.s32 $0x9;
	s13 =	simm.s32 $0x6400;
	v48 =	vor.u32 $0x1400, v11;
	[tilespmem:$0x1FF00] =	vst v61  }
0x11: {  	s14 =	simm.s32 $0x8400;
	s15 =	simm.s32 $0x1;
	s16 =	simm.s32 $0xE400;
	v25 =	vor.u32 $0x1800, v11;
	[tilespmem:$0x1FF10] =	vst v48  }
0x12: {  	s17 =	simm.s32 $0x400;
	s18 =	simm.s32 $0x8000;
	s19 =	simm.s32 $0xA400;
	v29 =	vor.u32 $0x1C00, v11;
	[tilespmem:$0x1FF20] =	vst v25  }
0x13: {  	s20 =	simm.s32 $0x2;
	s21 =	simm.s32 $0x10400;
	s22 =	simm.s32 $0xC400;
	v62 =	vor.u32 $0x2000, v11;
	[tilespmem:$0x1FF30] =	vst v29  }
0x14: {  	s23 =	simm.s32 $0x3;
	s24 =	simm.s32 $0x12400;
	s25 =	simm.s32 $0x5;
	v63 =	vor.u32 $0x2400, v11;
	[tilespmem:$0x1FF70] =	vst v62  }
0x15: {  	s28 =	simm.s32 $0x14400;
	s1 =	sand.u32 $0x1, s1;
	s3 =	sshll.u32 s3, $0x1;
	v2 =	vor.u32 $0x2800, v11;
	[tilespmem:$0x1FF80] =	vst v63  }
0x16: {  	s29 =	simm.s32 $0x6;
	s4 =	sadd.s32 $0xF42C00, s0;
	s3 =	sor.u32 s1, s3;
	v3 =	vor.u32 $0x2C00, v11;
	[tilespmem:$0x1FF90] =	vst v2  }
.Ltmp0:
0x17: {  	s1 =	ssub.s32 $0x2, s1;
	s26 =	sshll.u32 s3, $0x4;
	v4 =	vor.u32 $0x3000, v11;
	[tilespmem:$0x1FFA0] =	vst v3;
	(pc) =	sbr.rel .LBB2_1-.Ltmp0, $4  }
0x18: {  	s30 =	sshrl.u32 s1, $0x1;
	v5 =	vor.u32 $0x3400, v11;
	s5 =	sadd.s32 s26, s0;
	s0 =	sadd.s32 $0x19800, s0;
	[tilespmem:$0x1FFB0] =	vst v4  }
0x19: {  	v6 =	vor.u32 $0x3800, v11;
	[tilespmem:$0x1FFC0] =	vst v5;
	[dreg:$0x3] =	wrdreg s0;
	s0 =	ssub.s32 s1, s30;
	s31 =	sadd.s32 $0x800, s5  }
0x1a: {  	s7 =	sshll.u32 s3, $0xA;
	v7 =	vor.u32 $0x3C00, v11;
	[tilespmem:$0x1FFD0] =	vst v6;
	[dreg:$0x4] =	wrdreg s31;
	s0 =	smax.u32 s0, $0x1  }
0x1b: {  	s26 =	simm.s32 $0x4;
	[tilespmem:$0x1FFE0] =	vst v7;
	s1 =	simm.s32 $0x0;
	[dreg:$0x5] =	wrdreg s0  }
.LBB2_12:
0x1c: {  	s0 =	simm.s32 $0x7  }
0x1d: {  	_ =	swait.ge [sflag:s0], $0x2000  }
0x1e: {  	[sflag:s0] =	ssyncset.done $0x0  }
0x1f: {  	s3 =	simm.s32 $0x8;
	[sflag:s0] =	ssyncadd.s32 $0xFFFFE000  }
0x20: {  	_ =	swait.ge [sflag:s3], $0x2000  }
0x21: {  	v11 =	vld [tilespmem:$0x1FEC0]  }
0x22: {  	v38 =	vld [tilespmem:$0x1FED0]  }
0x23: {  	s1 =	sadd.s32 $0x1, s1;
	s31 =	rddreg [dreg:$0x5];
	v45 =	vld [tilespmem:$0x1FEE0]  }
0x24: {  	v53 =	vld [tilespmem:$0x1FEF0];
	p0 =	sne.s32 s1, s31  }
.Ltmp1:
0x25: {  	v61 =	vld [tilespmem:$0x1FF00];
	(pc) =	sbr.rel @!p0 .LBB2_13-.Ltmp1, $4  }
0x26: {  	v48 =	vld [tilespmem:$0x1FF10]  }
0x27: {  	v25 =	vld [tilespmem:$0x1FF20]  }
0x28: {  	[sflag:s3] =	ssyncset.done $0x0;
	v29 =	vld [tilespmem:$0x1FF30]  }
0x29: {  	v24 =	vld [tilespmem:$0x1FF40];
	[sflag:s3] =	ssyncadd.s32 $0xFFFFE000  }
.LBB2_1:
0x2a: {  	s0 =	simm.s32 $0x0;
	s3 =	rddreg [dreg:$0x4];
	s5 =	simm.s32 $0x1000  }
0x2b: {  	[tilespmem:s0], [sflag:$0x9] =	stream.strided.gather [hbm4b:s3+s9], $0x6400, s5, s9, $0x38;
	[tilespmem:$0x19680] =	vst v63  }
0x2c: {  	_ =	swait.ge [sflag:s11], $0x6400  }
0x2d: {  	[sflag:s11] =	ssyncset.done $0x0  }
0x2e: {  	s31 =	simm.s32 $0x16400;
	s30 =	rddreg [dreg:$0x3];
	[sflag:s11] =	ssyncadd.s32 $0xFFFF9C00  }
0x2f: {  	[tilespmem:s31], [sflag:$0x9] =	stream.linear.gather [hbm4b:s30+s0], $0x3200, $0x38;
	[tilespmem:$0x19680] =	vst v63  }
0x30: {  	_ =	swait.ge [sflag:s11], $0x3200  }
0x31: {  	[sflag:s11] =	ssyncset.done $0x0  }
0x32: {  	[sflag:s11] =	ssyncadd.s32 $0xFFFFCE00  }
0x33: {  	[tilespmem:s13], [sflag:$0x1] =	stream.indirect.gather [hbm4b:s4+s9], $0x40, s0, s9, $0xb8;
	[tilespmem:$0x19680] =	vst v63  }
0x34: {  	s0 =	simm.s32 $0x0  }
0x35: {  	[tilespmem:s14], [sflag:$0x2] =	stream.indirect.gather [hbm4b:s4+s9], $0x40, s9, s9, $0xb8;
	[tilespmem:$0x19680] =	vst v63  }
.LBB2_2:
0x36: {  	_ =	swait.ge [sflag:s15], $0x2000  }
0x37: {  	s3 =	sshll.u32 s0, $0x8;
	[sflag:s15] =	ssyncset.done $0x0  }
0x38: {  	s3 =	sand.u32 $0x3FFFFF00, s3;
	[sflag:s15] =	ssyncadd.s32 $0xFFFFE000  }
0x39: {  	v0 =	vld [tilespmem:s3+$0x16400];
	_ =	sdelay $0x4  }
0x3a: {  	[tilespmem:$0x19600] =	vst v0  }
0x3b: {  	[tilespmem:$0x19640] =	vst v0  }
0x3c: {  	v0 =	vld [tilespmem:s3+$0x16410];
	_ =	sdelay $0x4  }
0x3d: {  	[tilespmem:$0x19610] =	vst v0  }
0x3e: {  	[tilespmem:$0x19650] =	vst v0  }
0x3f: {  	v0 =	vld [tilespmem:s3+$0x16420];
	_ =	sdelay $0x4  }
0x40: {  	[tilespmem:$0x19620] =	vst v0  }
0x41: {  	[tilespmem:$0x19660] =	vst v0  }
0x42: {  	s6 =	simm.s32 $0x2;
	v50 =	vlaneseq.u32;
	v4 =	vld [tilespmem:s3+$0x16430]  }
0x43: {  	s5 =	simm.s32 $0x1;
	v2 =	vadd.s32 s6, v50  }
0x44: {  	s12 =	simm.s32 $0x3;
	v1 =	vadd.s32 s5, v50;
	v54 =	vld [tilespmem:$0x1FF50];
	v7 =	vand.u32 $0x3F, v2  }
0x45: {  	v8 =	vadd.s32 s12, v50;
	v3 =	vor.u32 v11, v7;
	v16 =	vor.u32 v61, v7  }
0x46: {  	v5 =	vand.u32 $0x3F, v1;
	v13 =	vand.u32 $0x3F, v8;
	[tilespmem:$0x1FDB0] =	vst v16  }
0x47: {  	v52 =	vld [tilespmem:$0x1FEB0];
	v14 =	vshll.u32 v2, $0x7;
	v1 =	vshll.u32 v1, $0x7;
	v6 =	vor.u32 v45, v5;
	[tilespmem:$0x19630] =	vst v4  }
0x48: {  	s30 =	simm.s32 $0x19602;
	v58 =	vld [tilespmem:$0x1FE80];
	v2 =	vor.u32 v53, v5;
	v9 =	vand.u32 $0x1C00, v1;
	[tilespmem:$0x19670] =	vst v4;
	v4 =	vor.u32 v29, v7  }
0x49: {  	v56 =	vmovc v24;
	v24 =	vor.u32 v24, v9;
	v9 =	vand.u32 $0x1C00, v14;
	v28 =	vor.u32 v54, v1;
	v36 =	vld [tilespmem:s30+$0xFFFFFFFF];
	[tilespmem:$0x1FDD0] =	vst v4  }
0x4a: {  	v27 =	vor.u32 v29, v13;
	v16 =	vmovc v29;
	v29 =	vor.u32 v56, v9;
	v9 =	vand.u32 $0x398, v28;
	v30 =	vld.idx.msk [tilespmem:v3+s13+$0x0], $0xffff  }
0x4b: {  	v23 =	vor.u32 v50, v1;
	v0 =	vor.u32 v11, v5;
	v9 =	vor.u32 v9, v24;
	v3 =	vld [tilespmem:$0x1FF60]  }
0x4c: {  	v23 =	vand.u32 $0x388, v23;
	v4 =	vld [tilespmem:s30+$0x0];
	[tilespmem:$0x1FE00] =	vst v9  }
0x4d: {  	v15 =	vor.u32 v45, v7;
	v31 =	vld.idx.msk [tilespmem:v2+s13+$0x0], $0xffff;
	v2 =	vor.u32 v23, v24  }
0x4e: {  	[tilespmem:$0x1FDF0] =	vst v2  }
0x4f: {  	v10 =	vor.u32 v38, v5;
	v12 =	vor.u32 v38, v7;
	v2 =	vor.u32 v52, v14;
	v23 =	vld.idx.msk [tilespmem:v6+s13+$0x0], $0xffff  }
0x50: {  	v18 =	vor.u32 v61, v5;
	v37 =	vld.idx.msk [tilespmem:v0+s13+$0x0], $0xffff;
	v0 =	vand.u32 $0x3F8, v2;
	v6 =	vor.u32 v3, v1  }
0x51: {  	v59 =	vld [tilespmem:$0x1FE70];
	v26 =	vor.u32 v50, v14;
	[tilespmem:$0x1FE30] =	vst v0;
	v0 =	vor.u32 v58, v14;
	v6 =	vand.u32 $0x3A8, v6  }
0x52: {  	v26 =	vand.u32 $0x388, v26;
	v28 =	vor.u32 v3, v14;
	v15 =	vld.idx.msk [tilespmem:v15+s13+$0x0], $0xffff;
	[tilespmem:$0x1FE60] =	vst v0;
	v0 =	vor.u32 v6, v24  }
0x53: {  	v20 =	vor.u32 v48, v5;
	v28 =	vand.u32 $0x3A8, v28;
	[tilespmem:$0x1FE10] =	vst v0;
	v0 =	vor.u32 v26, v29  }
0x54: {  	v2 =	vadd.f32 v31, v36;
	v39 =	vld.idx.msk [tilespmem:v10+s13+$0x0], $0xffff;
	[tilespmem:$0x1FDE0] =	vst v0;
	v0 =	vor.u32 v28, v29  }
0x55: {  	v9 =	vld [tilespmem:$0x1FEA0];
	[tilespmem:$0x1FD30] =	vst v0  }
0x56: {  	v40 =	vld.idx.msk [tilespmem:v18+s13+$0x0], $0xffff;
	[tilespmem:$0x1FE40] =	vst v2  }
0x57: {  	v18 =	vor.u32 v59, v1;
	v2 =	vadd.f32 v23, v36;
	v44 =	vld [tilespmem:s30+$0x1]  }
0x58: {  	v18 =	vand.u32 $0x3B8, v18;
	v12 =	vld.idx.msk [tilespmem:v12+s13+$0x0], $0xffff  }
0x59: {  	v55 =	vshll.u32 v8, $0x7;
	v20 =	vld.idx.msk [tilespmem:v20+s13+$0x0], $0xffff;
	[tilespmem:$0x1FE20] =	vst v2;
	v2 =	vor.u32 v18, v24  }
0x5a: {  	v17 =	vor.u32 v53, v7;
	v19 =	vor.u32 v48, v13;
	v21 =	vor.u32 v48, v7;
	v0 =	vld [tilespmem:$0x1FE90];
	[tilespmem:$0x1FE50] =	vst v2  }
0x5b: {  	v22 =	vor.u32 v38, v13;
	v63 =	vor.u32 v25, v13;
	v18 =	vor.u32 v25, v7;
	v7 =	vld.idx.msk [tilespmem:v27+s13+$0x0], $0xffff  }
0x5c: {  	v34 =	vor.u32 v11, v13;
	v43 =	vor.u32 v53, v13;
	v46 =	vor.u32 v45, v13  }
0x5d: {  	v28 =	vadd.f32 v30, v4;
	v30 =	vor.u32 v9, v14;
	v2 =	vadd.f32 v15, v4  }
0x5e: {  	v13 =	vor.u32 v61, v13;
	v32 =	vor.u32 v52, v1;
	v30 =	vand.u32 $0x3E8, v30  }
0x5f: {  	v35 =	vor.u32 v59, v14;
	v41 =	vor.u32 v58, v1;
	[tilespmem:$0x1FD40] =	vst v2;
	v2 =	vor.u32 v30, v29  }
0x60: {  	v33 =	vor.u32 v16, v5;
	v26 =	vor.u32 v0, v14;
	[tilespmem:$0x1FD50] =	vst v2;
	v2 =	vadd.f32 v7, v44  }
0x61: {  	v5 =	vor.u32 v25, v5;
	v31 =	vadd.f32 v39, v36;
	v51 =	vand.u32 $0x3D8, v26;
	v17 =	vld.idx.msk [tilespmem:v17+s13+$0x0], $0xffff  }
0x62: {  	v7 =	vor.u32 v0, v1;
	v1 =	vor.u32 v9, v1;
	[tilespmem:$0x1FD60] =	vst v2;
	v2 =	vor.u32 v51, v29  }
0x63: {  	v27 =	vor.u32 v54, v14;
	v14 =	vand.u32 $0x3C8, v41;
	v1 =	vand.u32 $0x3E8, v1;
	v8 =	vld.idx.msk [tilespmem:v21+s13+$0x0], $0xffff;
	[tilespmem:$0x1FD70] =	vst v2  }
0x64: {  	v39 =	vadd.f32 v40, v36;
	v40 =	vand.u32 $0x3B8, v35;
	v49 =	vor.u32 v1, v24;
	v1 =	vld.idx.msk [tilespmem:v19+s13+$0x0], $0xffff  }
0x65: {  	v42 =	vor.u32 v14, v24;
	v14 =	vor.u32 v3, v55;
	v26 =	vadd.f32 v12, v4  }
0x66: {  	v41 =	vadd.f32 v20, v36;
	v7 =	vand.u32 $0x3D8, v7;
	v2 =	vadd.f32 v17, v4  }
0x67: {  	v20 =	vand.u32 $0x3A8, v14;
	v51 =	vor.u32 v7, v24;
	v7 =	vor.u32 v54, v55;
	v12 =	vld.idx.msk [tilespmem:v33+s13+$0x0], $0xffff  }
0x68: {  	v47 =	vand.u32 $0x398, v7;
	v7 =	vor.u32 v59, v55;
	[tilespmem:$0x1FD80] =	vst v2;
	v2 =	vadd.f32 v8, v4  }
0x69: {  	s31 =	simm.s32 $0x0;
	v35 =	vand.u32 $0x3B8, v7;
	v7 =	vor.u32 v0, v55;
	v5 =	vld.idx.msk [tilespmem:v5+s13+$0x0], $0xffff;
	v1 =	vadd.f32 v1, v44  }
0x6a: {  	v14 =	vand.u32 $0x3F8, v32;
	v32 =	vand.u32 $0x3D8, v7;
	v7 =	vadd.s32 s31, v50;
	v17 =	vld.idx.msk [tilespmem:v34+s13+$0x0], $0xffff;
	[tilespmem:$0x1FD90] =	vst v2  }
0x6b: {  	v23 =	vadd.f32 v37, v36;
	v60 =	vor.u32 v14, v24;
	v62 =	vand.u32 $0x3F, v7;
	v2 =	vld [tilespmem:$0x1FDB0];
	[tilespmem:$0x1FDA0] =	vst v1  }
0x6c: {  	v24 =	vor.u32 v38, v62;
	v57 =	vor.u32 v53, v62;
	v33 =	vadd.f32 v12, v36;
	v12 =	vld.idx.msk [tilespmem:v22+s13+$0x0], $0xffff  }
0x6d: {  	v15 =	vor.u32 v61, v62;
	v10 =	vor.u32 v25, v62;
	v22 =	vshll.u32 v7, $0x7;
	v7 =	vld.idx.msk [tilespmem:v13+s13+$0x0], $0xffff  }
0x6e: {  	v1 =	vadd.f32 v5, v36;
	v36 =	vor.u32 v45, v62;
	v13 =	vor.u32 v11, v62;
	v14 =	vld.idx.msk [tilespmem:v43+s13+$0x0], $0xffff  }
0x6f: {  	v5 =	vld.idx.msk [tilespmem:v46+s13+$0x0], $0xffff;
	v8 =	vor.u32 v50, v22;
	v34 =	vor.u32 v3, v22;
	v11 =	vor.u32 v0, v22  }
0x70: {  	v25 =	vld.idx.msk [tilespmem:v63+s13+$0x0], $0xffff;
	v19 =	vor.u32 v9, v22;
	v21 =	vand.u32 $0x388, v8;
	v8 =	vor.u32 v54, v22  }
0x71: {  	v54 =	vand.u32 $0x1C00, v22;
	v61 =	vand.u32 $0x3A8, v34;
	v11 =	vand.u32 $0x3D8, v11  }
0x72: {  	v38 =	vand.u32 $0x398, v8;
	v8 =	vadd.f32 v17, v44;
	v53 =	vadd.f32 v7, v44  }
0x73: {  	v17 =	vor.u32 v58, v22;
	v7 =	vadd.f32 v12, v44;
	v12 =	vld.idx.msk [tilespmem:v2+s13+$0x0], $0xffff;
	v2 =	vadd.f32 v14, v44  }
0x74: {  	v0 =	vor.u32 v56, v54;
	v17 =	vand.u32 $0x3C8, v17;
	v5 =	vadd.f32 v5, v44  }
0x75: {  	v34 =	vadd.f32 v25, v44;
	v25 =	vor.u32 v59, v22;
	v46 =	vor.u32 v17, v0;
	[tilespmem:$0x1FDC0] =	vst v2;
	v2 =	vld [tilespmem:$0x1FDD0]  }
0x76: {  	v17 =	vand.u32 $0x3E8, v19;
	v14 =	vor.u32 v21, v0;
	v25 =	vand.u32 $0x3B8, v25  }
0x77: {  	v21 =	vor.u32 v38, v0;
	v43 =	vor.u32 v25, v0;
	v25 =	vld.idx.msk [tilespmem:v13+s13+$0x0], $0xffff;
	v13 =	vor.u32 v52, v22  }
0x78: {  	v38 =	vor.u32 v11, v0;
	v37 =	vor.u32 v17, v0;
	v19 =	vld.idx.msk [tilespmem:v36+s13+$0x0], $0xffff;
	v11 =	vand.u32 $0x3F8, v13  }
0x79: {  	v44 =	vor.u32 v61, v0;
	v36 =	vor.u32 v11, v0;
	v0 =	vor.u32 v9, v55;
	v9 =	vld [tilespmem:$0x1FDE0];
	_ =	sdelay $0x2  }
0x7a: {  	v3 =	vld.idx.msk [tilespmem:v18+s13+$0x0], $0xffff  }
0x7b: {  	v6 =	vld.idx.msk [tilespmem:v2+s13+$0x0], $0xffff;
	_ =	sdelay $0x3  }
0x7c: {  	v17 =	vadd.f32 v3, v4;
	[tilespmem:v9+s16+$0x0] =	vst.idx.msk $0xffff, v28  }
0x7d: {  	v2 =	vadd.f32 v12, v4;
	v28 =	vadd.f32 v6, v4;
	v4 =	vld [tilespmem:$0x1FDF0];
	_ =	sdelay $0x7  }
0x7e: {  	v3 =	vand.u32 $0x1C00, v55;
	[tilespmem:v4+s16+$0x0] =	vst.idx.msk $0xffff, v23  }
0x7f: {  	v9 =	vor.u32 v56, v3;
	v3 =	vld [tilespmem:$0x1FE00];
	_ =	sdelay $0x7  }
0x80: {  	v13 =	vor.u32 v58, v55;
	[tilespmem:v3+s16+$0x0] =	vst.idx.msk $0xffff, v31  }
0x81: {  	v23 =	vand.u32 $0x3C8, v13;
	v13 =	vld [tilespmem:$0x1FE10];
	_ =	sdelay $0x1  }
0x82: {  	v11 =	vld.idx.msk [tilespmem:v15+s13+$0x0], $0xffff  }
0x83: {  	v15 =	vld [tilespmem:$0x1FE20];
	_ =	sdelay $0x2  }
0x84: {  	v12 =	vld [tilespmem:s30+$0xFFFFFFFE];
	_ =	sdelay $0x1  }
0x85: {  	v3 =	vor.u32 v50, v55;
	[tilespmem:v13+s16+$0x0] =	vst.idx.msk $0xffff, v15  }
0x86: {  	v13 =	vand.u32 $0x388, v3;
	v3 =	vld [tilespmem:$0x1FE30]  }
0x87: {  	v6 =	vand.u32 $0x3E8, v0  }
0x88: {  	v15 =	vadd.f32 v25, v12;
	v25 =	vor.u32 v6, v9;
	v6 =	vld [tilespmem:$0x1FE50]  }
0x89: {  	v63 =	vor.u32 v16, v62  }
0x8a: {  	v30 =	vor.u32 v52, v55  }
0x8b: {  	v0 =	vand.u32 $0x3F8, v30;
	v30 =	vor.u32 v3, v29;
	v3 =	vld [tilespmem:$0x1FE40];
	_ =	sdelay $0x1  }
0x8c: {  	v59 =	vld.idx.msk [tilespmem:v10+s13+$0x0], $0xffff  }
0x8d: {  	v10 =	vld.idx.msk [tilespmem:v63+s13+$0x0], $0xffff  }
0x8e: {  	v18 =	vld.idx.msk [tilespmem:v24+s13+$0x0], $0xffff  }
0x8f: {  	v22 =	vld.idx.msk [tilespmem:v57+s13+$0x0], $0xffff;
	[tilespmem:v6+s16+$0x0] =	vst.idx.msk $0xffff, v3  }
0x90: {  	v24 =	vor.u32 v0, v9;
	v0 =	vor.u32 v48, v62;
	v3 =	vld [tilespmem:$0x1FE60]  }
0x91: {  	v58 =	vand.u32 $0x398, v27  }
0x92: {  	v63 =	vor.u32 v35, v9;
	v16 =	vadd.f32 v10, v12;
	v48 =	vadd.f32 v11, v12  }
0x93: {  	v11 =	vor.u32 v58, v29;
	v4 =	vor.u32 v20, v9;
	v50 =	vadd.f32 v19, v12  }
0x94: {  	v19 =	vadd.f32 v18, v12;
	v55 =	vadd.f32 v22, v12;
	v18 =	vor.u32 v23, v9  }
0x95: {  	s5 =	simm.s32 $0x4;
	s6 =	simm.s32 $0x19606;
	v0 =	vld.idx.msk [tilespmem:v0+s13+$0x0], $0xffff;
	v22 =	vadd.f32 v59, v12;
	v6 =	vor.u32 v32, v9;
	v20 =	vand.u32 $0x3C8, v3  }
.LBB2_3:
0x96: {  	[tilespmem:$0x1FC00] =	vst v30  }
0x97: {  	[tilespmem:$0x1FBD0] =	vst v46  }
0x98: {  	[tilespmem:$0x1FCA0] =	vst v24  }
0x99: {  	[tilespmem:$0x1FC80] =	vst v25;
	v32 =	vld [tilespmem:$0x1FEC0]  }
0x9a: {  	[tilespmem:v42+s16+$0x0] =	vst.idx.msk $0xffff, v39;
	v30 =	vld [tilespmem:$0x1FED0]  }
0x9b: {  	v24 =	vld [tilespmem:$0x1FEF0];
	[tilespmem:v14+s16+$0x0] =	vst.idx.msk $0xffff, v15  }
0x9c: {  	v54 =	vld [tilespmem:s6+$0x0];
	[tilespmem:v51+s16+$0x0] =	vst.idx.msk $0xffff, v41  }
0x9d: {  	s3 =	sadd.s32 $0x1, s5;
	s8 =	sadd.s32 $0x2, s5;
	v46 =	vlaneseq.u32;
	v57 =	vld [tilespmem:$0x1FD30];
	[tilespmem:v21+s16+$0x0] =	vst.idx.msk $0xffff, v19  }
0x9e: {  	v14 =	vor.u32 v20, v29;
	v15 =	vadd.s32 s3, v46;
	v20 =	vadd.s32 s8, v46;
	[tilespmem:v49+s16+$0x0] =	vst.idx.msk $0xffff, v1;
	v21 =	vld [tilespmem:$0x1FEE0]  }
0x9f: {  	[tilespmem:$0x1FC50] =	vst v22;
	v22 =	vor.u32 v13, v9;
	v13 =	vand.u32 $0x3F, v15;
	v25 =	vand.u32 $0x3F, v20;
	v1 =	vld [tilespmem:s6+$0xFFFFFFFF]  }
0xa0: {  	[tilespmem:v60+s16+$0x0] =	vst.idx.msk $0xffff, v33;
	v60 =	vmov v63;
	v63 =	vld [tilespmem:$0x1FF00];
	v0 =	vadd.f32 v0, v12;
	v12 =	vor.u32 v32, v25  }
0xa1: {  	v10 =	vor.u32 v40, v29;
	v59 =	vld [tilespmem:$0x1FF10];
	v29 =	vor.u32 v24, v13  }
0xa2: {  	v45 =	vld [tilespmem:$0x1FD40]  }
0xa3: {  	v58 =	vld [tilespmem:s6+$0x1];
	v39 =	vor.u32 v30, v25  }
0xa4: {  	[tilespmem:v11+s16+$0x0] =	vst.idx.msk $0xffff, v26;
	v56 =	vld [tilespmem:$0x1FF40];
	v19 =	vor.u32 v21, v13  }
0xa5: {  	v42 =	vor.u32 v63, v13;
	v35 =	vld.idx.msk [tilespmem:v12+s13+$0x0], $0xffff  }
0xa6: {  	[tilespmem:v22+s16+$0x0] =	vst.idx.msk $0xffff, v8;
	v22 =	vld.idx.msk [tilespmem:v29+s13+$0x0], $0xffff  }
0xa7: {  	[tilespmem:v57+s16+$0x0] =	vst.idx.msk $0xffff, v45;
	v45 =	vmov v55;
	v55 =	vld [tilespmem:$0x1FE70]  }
0xa8: {  	[tilespmem:$0x1FC30] =	vst v38;
	v47 =	vor.u32 v47, v9;
	v38 =	vld.idx.msk [tilespmem:v39+s13+$0x0], $0xffff  }
0xa9: {  	v11 =	vor.u32 v59, v13;
	v26 =	vld.idx.msk [tilespmem:v19+s13+$0x0], $0xffff  }
0xaa: {  	v39 =	vld.idx.msk [tilespmem:v42+s13+$0x0], $0xffff  }
0xab: {  	v40 =	vshll.u32 v20, $0x7;
	v20 =	vor.u32 v21, v25;
	v42 =	vld [tilespmem:$0x1FD80]  }
0xac: {  	v27 =	vor.u32 v46, v40;
	v29 =	vand.u32 $0x1C00, v40  }
0xad: {  	v15 =	vshll.u32 v15, $0x7;
	[tilespmem:v47+s16+$0x0] =	vst.idx.msk $0xffff, v7;
	v7 =	vand.u32 $0x388, v27;
	v29 =	vor.u32 v56, v29  }
0xae: {  	v9 =	vand.u32 $0x1C00, v15;
	[tilespmem:v4+s16+$0x0] =	vst.idx.msk $0xffff, v5;
	v47 =	vld.idx.msk [tilespmem:v11+s13+$0x0], $0xffff;
	v4 =	vor.u32 v7, v29  }
0xaf: {  	v7 =	vor.u32 v55, v15;
	v11 =	vadd.f32 v22, v1;
	v22 =	vadd.f32 v26, v1;
	v26 =	vld [tilespmem:$0x1FD70]  }
0xb0: {  	v9 =	vor.u32 v56, v9;
	v20 =	vld.idx.msk [tilespmem:v20+s13+$0x0], $0xffff;
	v7 =	vand.u32 $0x3B8, v7;
	[tilespmem:v10+s16+$0x0] =	vst.idx.msk $0xffff, v42  }
0xb1: {  	[tilespmem:v14+s16+$0x0] =	vst.idx.msk $0xffff, v2;
	v2 =	vor.u32 v7, v9  }
0xb2: {  	v41 =	vor.u32 v24, v25;
	[tilespmem:$0x1FD00] =	vst v2;
	v2 =	vld [tilespmem:$0x1FD90]  }
0xb3: {  	v49 =	vor.u32 v63, v25;
	_ =	sdelay $0x2  }
0xb4: {  	v62 =	vld [tilespmem:$0x1FF30]  }
0xb5: {  	v14 =	vld.idx.msk [tilespmem:v41+s13+$0x0], $0xffff;
	[tilespmem:v26+s16+$0x0] =	vst.idx.msk $0xffff, v2  }
0xb6: {  	v2 =	vld.idx.msk [tilespmem:v49+s13+$0x0], $0xffff  }
0xb7: {  	s10 =	sadd.s32 $0x3, s5;
	v26 =	vld [tilespmem:$0x1FD50]  }
0xb8: {  	[tilespmem:$0x1FCB0] =	vst v16;
	v16 =	vadd.s32 s10, v46  }
0xb9: {  	[tilespmem:$0x1FBE0] =	vst v48;
	v48 =	vld [tilespmem:$0x1FEB0];
	v51 =	vand.u32 $0x3F, v16  }
0xba: {  	[tilespmem:$0x1FC10] =	vst v28;
	v28 =	vor.u32 v62, v51  }
0xbb: {  	v31 =	vor.u32 v62, v25;
	[tilespmem:$0x1FD10] =	vst v2;
	v2 =	vld [tilespmem:$0x1FDC0]  }
0xbc: {  	[tilespmem:$0x1FBB0] =	vst v50;
	v50 =	vld [tilespmem:$0x1FF60];
	v23 =	vor.u32 v30, v13;
	_ =	sdelay $0x1  }
0xbd: {  	v12 =	vor.u32 v48, v15  }
0xbe: {  	v28 =	vld.idx.msk [tilespmem:v28+s13+$0x0], $0xffff;
	[tilespmem:v26+s16+$0x0] =	vst.idx.msk $0xffff, v17  }
0xbf: {  	[tilespmem:v60+s16+$0x0] =	vst.idx.msk $0xffff, v2;
	v2 =	vld.idx.msk [tilespmem:v31+s13+$0x0], $0xffff  }
0xc0: {  	v57 =	vor.u32 v50, v15;
	[tilespmem:$0x1FBC0] =	vst v12;
	v12 =	vmov v44;
	v44 =	vld.idx.msk [tilespmem:v23+s13+$0x0], $0xffff  }
0xc1: {  	v3 =	vor.u32 v59, v51;
	[tilespmem:$0x1FC20] =	vst v0;
	v23 =	vand.u32 $0x3A8, v57;
	v57 =	vld [tilespmem:$0x1FE80]  }
0xc2: {  	v61 =	vld [tilespmem:$0x1FF20];
	[tilespmem:$0x1FBA0] =	vst v3;
	v3 =	vor.u32 v59, v25  }
0xc3: {  	v8 =	vld [tilespmem:$0x1FF50];
	[tilespmem:$0x1FB90] =	vst v3;
	v19 =	vor.u32 v46, v15  }
0xc4: {  	v0 =	vor.u32 v32, v13;
	v52 =	vand.u32 $0x388, v19;
	[tilespmem:$0x1FD20] =	vst v2;
	v2 =	vld [tilespmem:$0x1FB90]  }
0xc5: {  	v19 =	vor.u32 v52, v9  }
0xc6: {  	[tilespmem:$0x1FBF0] =	vst v19;
	v19 =	vor.u32 v57, v40  }
0xc7: {  	v3 =	vor.u32 v30, v51;
	[tilespmem:$0x1FCE0] =	vst v19;
	v19 =	vld [tilespmem:$0x1FEA0]  }
0xc8: {  	[tilespmem:$0x1FC40] =	vst v3;
	v3 =	vor.u32 v61, v51  }
0xc9: {  	[tilespmem:$0x1FC70] =	vst v3;
	v3 =	vld.idx.msk [tilespmem:v0+s13+$0x0], $0xffff;
	v0 =	vor.u32 v8, v15  }
0xca: {  	v25 =	vor.u32 v61, v25;
	v0 =	vand.u32 $0x398, v0  }
0xcb: {  	v33 =	vor.u32 v50, v40;
	v0 =	vor.u32 v0, v9  }
0xcc: {  	v33 =	vand.u32 $0x3A8, v33;
	[tilespmem:$0x1FCF0] =	vst v11;
	v11 =	vor.u32 v19, v40;
	v60 =	vld.idx.msk [tilespmem:v2+s13+$0x0], $0xffff;
	v2 =	vadd.f32 v14, v54  }
0xcd: {  	v5 =	vor.u32 v33, v29;
	[tilespmem:$0x1FCD0] =	vst v0;
	v33 =	vand.u32 $0x3E8, v11  }
0xce: {  	v35 =	vadd.f32 v35, v54;
	v17 =	vor.u32 v33, v29;
	[tilespmem:$0x1FD80] =	vst v2;
	v2 =	vld [tilespmem:$0x1FBA0]  }
0xcf: {  	[tilespmem:$0x1FD50] =	vst v17;
	v17 =	vld.idx.msk [tilespmem:v25+s13+$0x0], $0xffff  }
0xd0: {  	v0 =	vor.u32 v32, v51;
	[tilespmem:v4+s16+$0x0] =	vst.idx.msk $0xffff, v35;
	v4 =	vld [tilespmem:$0x1FDA0]  }
0xd1: {  	v52 =	vld [tilespmem:$0x1FE90];
	_ =	sdelay $0x1  }
0xd2: {  	[tilespmem:$0x1FCC0] =	vst v36  }
0xd3: {  	v36 =	vor.u32 v62, v13;
	[tilespmem:v18+s16+$0x0] =	vst.idx.msk $0xffff, v53  }
0xd4: {  	v0 =	vld.idx.msk [tilespmem:v0+s13+$0x0], $0xffff;
	[tilespmem:v6+s16+$0x0] =	vst.idx.msk $0xffff, v4  }
0xd5: {  	[tilespmem:$0x1FD30] =	vst v5;
	v5 =	vor.u32 v52, v40;
	v4 =	vld.idx.msk [tilespmem:v2+s13+$0x0], $0xffff  }
0xd6: {  	v5 =	vand.u32 $0x3D8, v5;
	v2 =	vld [tilespmem:$0x1FBB0]  }
0xd7: {  	v5 =	vor.u32 v5, v29  }
0xd8: {  	v10 =	vor.u32 v57, v15;
	[tilespmem:$0x1FD70] =	vst v5;
	v5 =	vld.idx.msk [tilespmem:v36+s13+$0x0], $0xffff  }
0xd9: {  	[tilespmem:$0x1FC60] =	vst v37;
	v10 =	vand.u32 $0x3C8, v10  }
0xda: {  	[tilespmem:$0x1FC90] =	vst v34;
	v34 =	vor.u32 v48, v40;
	v42 =	vor.u32 v10, v9;
	v10 =	vld [tilespmem:$0x1FBD0]  }
0xdb: {  	v16 =	vshll.u32 v16, $0x7;
	v27 =	vor.u32 v24, v51;
	v11 =	vor.u32 v21, v51;
	[tilespmem:v12+s16+$0x0] =	vst.idx.msk $0xffff, v2;
	v2 =	vld [tilespmem:$0x1FBC0]  }
0xdc: {  	v37 =	vmovc v43;
	v23 =	vor.u32 v23, v9;
	v43 =	vor.u32 v55, v40;
	v7 =	vadd.f32 v44, v1  }
0xdd: {  	v44 =	vor.u32 v8, v40;
	v40 =	vand.u32 $0x3B8, v43;
	v33 =	vadd.f32 v5, v1  }
0xde: {  	v18 =	vor.u32 v52, v15;
	v15 =	vor.u32 v19, v15;
	v5 =	vadd.f32 v60, v54;
	v12 =	vld [tilespmem:$0x1FBE0]  }
0xdf: {  	v43 =	vor.u32 v63, v51;
	v18 =	vand.u32 $0x3D8, v18;
	v15 =	vand.u32 $0x3E8, v15  }
0xe0: {  	v51 =	vor.u32 v18, v9;
	v35 =	vld.idx.msk [tilespmem:v11+s13+$0x0], $0xffff;
	[tilespmem:$0x1FD90] =	vst v5;
	v5 =	vand.u32 $0x1C00, v16;
	v2 =	vand.u32 $0x3F8, v2  }
0xe1: {  	v49 =	vor.u32 v15, v9;
	v60 =	vor.u32 v2, v9;
	v9 =	vor.u32 v56, v5;
	v5 =	vld [tilespmem:$0x1FC30]  }
0xe2: {  	v11 =	vld [tilespmem:$0x1FC70];
	[tilespmem:v37+s16+$0x0] =	vst.idx.msk $0xffff, v45  }
0xe3: {  	v13 =	vor.u32 v61, v13;
	[tilespmem:v10+s16+$0x0] =	vst.idx.msk $0xffff, v12;
	v10 =	vld [tilespmem:$0x1FBF0]  }
0xe4: {  	v2 =	vadd.f32 v4, v58;
	v4 =	vld [tilespmem:$0x1FC20];
	_ =	sdelay $0x2  }
0xe5: {  	v12 =	vld [tilespmem:$0x1FC00]  }
0xe6: {  	v13 =	vld.idx.msk [tilespmem:v13+s13+$0x0], $0xffff;
	v20 =	vadd.f32 v20, v54  }
0xe7: {  	v15 =	vor.u32 v52, v16;
	[tilespmem:v5+s16+$0x0] =	vst.idx.msk $0xffff, v4;
	v4 =	vld [tilespmem:$0x1FC40]  }
0xe8: {  	[tilespmem:$0x1FD40] =	vst v20;
	v20 =	vadd.f32 v3, v1;
	v18 =	vand.u32 $0x3D8, v15;
	v15 =	vld [tilespmem:$0x1FC10]  }
0xe9: {  	v3 =	vor.u32 v57, v16;
	v31 =	vor.u32 v48, v16  }
0xea: {  	[tilespmem:v10+s16+$0x0] =	vst.idx.msk $0xffff, v20;
	v10 =	vand.u32 $0x3C8, v3;
	v3 =	vand.u32 $0x3F8, v31;
	v31 =	vand.u32 $0x398, v44;
	v44 =	vld.idx.msk [tilespmem:v11+s13+$0x0], $0xffff  }
0xeb: {  	v11 =	vld [tilespmem:$0x1FC80]  }
0xec: {  	v39 =	vadd.f32 v39, v1;
	v41 =	vadd.f32 v47, v1  }
0xed: {  	v1 =	vadd.f32 v13, v1;
	v27 =	vld.idx.msk [tilespmem:v27+s13+$0x0], $0xffff;
	[tilespmem:v12+s16+$0x0] =	vst.idx.msk $0xffff, v15;
	v12 =	vor.u32 v46, v16  }
0xee: {  	v14 =	vor.u32 v50, v16;
	v6 =	vor.u32 v8, v16;
	v13 =	vand.u32 $0x388, v12;
	v12 =	vld [tilespmem:$0x1FC90]  }
0xef: {  	v47 =	vand.u32 $0x398, v6;
	v6 =	vand.u32 $0x3A8, v14;
	v20 =	vld.idx.msk [tilespmem:v4+s13+$0x0], $0xffff  }
0xf0: {  	v4 =	vor.u32 v6, v9;
	v6 =	vld [tilespmem:$0x1FC60]  }
0xf1: {  	v15 =	vld.idx.msk [tilespmem:v43+s13+$0x0], $0xffff  }
0xf2: {  	v5 =	vld [tilespmem:$0x1FC50]  }
0xf3: {  	s31 =	smov.u32 s5;
	[tilespmem:v11+s16+$0x0] =	vst.idx.msk $0xffff, v12;
	v11 =	vld [tilespmem:$0x1FCA0]  }
0xf4: {  	[tilespmem:$0x1FDA0] =	vst v2;
	v2 =	vadd.s32 s31, v46  }
0xf5: {  	v36 =	vshll.u32 v2, $0x7;
	v2 =	vand.u32 $0x3F, v2  }
0xf6: {  	v43 =	vor.u32 v61, v2;
	v61 =	vld [tilespmem:$0x1FD60];
	_ =	sdelay $0x1  }
0xf7: {  	[tilespmem:v6+s16+$0x0] =	vst.idx.msk $0xffff, v5;
	v5 =	vor.u32 v32, v2  }
0xf8: {  	v3 =	vor.u32 v3, v9  }
0xf9: {  	v37 =	vor.u32 v24, v2;
	v24 =	vmov v3;
	v3 =	vld [tilespmem:$0x1FCD0]  }
0xfa: {  	v28 =	vadd.f32 v28, v58;
	[tilespmem:v11+s16+$0x0] =	vst.idx.msk $0xffff, v61;
	v11 =	vld [tilespmem:$0x1FCC0];
	_ =	sdelay $0x1  }
0xfb: {  	v8 =	vor.u32 v8, v36;
	v32 =	vmov v28;
	v28 =	vld.idx.msk [tilespmem:v5+s13+$0x0], $0xffff  }
0xfc: {  	v5 =	vand.u32 $0x398, v8;
	v8 =	vadd.f32 v0, v58;
	v0 =	vld [tilespmem:$0x1FCB0]  }
0xfd: {  	v25 =	vor.u32 v19, v16;
	v14 =	vor.u32 v55, v16;
	v16 =	vor.u32 v21, v2  }
0xfe: {  	v26 =	vadd.f32 v38, v54;
	v14 =	vand.u32 $0x3B8, v14  }
0xff: {  	v38 =	vor.u32 v63, v2;
	v63 =	vor.u32 v14, v9;
	v53 =	vor.u32 v50, v36  }
0x100: {  	v34 =	vand.u32 $0x3F8, v34;
	v21 =	vor.u32 v46, v36;
	[tilespmem:v3+s16+$0x0] =	vst.idx.msk $0xffff, v7;
	v3 =	vld [tilespmem:$0x1FD00];
	v6 =	vor.u32 v30, v2  }
0x101: {  	v50 =	vor.u32 v57, v36;
	v57 =	vor.u32 v59, v2;
	v14 =	vand.u32 $0x388, v21;
	v12 =	vld [tilespmem:s6+$0xFFFFFFFE];
	[tilespmem:v11+s16+$0x0] =	vst.idx.msk $0xffff, v0  }
0x102: {  	v21 =	vand.u32 $0x1C00, v36;
	v0 =	vld.idx.msk [tilespmem:v16+s13+$0x0], $0xffff;
	v16 =	vor.u32 v62, v2;
	v2 =	vor.u32 v55, v36  }
0x103: {  	v25 =	vand.u32 $0x3E8, v25;
	v61 =	vor.u32 v56, v21;
	v62 =	vld.idx.msk [tilespmem:v43+s13+$0x0], $0xffff;
	v2 =	vand.u32 $0x3B8, v2  }
0x104: {  	v17 =	vadd.f32 v17, v54;
	v25 =	vor.u32 v25, v9;
	v43 =	vor.u32 v2, v61;
	v2 =	vld [tilespmem:$0x1FCF0]  }
0x105: {  	v52 =	vor.u32 v52, v36;
	v59 =	vor.u32 v19, v36;
	v45 =	vand.u32 $0x3A8, v53;
	v6 =	vld.idx.msk [tilespmem:v6+s13+$0x0], $0xffff  }
0x106: {  	v53 =	vadd.f32 v15, v58;
	[tilespmem:v23+s16+$0x0] =	vst.idx.msk $0xffff, v22;
	v7 =	vadd.f32 v20, v58;
	v37 =	vld.idx.msk [tilespmem:v37+s13+$0x0], $0xffff  }
0x107: {  	v30 =	vor.u32 v34, v29;
	v56 =	vand.u32 $0x3C8, v50;
	v14 =	vor.u32 v14, v61;
	v34 =	vld.idx.msk [tilespmem:v38+s13+$0x0], $0xffff  }
0x108: {  	v46 =	vor.u32 v56, v61;
	v16 =	vld.idx.msk [tilespmem:v16+s13+$0x0], $0xffff;
	v50 =	vadd.f32 v0, v12;
	v0 =	vand.u32 $0x3D8, v52  }
0x109: {  	v38 =	vor.u32 v0, v61;
	v0 =	vld [tilespmem:$0x1FCE0];
	[tilespmem:v3+s16+$0x0] =	vst.idx.msk $0xffff, v2;
	v2 =	vadd.f32 v27, v58  }
0x10a: {  	v21 =	vor.u32 v5, v61;
	v5 =	vadd.f32 v35, v58;
	v15 =	vadd.f32 v28, v12;
	v3 =	vld [tilespmem:$0x1FD20]  }
0x10b: {  	p0 =	slt.u32 s5, $0x3C;
	v11 =	vand.u32 $0x3E8, v59;
	v19 =	vadd.f32 v6, v12;
	v55 =	vadd.f32 v37, v12;
	[tilespmem:$0x1FDC0] =	vst v2;
	v2 =	vld [tilespmem:$0x1FD10]  }
.Ltmp2:
0x10c: {  	v6 =	vor.u32 v48, v36;
	v48 =	vadd.f32 v34, v12;
	v37 =	vor.u32 v11, v61;
	(pc) =	sbr.rel @p0 .LBB2_3-.Ltmp2, $4  }
0x10d: {  	v22 =	vadd.f32 v62, v12;
	v11 =	vor.u32 v31, v29;
	v34 =	vadd.f32 v44, v58  }
0x10e: {  	v44 =	vor.u32 v45, v61;
	v23 =	vand.u32 $0x3F8, v6;
	v6 =	vor.u32 v18, v9  }
0x10f: {  	v18 =	vor.u32 v10, v9;
	v36 =	vor.u32 v23, v61;
	v16 =	vadd.f32 v16, v12  }
0x110: {  	s5 =	sadd.s32 $0x4, s5;
	[tilespmem:$0x1FD60] =	vst v32;
	s6 =	sadd.s32 $0x4, s6;
	v20 =	vand.u32 $0x3C8, v0;
	v0 =	vld.idx.msk [tilespmem:v57+s13+$0x0], $0xffff;
	v28 =	vadd.f32 v3, v54;
	v2 =	vadd.f32 v2, v54  }
0x111: {  	_ =	sdelay $0x3  }
0x112: {  	[tilespmem:v14+s16+$0x0] =	vst.idx.msk $0xffff, v15  }
0x113: {  	[tilespmem:v42+s16+$0x0] =	vst.idx.msk $0xffff, v39  }
0x114: {  	v10 =	vor.u32 v13, v9;
	[tilespmem:v11+s16+$0x0] =	vst.idx.msk $0xffff, v26  }
0x115: {  	[tilespmem:v21+s16+$0x0] =	vst.idx.msk $0xffff, v19  }
0x116: {  	[tilespmem:v51+s16+$0x0] =	vst.idx.msk $0xffff, v41  }
0x117: {  	[tilespmem:v49+s16+$0x0] =	vst.idx.msk $0xffff, v1  }
0x118: {  	[tilespmem:v60+s16+$0x0] =	vst.idx.msk $0xffff, v33  }
0x119: {  	[tilespmem:v10+s16+$0x0] =	vst.idx.msk $0xffff, v8  }
0x11a: {  	v8 =	vld [tilespmem:$0x1FD30]  }
0x11b: {  	v1 =	vor.u32 v47, v9;
	_ =	sdelay $0x1  }
0x11c: {  	v10 =	vld [tilespmem:$0x1FD40];
	_ =	sdelay $0x2  }
0x11d: {  	[tilespmem:v1+s16+$0x0] =	vst.idx.msk $0xffff, v7  }
0x11e: {  	[tilespmem:v4+s16+$0x0] =	vst.idx.msk $0xffff, v5  }
0x11f: {  	[tilespmem:v8+s16+$0x0] =	vst.idx.msk $0xffff, v10  }
0x120: {  	v9 =	vor.u32 v40, v29;
	v1 =	vld [tilespmem:$0x1FD80]  }
0x121: {  	v11 =	vor.u32 v20, v29;
	_ =	sdelay $0x3  }
0x122: {  	[tilespmem:v9+s16+$0x0] =	vst.idx.msk $0xffff, v1  }
0x123: {  	[tilespmem:v11+s16+$0x0] =	vst.idx.msk $0xffff, v2  }
0x124: {  	v1 =	vld [tilespmem:$0x1FD70];
	_ =	sdelay $0x2  }
0x125: {  	v2 =	vld [tilespmem:$0x1FD90];
	_ =	sdelay $0x4  }
0x126: {  	[tilespmem:v1+s16+$0x0] =	vst.idx.msk $0xffff, v2  }
0x127: {  	v1 =	vld [tilespmem:$0x1FD50];
	_ =	sdelay $0x7  }
0x128: {  	[tilespmem:v1+s16+$0x0] =	vst.idx.msk $0xffff, v17  }
0x129: {  	v1 =	vld [tilespmem:$0x1FDC0];
	_ =	sdelay $0x4  }
0x12a: {  	[tilespmem:v63+s16+$0x0] =	vst.idx.msk $0xffff, v1  }
0x12b: {  	[tilespmem:v18+s16+$0x0] =	vst.idx.msk $0xffff, v53  }
0x12c: {  	v1 =	vld [tilespmem:$0x1FDA0];
	[tilespmem:v44+s16+$0x0] =	vst.idx.msk $0xffff, v50  }
0x12d: {  	[tilespmem:v30+s16+$0x0] =	vst.idx.msk $0xffff, v28  }
0x12e: {  	v0 =	vadd.f32 v0, v12;
	[tilespmem:v43+s16+$0x0] =	vst.idx.msk $0xffff, v55  }
0x12f: {  	[tilespmem:v46+s16+$0x0] =	vst.idx.msk $0xffff, v48  }
0x130: {  	[tilespmem:v38+s16+$0x0] =	vst.idx.msk $0xffff, v0  }
0x131: {  	[tilespmem:v37+s16+$0x0] =	vst.idx.msk $0xffff, v22  }
0x132: {  	[tilespmem:v6+s16+$0x0] =	vst.idx.msk $0xffff, v1  }
0x133: {  	[tilespmem:v25+s16+$0x0] =	vst.idx.msk $0xffff, v34  }
0x134: {  	v0 =	vld [tilespmem:$0x1FD60];
	_ =	sdelay $0x1  }
0x135: {  	s3 =	sshll.u32 s0, $0x14  }
0x136: {  	s3 =	sor.u32 s7, s3  }
0x137: {  	s3 =	sshrl.u32 s3, $0x3;
	[tilespmem:v36+s16+$0x0] =	vst.idx.msk $0xffff, v16  }
0x138: {  	p0 =	seq.s32 s0, $0x0;
	s3 =	sadd.s32 s2, s3;
	[tilespmem:v24+s16+$0x0] =	vst.idx.msk $0xffff, v0  }
0x139: {  	[hbm4b:s3+s17] =	stream.strided.scatter [tilespmem:s16], [sflag:$0x5], $0x2000, s18, s17, $0x38;
	[tilespmem:$0x19680] =	vst v63  }
0x13a: {  	s10 =	sshll.u32 s0, $0x2;
	s3 =	simm.s32 @!p0 $0x7  }
0x13b: {  	s12 =	sor.u32 $0x2, s10;
	_ =	swait.ge @!p0 [sflag:s3], $0x2000  }
0x13c: {  	s5 =	sshll.u32 s12, $0x7;
	[sflag:s3] =	ssyncset.done @!p0 $0x0  }
0x13d: {  	s5 =	sand.u32 $0x3FFFFF80, s5;
	[sflag:s3] =	ssyncadd.s32 @!p0 $0xFFFFE000  }
0x13e: {  	[tilespmem:s19], [sflag:$0x3] =	stream.indirect.gather [hbm4b:s4+s9], $0x40, s5, s9, $0xb8;
	[tilespmem:$0x19680] =	vst v63  }
0x13f: {  	s5 =	sor.u32 $0x1, s10;
	_ =	swait.ge [sflag:s20], $0x2000  }
0x140: {  	s6 =	sshll.u32 s5, $0x6;
	[sflag:s20] =	ssyncset.done $0x0  }
0x141: {  	s3 =	sand.u32 $0x3FFFFFC0, s6;
	[sflag:s20] =	ssyncadd.s32 $0xFFFFE000  }
0x142: {  	v0 =	vld [tilespmem:s3+$0x16400];
	_ =	sdelay $0x4  }
0x143: {  	[tilespmem:$0x19600] =	vst v0  }
0x144: {  	[tilespmem:$0x19640] =	vst v0  }
0x145: {  	v0 =	vld [tilespmem:s3+$0x16410];
	_ =	sdelay $0x4  }
0x146: {  	[tilespmem:$0x19610] =	vst v0  }
0x147: {  	[tilespmem:$0x19650] =	vst v0  }
0x148: {  	v0 =	vld [tilespmem:s3+$0x16420];
	_ =	sdelay $0x1  }
0x149: {  	v56 =	vld [tilespmem:$0x1FF70]  }
0x14a: {  	v57 =	vld [tilespmem:$0x1FF80]  }
0x14b: {  	v59 =	vld [tilespmem:$0x1FF90]  }
0x14c: {  	v62 =	vld [tilespmem:$0x1FFB0];
	[tilespmem:$0x19620] =	vst v0  }
0x14d: {  	v61 =	vld [tilespmem:$0x1FFA0];
	[tilespmem:$0x19660] =	vst v0  }
0x14e: {  	s8 =	simm.s32 $0x2;
	v45 =	vlaneseq.u32;
	v6 =	vld [tilespmem:s3+$0x16430]  }
0x14f: {  	v2 =	vadd.s32 s8, v45;
	v20 =	vld [tilespmem:$0x1FFF0]  }
0x150: {  	v7 =	vand.u32 $0x3F, v2;
	v53 =	vld [tilespmem:$0x1FF50]  }
0x151: {  	s6 =	simm.s32 $0x1;
	v48 =	vld [tilespmem:$0x1FFC0];
	v4 =	vor.u32 v56, v7;
	v3 =	vor.u32 v62, v7  }
0x152: {  	v63 =	vld [tilespmem:$0x1FFD0];
	v1 =	vadd.s32 s6, v45;
	[tilespmem:$0x1FB00] =	vst v3  }
0x153: {  	v52 =	vld [tilespmem:$0x1FEB0];
	v5 =	vand.u32 $0x3F, v1;
	v1 =	vshll.u32 v1, $0x7;
	[tilespmem:$0x19630] =	vst v6  }
0x154: {  	s30 =	simm.s32 $0x19602;
	v14 =	vshll.u32 v2, $0x7;
	v58 =	vld [tilespmem:$0x1FE80];
	v9 =	vand.u32 $0x1C00, v1;
	v2 =	vor.u32 v61, v5;
	[tilespmem:$0x19670] =	vst v6  }
0x155: {  	v23 =	vor.u32 v20, v9;
	v9 =	vand.u32 $0x1C00, v14;
	v27 =	vor.u32 v53, v1;
	v36 =	vld [tilespmem:s30+$0xFFFFFFFF]  }
0x156: {  	v10 =	vor.u32 v59, v5;
	v49 =	vor.u32 v20, v9;
	v9 =	vand.u32 $0x398, v27;
	v27 =	vld.idx.msk [tilespmem:v4+s13+$0x0], $0xffff  }
0x157: {  	v22 =	vor.u32 v45, v1;
	v9 =	vor.u32 v9, v23;
	v0 =	vor.u32 v56, v5;
	v4 =	vld [tilespmem:$0x1FF60]  }
0x158: {  	v22 =	vand.u32 $0x388, v22;
	v6 =	vld [tilespmem:s30+$0x0];
	[tilespmem:$0x1FB30] =	vst v9  }
0x159: {  	v15 =	vor.u32 v59, v7;
	v30 =	vld.idx.msk [tilespmem:v2+s13+$0x0], $0xffff;
	v2 =	vor.u32 v22, v23  }
0x15a: {  	v29 =	vld [tilespmem:$0x1FFE0];
	[tilespmem:$0x1FB20] =	vst v2  }
0x15b: {  	v11 =	vor.u32 v57, v5;
	v2 =	vor.u32 v52, v14;
	v22 =	vld.idx.msk [tilespmem:v10+s13+$0x0], $0xffff  }
0x15c: {  	v54 =	vld.idx.msk [tilespmem:v0+s13+$0x0], $0xffff;
	v0 =	vand.u32 $0x3F8, v2;
	v10 =	vor.u32 v4, v1  }
0x15d: {  	s8 =	simm.s32 $0x3;
	v18 =	vor.u32 v62, v5;
	v9 =	vld [tilespmem:$0x1FE70];
	[tilespmem:$0x1FB50] =	vst v0;
	v0 =	vor.u32 v58, v14;
	v10 =	vand.u32 $0x3A8, v10  }
0x15e: {  	v8 =	vadd.s32 s8, v45;
	v28 =	vor.u32 v4, v14;
	v15 =	vld.idx.msk [tilespmem:v15+s13+$0x0], $0xffff;
	[tilespmem:$0x1FB80] =	vst v0;
	v0 =	vor.u32 v10, v23  }
0x15f: {  	v13 =	vand.u32 $0x3F, v8;
	v50 =	vld [tilespmem:$0x1FEA0];
	v12 =	vor.u32 v57, v7;
	v28 =	vand.u32 $0x3A8, v28;
	[tilespmem:$0x1FB40] =	vst v0  }
0x160: {  	v19 =	vor.u32 v48, v5;
	v2 =	vadd.f32 v30, v36;
	v0 =	vor.u32 v28, v49;
	v31 =	vld.idx.msk [tilespmem:v11+s13+$0x0], $0xffff  }
0x161: {  	v26 =	vor.u32 v29, v13;
	[tilespmem:$0x1FA70] =	vst v0;
	v0 =	vld [tilespmem:$0x1FE90]  }
0x162: {  	v60 =	vld.idx.msk [tilespmem:v18+s13+$0x0], $0xffff;
	v18 =	vor.u32 v9, v1;
	[tilespmem:$0x1FB60] =	vst v2  }
0x163: {  	v44 =	vld [tilespmem:s30+$0x1];
	v18 =	vand.u32 $0x3B8, v18  }
0x164: {  	v25 =	vor.u32 v45, v14;
	v12 =	vld.idx.msk [tilespmem:v12+s13+$0x0], $0xffff;
	v2 =	vor.u32 v18, v23  }
0x165: {  	v25 =	vand.u32 $0x388, v25;
	v16 =	vor.u32 v61, v7;
	v17 =	vor.u32 v48, v13;
	v19 =	vld.idx.msk [tilespmem:v19+s13+$0x0], $0xffff;
	[tilespmem:$0x1FB70] =	vst v2  }
0x166: {  	v47 =	vor.u32 v48, v7;
	v3 =	vor.u32 v29, v7;
	v11 =	vor.u32 v63, v7;
	v7 =	vld.idx.msk [tilespmem:v26+s13+$0x0], $0xffff  }
0x167: {  	v21 =	vor.u32 v57, v13;
	v24 =	vor.u32 v63, v13;
	v32 =	vor.u32 v52, v1  }
0x168: {  	v28 =	vadd.f32 v27, v6;
	v27 =	vor.u32 v50, v14;
	v2 =	vadd.f32 v15, v6  }
0x169: {  	v34 =	vor.u32 v56, v13;
	v33 =	vor.u32 v29, v5;
	v27 =	vand.u32 $0x3E8, v27  }
0x16a: {  	v43 =	vor.u32 v61, v13;
	v35 =	vor.u32 v9, v14;
	[tilespmem:$0x1FA80] =	vst v2;
	v2 =	vor.u32 v27, v49  }
0x16b: {  	v30 =	vor.u32 v58, v1;
	v55 =	vor.u32 v0, v14;
	[tilespmem:$0x1FA90] =	vst v2;
	v2 =	vadd.f32 v7, v44  }
0x16c: {  	v26 =	vor.u32 v53, v14;
	v14 =	vand.u32 $0x3C8, v30;
	v30 =	vand.u32 $0x3D8, v55;
	v16 =	vld.idx.msk [tilespmem:v16+s13+$0x0], $0xffff  }
0x16d: {  	v7 =	vor.u32 v0, v1;
	v1 =	vor.u32 v50, v1;
	[tilespmem:$0x1FAA0] =	vst v2;
	v2 =	vor.u32 v30, v49  }
0x16e: {  	v18 =	vadd.f32 v54, v36;
	v54 =	vshll.u32 v8, $0x7;
	v1 =	vand.u32 $0x3E8, v1;
	v8 =	vld.idx.msk [tilespmem:v47+s13+$0x0], $0xffff;
	[tilespmem:$0x1FAB0] =	vst v2  }
0x16f: {  	v46 =	vor.u32 v59, v13;
	v5 =	vor.u32 v63, v5;
	v39 =	vor.u32 v1, v23;
	v1 =	vld.idx.msk [tilespmem:v17+s13+$0x0], $0xffff  }
0x170: {  	v13 =	vor.u32 v62, v13;
	v38 =	vor.u32 v25, v49;
	v40 =	vand.u32 $0x3B8, v35  }
0x171: {  	v42 =	vor.u32 v14, v23;
	v7 =	vand.u32 $0x3D8, v7;
	v2 =	vadd.f32 v16, v6  }
0x172: {  	v14 =	vor.u32 v4, v54;
	v51 =	vor.u32 v7, v23;
	v7 =	vor.u32 v53, v54  }
0x173: {  	v35 =	vadd.f32 v12, v6;
	v47 =	vand.u32 $0x398, v7;
	v12 =	vld.idx.msk [tilespmem:v33+s13+$0x0], $0xffff;
	[tilespmem:$0x1FAC0] =	vst v2;
	v2 =	vadd.f32 v8, v6  }
0x174: {  	v16 =	vand.u32 $0x3A8, v14;
	v7 =	vor.u32 v9, v54;
	v5 =	vld.idx.msk [tilespmem:v5+s13+$0x0], $0xffff;
	v1 =	vadd.f32 v1, v44  }
0x175: {  	s31 =	simm.s32 $0x0;
	v14 =	vand.u32 $0x3F8, v32;
	v32 =	vand.u32 $0x3B8, v7;
	v7 =	vor.u32 v0, v54;
	v17 =	vld.idx.msk [tilespmem:v34+s13+$0x0], $0xffff;
	[tilespmem:$0x1FAD0] =	vst v2  }
0x176: {  	v10 =	vld [tilespmem:$0x1FB00];
	v25 =	vadd.f32 v60, v36;
	v30 =	vand.u32 $0x3D8, v7;
	v7 =	vadd.s32 s31, v45;
	[tilespmem:$0x1FAE0] =	vst v1  }
0x177: {  	v60 =	vor.u32 v14, v23;
	v23 =	vshll.u32 v7, $0x7;
	v55 =	vand.u32 $0x3F, v7;
	v7 =	vld.idx.msk [tilespmem:v13+s13+$0x0], $0xffff;
	_ =	sdelay $0x1  }
0x178: {  	v27 =	vadd.f32 v12, v36;
	v12 =	vld.idx.msk [tilespmem:v21+s13+$0x0], $0xffff  }
0x179: {  	v14 =	vld.idx.msk [tilespmem:v43+s13+$0x0], $0xffff;
	_ =	sdelay $0x1  }
0x17a: {  	v7 =	vadd.f32 v7, v44  }
0x17b: {  	v24 =	vld.idx.msk [tilespmem:v24+s13+$0x0], $0xffff  }
0x17c: {  	v1 =	vadd.f32 v5, v36;
	v5 =	vld.idx.msk [tilespmem:v46+s13+$0x0], $0xffff;
	[tilespmem:$0x1FAF0] =	vst v7  }
0x17d: {  	v7 =	vadd.f32 v12, v44;
	v12 =	vld.idx.msk [tilespmem:v10+s13+$0x0], $0xffff;
	v10 =	vadd.f32 v14, v44;
	_ =	sdelay $0x1  }
0x17e: {  	[tilespmem:$0x1FB10] =	vst v10  }
0x17f: {  	v33 =	vadd.f32 v24, v44;
	v24 =	vor.u32 v9, v23;
	v9 =	vld.idx.msk [tilespmem:v11+s13+$0x0], $0xffff  }
0x180: {  	v2 =	vor.u32 v50, v23  }
0x181: {  	v34 =	vand.u32 $0x1C00, v23;
	v8 =	vor.u32 v45, v23;
	v2 =	vand.u32 $0x3E8, v2  }
0x182: {  	v21 =	vand.u32 $0x388, v8;
	v8 =	vor.u32 v53, v23;
	v53 =	vor.u32 v4, v23  }
0x183: {  	v4 =	vor.u32 v0, v23;
	v0 =	vor.u32 v20, v34;
	v10 =	vld.idx.msk [tilespmem:v3+s13+$0x0], $0xffff;
	[tilespmem:v38+s16+$0x0] =	vst.idx.msk $0xffff, v28  }
0x184: {  	v37 =	vor.u32 v2, v0;
	v2 =	vadd.f32 v9, v6;
	v9 =	vld [tilespmem:$0x1FB20];
	_ =	sdelay $0x3  }
0x185: {  	v22 =	vadd.f32 v22, v36  }
0x186: {  	v31 =	vadd.f32 v31, v36;
	v41 =	vadd.f32 v19, v36;
	v13 =	vor.u32 v56, v55  }
0x187: {  	v36 =	vor.u32 v57, v55;
	v57 =	vor.u32 v59, v55;
	v59 =	vor.u32 v61, v55  }
0x188: {  	v56 =	vand.u32 $0x398, v8;
	v8 =	vadd.f32 v17, v44;
	v17 =	vor.u32 v58, v23  }
0x189: {  	v61 =	vand.u32 $0x3A8, v53;
	v4 =	vand.u32 $0x3D8, v4;
	v17 =	vand.u32 $0x3C8, v17;
	[tilespmem:v9+s16+$0x0] =	vst.idx.msk $0xffff, v18  }
0x18a: {  	v43 =	vor.u32 v4, v0;
	v53 =	vor.u32 v17, v0;
	v5 =	vadd.f32 v5, v44;
	v17 =	vld [tilespmem:$0x1FB30]  }
0x18b: {  	v24 =	vand.u32 $0x3B8, v24;
	v14 =	vor.u32 v21, v0;
	v15 =	vld.idx.msk [tilespmem:v13+s13+$0x0], $0xffff;
	v13 =	vor.u32 v52, v23  }
0x18c: {  	v21 =	vor.u32 v56, v0;
	v56 =	vor.u32 v24, v0;
	v4 =	vand.u32 $0x3F8, v13  }
0x18d: {  	v44 =	vor.u32 v61, v0;
	v34 =	vor.u32 v4, v0;
	v0 =	vor.u32 v29, v55;
	_ =	sdelay $0x4  }
0x18e: {  	v4 =	vor.u32 v58, v54;
	v58 =	vld.idx.msk [tilespmem:v0+s13+$0x0], $0xffff;
	[tilespmem:v17+s16+$0x0] =	vst.idx.msk $0xffff, v31  }
0x18f: {  	v0 =	vld [tilespmem:$0x1FB40];
	_ =	sdelay $0x7  }
0x190: {  	v13 =	vor.u32 v50, v54;
	[tilespmem:v0+s16+$0x0] =	vst.idx.msk $0xffff, v22  }
0x191: {  	v3 =	vadd.f32 v12, v6;
	v28 =	vadd.f32 v10, v6;
	v6 =	vand.u32 $0x1C00, v54;
	v0 =	vld [tilespmem:$0x1FB50]  }
0x192: {  	v10 =	vand.u32 $0x3E8, v13;
	v9 =	vor.u32 v20, v6  }
0x193: {  	v29 =	vor.u32 v10, v9;
	v10 =	vld [tilespmem:$0x1FB70];
	_ =	sdelay $0x1  }
0x194: {  	v62 =	vor.u32 v62, v55;
	v12 =	vld [tilespmem:s30+$0xFFFFFFFE]  }
0x195: {  	v63 =	vor.u32 v63, v55;
	v61 =	vor.u32 v0, v49;
	v0 =	vld [tilespmem:$0x1FB60]  }
0x196: {  	v11 =	vld.idx.msk [tilespmem:v36+s13+$0x0], $0xffff  }
0x197: {  	v59 =	vld.idx.msk [tilespmem:v59+s13+$0x0], $0xffff  }
0x198: {  	v23 =	vld.idx.msk [tilespmem:v57+s13+$0x0], $0xffff  }
0x199: {  	v19 =	vor.u32 v52, v54;
	v6 =	vld.idx.msk [tilespmem:v62+s13+$0x0], $0xffff  }
0x19a: {  	v57 =	vld.idx.msk [tilespmem:v63+s13+$0x0], $0xffff;
	v13 =	vand.u32 $0x3F8, v19;
	v15 =	vadd.f32 v15, v12;
	[tilespmem:v10+s16+$0x0] =	vst.idx.msk $0xffff, v0  }
0x19b: {  	v18 =	vand.u32 $0x3C8, v4;
	v4 =	vor.u32 v16, v9;
	v16 =	vor.u32 v48, v55;
	v0 =	vld [tilespmem:$0x1FB80]  }
0x19c: {  	v19 =	vadd.f32 v11, v12;
	v46 =	vadd.f32 v59, v12;
	v24 =	vor.u32 v13, v9  }
0x19d: {  	v13 =	vor.u32 v45, v54;
	v62 =	vor.u32 v32, v9;
	v32 =	vadd.f32 v23, v12  }
0x19e: {  	v18 =	vor.u32 v18, v9;
	v13 =	vand.u32 $0x388, v13;
	v38 =	vadd.f32 v6, v12  }
0x19f: {  	v6 =	vor.u32 v30, v9;
	v17 =	vand.u32 $0x398, v26;
	v31 =	vadd.f32 v57, v12  }
0x1a0: {  	s8 =	simm.s32 $0x19606;
	s6 =	simm.s32 $0x4;
	v11 =	vor.u32 v17, v49;
	v20 =	vand.u32 $0x3C8, v0;
	v0 =	vld.idx.msk [tilespmem:v16+s13+$0x0], $0xffff;
	v16 =	vadd.f32 v58, v12  }
.LBB2_5:
0x1a1: {  	[tilespmem:$0x1F930] =	vst v56  }
0x1a2: {  	[tilespmem:$0x1F940] =	vst v61;
	v61 =	vld [tilespmem:$0x1FF90]  }
0x1a3: {  	[tilespmem:$0x1F9D0] =	vst v24  }
0x1a4: {  	s3 =	sadd.s32 $0x1, s6;
	v59 =	vld [tilespmem:$0x1FF70];
	[tilespmem:$0x1F920] =	vst v46;
	v46 =	vlaneseq.u32  }
0x1a5: {  	[tilespmem:v14+s16+$0x0] =	vst.idx.msk $0xffff, v15;
	v56 =	vld [tilespmem:$0x1FF80];
	v15 =	vadd.s32 s3, v46  }
0x1a6: {  	s30 =	sadd.s32 $0x2, s6;
	v14 =	vor.u32 v20, v49;
	v20 =	vor.u32 v13, v9;
	v55 =	vld [tilespmem:$0x1FA70];
	[tilespmem:$0x1F9E0] =	vst v16;
	v13 =	vand.u32 $0x3F, v15  }
0x1a7: {  	v24 =	vld [tilespmem:$0x1FFB0];
	[tilespmem:v21+s16+$0x0] =	vst.idx.msk $0xffff, v19;
	v16 =	vadd.s32 s30, v46;
	v19 =	vor.u32 v61, v13  }
0x1a8: {  	[tilespmem:v42+s16+$0x0] =	vst.idx.msk $0xffff, v25;
	v50 =	vld [tilespmem:$0x1FEB0];
	v25 =	vand.u32 $0x3F, v16  }
0x1a9: {  	v36 =	vld [tilespmem:$0x1FA80];
	[tilespmem:v51+s16+$0x0] =	vst.idx.msk $0xffff, v41;
	v0 =	vadd.f32 v0, v12;
	v12 =	vor.u32 v59, v25  }
0x1aa: {  	v48 =	vld [tilespmem:$0x1FF60];
	[tilespmem:v39+s16+$0x0] =	vst.idx.msk $0xffff, v1;
	v23 =	vor.u32 v56, v25  }
0x1ab: {  	v1 =	vld [tilespmem:s8+$0xFFFFFFFF];
	[tilespmem:v60+s16+$0x0] =	vst.idx.msk $0xffff, v27;
	v15 =	vshll.u32 v15, $0x7  }
0x1ac: {  	v60 =	vld.idx.msk [tilespmem:v19+s13+$0x0], $0xffff;
	v19 =	vor.u32 v46, v15  }
0x1ad: {  	v54 =	vld [tilespmem:s8+$0x0];
	[tilespmem:v11+s16+$0x0] =	vst.idx.msk $0xffff, v35  }
0x1ae: {  	v16 =	vshll.u32 v16, $0x7;
	v35 =	vld.idx.msk [tilespmem:v12+s13+$0x0], $0xffff;
	[tilespmem:v55+s16+$0x0] =	vst.idx.msk $0xffff, v36  }
0x1af: {  	v45 =	vand.u32 $0x388, v19;
	v19 =	vmov v38;
	v38 =	vld.idx.msk [tilespmem:v23+s13+$0x0], $0xffff;
	v23 =	vor.u32 v50, v16  }
0x1b0: {  	[tilespmem:$0x1F9C0] =	vst v33;
	v33 =	vld [tilespmem:$0x1FFF0];
	v52 =	vor.u32 v24, v13;
	v57 =	vor.u32 v48, v15;
	v23 =	vand.u32 $0x3F8, v23  }
0x1b1: {  	[tilespmem:$0x1FA00] =	vst v23;
	v23 =	vand.u32 $0x3A8, v57;
	v57 =	vld [tilespmem:$0x1FE80];
	_ =	sdelay $0x1  }
0x1b2: {  	v10 =	vor.u32 v40, v49  }
0x1b3: {  	v58 =	vld [tilespmem:s8+$0x1];
	v47 =	vor.u32 v47, v9;
	v39 =	vor.u32 v61, v25;
	[tilespmem:v20+s16+$0x0] =	vst.idx.msk $0xffff, v8;
	v20 =	vand.u32 $0x1C00, v16  }
0x1b4: {  	v9 =	vand.u32 $0x1C00, v15;
	v49 =	vor.u32 v33, v20;
	v20 =	vor.u32 v48, v16;
	v41 =	vld.idx.msk [tilespmem:v52+s13+$0x0], $0xffff  }
0x1b5: {  	v9 =	vor.u32 v33, v9;
	v55 =	vld [tilespmem:$0x1FE70];
	v52 =	vand.u32 $0x3A8, v20;
	v20 =	vor.u32 v57, v16  }
0x1b6: {  	[tilespmem:$0x1FA20] =	vst v20;
	v20 =	vor.u32 v23, v9;
	v23 =	vld [tilespmem:$0x1FAC0]  }
0x1b7: {  	[tilespmem:$0x1F8E0] =	vst v62  }
0x1b8: {  	[tilespmem:$0x1F950] =	vst v28;
	v28 =	vor.u32 v46, v16;
	v39 =	vld.idx.msk [tilespmem:v39+s13+$0x0], $0xffff  }
0x1b9: {  	[tilespmem:v47+s16+$0x0] =	vst.idx.msk $0xffff, v7;
	v7 =	vand.u32 $0x388, v28  }
0x1ba: {  	[tilespmem:v4+s16+$0x0] =	vst.idx.msk $0xffff, v5;
	v4 =	vor.u32 v7, v49;
	v7 =	vor.u32 v55, v15  }
0x1bb: {  	v7 =	vand.u32 $0x3B8, v7;
	[tilespmem:v10+s16+$0x0] =	vst.idx.msk $0xffff, v23  }
0x1bc: {  	[tilespmem:v14+s16+$0x0] =	vst.idx.msk $0xffff, v3;
	v3 =	vor.u32 v7, v9  }
0x1bd: {  	v62 =	vld [tilespmem:$0x1FFA0];
	[tilespmem:$0x1FA40] =	vst v3;
	v3 =	vadd.f32 v39, v54;
	_ =	sdelay $0x1  }
0x1be: {  	[tilespmem:$0x1FA80] =	vst v3;
	v3 =	vld [tilespmem:$0x1FAB0];
	_ =	sdelay $0x2  }
0x1bf: {  	v40 =	vor.u32 v62, v25;
	v23 =	vld [tilespmem:$0x1FAD0]  }
0x1c0: {  	v42 =	vor.u32 v24, v25;
	_ =	sdelay $0x1  }
0x1c1: {  	v63 =	vld [tilespmem:$0x1FFC0]  }
0x1c2: {  	[tilespmem:$0x1F9B0] =	vst v29;
	v29 =	vor.u32 v62, v13  }
0x1c3: {  	v14 =	vld.idx.msk [tilespmem:v40+s13+$0x0], $0xffff;
	[tilespmem:v3+s16+$0x0] =	vst.idx.msk $0xffff, v23  }
0x1c4: {  	v3 =	vld.idx.msk [tilespmem:v42+s13+$0x0], $0xffff;
	_ =	sdelay $0x1  }
0x1c5: {  	v11 =	vor.u32 v63, v13  }
0x1c6: {  	v27 =	vld.idx.msk [tilespmem:v29+s13+$0x0], $0xffff;
	_ =	sdelay $0x1  }
0x1c7: {  	[tilespmem:$0x1FA50] =	vst v3;
	v3 =	vld [tilespmem:$0x1FA90];
	_ =	sdelay $0x1  }
0x1c8: {  	v47 =	vld.idx.msk [tilespmem:v11+s13+$0x0], $0xffff  }
0x1c9: {  	v11 =	vadd.f32 v27, v1;
	v27 =	vmov v53;
	v53 =	vld [tilespmem:$0x1FEA0];
	_ =	sdelay $0x1  }
0x1ca: {  	v29 =	vld [tilespmem:$0x1FFE0]  }
0x1cb: {  	[tilespmem:$0x1F900] =	vst v32;
	s31 =	sadd.s32 $0x3, s6  }
0x1cc: {  	v26 =	vadd.s32 s31, v46;
	[tilespmem:$0x1FA30] =	vst v11  }
0x1cd: {  	v51 =	vand.u32 $0x3F, v26;
	v11 =	vor.u32 v53, v16;
	[tilespmem:v3+s16+$0x0] =	vst.idx.msk $0xffff, v2;
	v3 =	vld [tilespmem:$0x1F8E0]  }
0x1ce: {  	[tilespmem:$0x1F9F0] =	vst v34;
	v34 =	vmovc v43;
	v17 =	vor.u32 v63, v51;
	v43 =	vadd.f32 v35, v54;
	v35 =	vand.u32 $0x3E8, v11  }
0x1cf: {  	[tilespmem:$0x1F8F0] =	vst v17;
	v17 =	vld [tilespmem:$0x1FFD0];
	v30 =	vor.u32 v29, v51;
	v2 =	vor.u32 v35, v49  }
0x1d0: {  	v32 =	vor.u32 v29, v25;
	[tilespmem:$0x1FA90] =	vst v2;
	v2 =	vld [tilespmem:$0x1FB10];
	_ =	sdelay $0x3  }
0x1d1: {  	[tilespmem:$0x1F960] =	vst v0;
	v30 =	vld.idx.msk [tilespmem:v30+s13+$0x0], $0xffff  }
0x1d2: {  	v8 =	vor.u32 v17, v51;
	[tilespmem:v3+s16+$0x0] =	vst.idx.msk $0xffff, v2;
	v2 =	vld.idx.msk [tilespmem:v32+s13+$0x0], $0xffff  }
0x1d3: {  	v0 =	vor.u32 v59, v13;
	[tilespmem:$0x1F9A0] =	vst v8;
	v8 =	vld [tilespmem:$0x1FF50];
	_ =	sdelay $0x1  }
0x1d4: {  	v5 =	vor.u32 v52, v49;
	v52 =	vld [tilespmem:$0x1FE90];
	_ =	sdelay $0x1  }
0x1d5: {  	[tilespmem:$0x1FA60] =	vst v2;
	v2 =	vld [tilespmem:$0x1FAF0]  }
0x1d6: {  	[tilespmem:$0x1F980] =	vst v31;
	v31 =	vld.idx.msk [tilespmem:v0+s13+$0x0], $0xffff;
	v0 =	vor.u32 v8, v15  }
0x1d7: {  	v0 =	vand.u32 $0x398, v0  }
0x1d8: {  	[tilespmem:$0x1FA70] =	vst v5;
	v5 =	vor.u32 v52, v16;
	v0 =	vor.u32 v0, v9  }
0x1d9: {  	v5 =	vand.u32 $0x3D8, v5;
	[tilespmem:$0x1FA10] =	vst v0  }
0x1da: {  	[tilespmem:v18+s16+$0x0] =	vst.idx.msk $0xffff, v2;
	v2 =	vor.u32 v5, v49  }
0x1db: {  	v0 =	vor.u32 v59, v51;
	[tilespmem:$0x1FAB0] =	vst v2;
	v2 =	vld [tilespmem:$0x1FAE0];
	_ =	sdelay $0x4  }
0x1dc: {  	v0 =	vld.idx.msk [tilespmem:v0+s13+$0x0], $0xffff;
	[tilespmem:v6+s16+$0x0] =	vst.idx.msk $0xffff, v2;
	v2 =	vadd.f32 v14, v54;
	_ =	sdelay $0x1  }
0x1dd: {  	[tilespmem:$0x1FAC0] =	vst v2;
	v2 =	vld [tilespmem:$0x1F8F0]  }
0x1de: {  	v11 =	vadd.f32 v60, v1;
	v60 =	vor.u32 v17, v25  }
0x1df: {  	v21 =	vor.u32 v63, v25;
	_ =	sdelay $0x2  }
0x1e0: {  	v12 =	vor.u32 v56, v51  }
0x1e1: {  	[tilespmem:$0x1F970] =	vst v12;
	v12 =	vor.u32 v50, v15;
	v23 =	vld.idx.msk [tilespmem:v60+s13+$0x0], $0xffff  }
0x1e2: {  	v60 =	vld.idx.msk [tilespmem:v21+s13+$0x0], $0xffff  }
0x1e3: {  	[tilespmem:v4+s16+$0x0] =	vst.idx.msk $0xffff, v43;
	v4 =	vld.idx.msk [tilespmem:v2+s13+$0x0], $0xffff  }
0x1e4: {  	[tilespmem:$0x1F910] =	vst v12;
	v12 =	vmov v44;
	v18 =	vor.u32 v52, v15;
	v2 =	vld [tilespmem:$0x1F900]  }
0x1e5: {  	[tilespmem:$0x1F990] =	vst v37;
	v28 =	vor.u32 v62, v51;
	v37 =	vor.u32 v45, v9;
	v18 =	vand.u32 $0x3D8, v18  }
0x1e6: {  	v45 =	vor.u32 v61, v51;
	v43 =	vor.u32 v24, v51;
	v51 =	vor.u32 v18, v9;
	v18 =	vld [tilespmem:$0x1F930];
	_ =	sdelay $0x1  }
0x1e7: {  	v36 =	vor.u32 v29, v13  }
0x1e8: {  	[tilespmem:v12+s16+$0x0] =	vst.idx.msk $0xffff, v2;
	v12 =	vld [tilespmem:$0x1F920];
	_ =	sdelay $0x1  }
0x1e9: {  	v22 =	vor.u32 v56, v13;
	_ =	sdelay $0x1  }
0x1ea: {  	v13 =	vor.u32 v17, v13;
	v5 =	vld.idx.msk [tilespmem:v36+s13+$0x0], $0xffff  }
0x1eb: {  	v10 =	vor.u32 v57, v15;
	v15 =	vor.u32 v53, v15;
	[tilespmem:v18+s16+$0x0] =	vst.idx.msk $0xffff, v12;
	v12 =	vld [tilespmem:$0x1F940]  }
0x1ec: {  	v26 =	vshll.u32 v26, $0x7;
	v15 =	vand.u32 $0x3E8, v15;
	v2 =	vld [tilespmem:$0x1F910]  }
0x1ed: {  	v22 =	vld.idx.msk [tilespmem:v22+s13+$0x0], $0xffff;
	v39 =	vor.u32 v15, v9;
	v15 =	vor.u32 v52, v26  }
0x1ee: {  	v35 =	vand.u32 $0x3D8, v15;
	v15 =	vld [tilespmem:$0x1F950]  }
0x1ef: {  	v13 =	vld.idx.msk [tilespmem:v13+s13+$0x0], $0xffff  }
0x1f0: {  	v25 =	vadd.f32 v41, v1  }
0x1f1: {  	v41 =	vadd.f32 v47, v1;
	v2 =	vand.u32 $0x3F8, v2;
	[tilespmem:v27+s16+$0x0] =	vst.idx.msk $0xffff, v19;
	v27 =	vadd.f32 v5, v1  }
0x1f2: {  	v5 =	vadd.f32 v60, v54;
	v60 =	vor.u32 v2, v9;
	v2 =	vadd.f32 v4, v58;
	v4 =	vld [tilespmem:$0x1F960]  }
0x1f3: {  	v7 =	vadd.f32 v22, v1;
	[tilespmem:v12+s16+$0x0] =	vst.idx.msk $0xffff, v15;
	v12 =	vor.u32 v46, v26  }
0x1f4: {  	v22 =	vadd.f32 v31, v1;
	v1 =	vadd.f32 v13, v1;
	v13 =	vand.u32 $0x388, v12;
	v12 =	vld [tilespmem:$0x1F9A0];
	_ =	sdelay $0x2  }
0x1f5: {  	[tilespmem:v34+s16+$0x0] =	vst.idx.msk $0xffff, v4;
	v4 =	vld [tilespmem:$0x1F970];
	_ =	sdelay $0x3  }
0x1f6: {  	s30 =	smov.u32 s6;
	v44 =	vor.u32 v55, v16;
	v10 =	vand.u32 $0x3C8, v10;
	v15 =	vld.idx.msk [tilespmem:v43+s13+$0x0], $0xffff  }
0x1f7: {  	v40 =	vand.u32 $0x3B8, v44;
	v42 =	vor.u32 v10, v9;
	[tilespmem:$0x1FAE0] =	vst v2;
	v2 =	vadd.s32 s30, v46;
	v44 =	vld.idx.msk [tilespmem:v12+s13+$0x0], $0xffff  }
0x1f8: {  	[tilespmem:v37+s16+$0x0] =	vst.idx.msk $0xffff, v22;
	v6 =	vor.u32 v8, v26;
	v22 =	vshll.u32 v2, $0x7;
	v2 =	vand.u32 $0x3F, v2;
	v12 =	vld [tilespmem:$0x1F9B0]  }
0x1f9: {  	v14 =	vor.u32 v48, v26;
	[tilespmem:$0x1FAD0] =	vst v5;
	v5 =	vand.u32 $0x1C00, v26;
	v43 =	vor.u32 v17, v2;
	v17 =	vld [tilespmem:$0x1F9C0]  }
0x1fa: {  	v47 =	vand.u32 $0x398, v6;
	v6 =	vand.u32 $0x3A8, v14;
	v9 =	vor.u32 v33, v5;
	v32 =	vld.idx.msk [tilespmem:v4+s13+$0x0], $0xffff  }
0x1fb: {  	v4 =	vor.u32 v6, v9;
	v6 =	vld [tilespmem:$0x1F990]  }
0x1fc: {  	v36 =	vld.idx.msk [tilespmem:v45+s13+$0x0], $0xffff  }
0x1fd: {  	v19 =	vld [tilespmem:$0x1F9D0]  }
0x1fe: {  	v5 =	vld [tilespmem:$0x1F980]  }
0x1ff: {  	v28 =	vld.idx.msk [tilespmem:v28+s13+$0x0], $0xffff  }
0x200: {  	[tilespmem:v12+s16+$0x0] =	vst.idx.msk $0xffff, v17;
	v17 =	vld [tilespmem:$0x1FAA0];
	_ =	sdelay $0x2  }
0x201: {  	v30 =	vadd.f32 v30, v58;
	[tilespmem:v6+s16+$0x0] =	vst.idx.msk $0xffff, v5;
	v5 =	vor.u32 v59, v2;
	_ =	sdelay $0x1  }
0x202: {  	[tilespmem:v19+s16+$0x0] =	vst.idx.msk $0xffff, v17;
	v17 =	vmov v30  }
0x203: {  	[tilespmem:$0x1FAA0] =	vst v17;
	v17 =	vld [tilespmem:$0x1F9F0];
	_ =	sdelay $0x1  }
0x204: {  	v16 =	vor.u32 v8, v16;
	v8 =	vor.u32 v8, v22;
	v30 =	vld.idx.msk [tilespmem:v5+s13+$0x0], $0xffff  }
0x205: {  	v5 =	vand.u32 $0x398, v8;
	v8 =	vadd.f32 v0, v58;
	v0 =	vld [tilespmem:$0x1F9E0]  }
0x206: {  	v6 =	vor.u32 v56, v2;
	_ =	sdelay $0x1  }
0x207: {  	v31 =	vor.u32 v53, v26;
	v3 =	vor.u32 v50, v26  }
0x208: {  	v14 =	vor.u32 v55, v26;
	v18 =	vor.u32 v57, v26;
	v21 =	vor.u32 v61, v2  }
0x209: {  	v3 =	vand.u32 $0x3F8, v3;
	v37 =	vor.u32 v62, v2;
	v48 =	vor.u32 v48, v22;
	v12 =	vld [tilespmem:s8+$0xFFFFFFFE];
	[tilespmem:v17+s16+$0x0] =	vst.idx.msk $0xffff, v0  }
0x20a: {  	v34 =	vor.u32 v24, v2;
	v45 =	vand.u32 $0x3A8, v48;
	v48 =	vor.u32 v57, v22;
	v6 =	vld.idx.msk [tilespmem:v6+s13+$0x0], $0xffff  }
0x20b: {  	v57 =	vor.u32 v63, v2;
	v26 =	vor.u32 v46, v22;
	v46 =	vor.u32 v29, v2;
	v2 =	vld [tilespmem:$0x1FA00]  }
0x20c: {  	v14 =	vand.u32 $0x3B8, v14;
	v3 =	vor.u32 v3, v9  }
0x20d: {  	v62 =	vor.u32 v14, v9;
	v24 =	vmov v3;
	v3 =	vld [tilespmem:$0x1FA10]  }
0x20e: {  	v52 =	vor.u32 v52, v22;
	v14 =	vand.u32 $0x388, v26;
	v26 =	vand.u32 $0x1C00, v22  }
0x20f: {  	v59 =	vor.u32 v53, v22;
	v19 =	vadd.f32 v6, v12;
	v6 =	vor.u32 v50, v22  }
0x210: {  	v61 =	vor.u32 v2, v49;
	v2 =	vor.u32 v55, v22;
	v22 =	vand.u32 $0x3F8, v6;
	v6 =	vld [tilespmem:$0x1FA40];
	_ =	sdelay $0x1  }
0x211: {  	v26 =	vor.u32 v33, v26;
	v56 =	vand.u32 $0x3C8, v48;
	v2 =	vand.u32 $0x3B8, v2;
	v0 =	vld.idx.msk [tilespmem:v21+s13+$0x0], $0xffff  }
0x212: {  	v53 =	vor.u32 v56, v26;
	v56 =	vor.u32 v2, v26;
	v2 =	vld [tilespmem:$0x1FA30]  }
0x213: {  	v37 =	vld.idx.msk [tilespmem:v37+s13+$0x0], $0xffff  }
0x214: {  	v16 =	vand.u32 $0x398, v16;
	v10 =	vadd.f32 v38, v54;
	[tilespmem:v3+s16+$0x0] =	vst.idx.msk $0xffff, v7;
	v34 =	vld.idx.msk [tilespmem:v34+s13+$0x0], $0xffff  }
0x215: {  	v3 =	vadd.f32 v15, v58;
	[tilespmem:v20+s16+$0x0] =	vst.idx.msk $0xffff, v11;
	v7 =	vadd.f32 v32, v58;
	v63 =	vld.idx.msk [tilespmem:v43+s13+$0x0], $0xffff  }
0x216: {  	v15 =	vadd.f32 v30, v12;
	v30 =	vld.idx.msk [tilespmem:v46+s13+$0x0], $0xffff;
	v32 =	vadd.f32 v0, v12;
	v0 =	vand.u32 $0x3D8, v52  }
0x217: {  	v18 =	vand.u32 $0x3C8, v18;
	v43 =	vor.u32 v0, v26;
	v0 =	vld [tilespmem:$0x1FA20];
	[tilespmem:v6+s16+$0x0] =	vst.idx.msk $0xffff, v2;
	v2 =	vadd.f32 v28, v58  }
0x218: {  	v31 =	vand.u32 $0x3E8, v31;
	v18 =	vor.u32 v18, v9;
	v6 =	vor.u32 v35, v9;
	v35 =	vmovc v10;
	v10 =	vld [tilespmem:$0x1FA60]  }
0x219: {  	p1 =	slt.u32 s6, $0x3C;
	v29 =	vor.u32 v31, v9;
	v14 =	vor.u32 v14, v26;
	v11 =	vor.u32 v16, v49;
	[tilespmem:$0x1FB10] =	vst v2;
	v2 =	vld [tilespmem:$0x1FA50]  }
.Ltmp3:
0x21a: {  	[tilespmem:$0x1FAF0] =	vst v3;
	v33 =	vadd.f32 v44, v58;
	v44 =	vor.u32 v45, v26;
	v3 =	vand.u32 $0x3E8, v59;
	(pc) =	sbr.rel @p1 .LBB2_5-.Ltmp3, $4  }
0x21b: {  	v21 =	vor.u32 v5, v26;
	v5 =	vadd.f32 v36, v58;
	v46 =	vadd.f32 v37, v12  }
0x21c: {  	v38 =	vadd.f32 v34, v12;
	v37 =	vor.u32 v3, v26;
	v31 =	vadd.f32 v63, v12  }
0x21d: {  	v16 =	vadd.f32 v30, v12;
	v34 =	vor.u32 v22, v26;
	v28 =	vadd.f32 v10, v54  }
0x21e: {  	s6 =	sadd.s32 $0x4, s6;
	s8 =	sadd.s32 $0x4, s8;
	v20 =	vand.u32 $0x3C8, v0;
	v0 =	vld.idx.msk [tilespmem:v57+s13+$0x0], $0xffff;
	v3 =	vadd.f32 v2, v54;
	v2 =	vadd.f32 v23, v54  }
0x21f: {  	_ =	sdelay $0x3  }
0x220: {  	[tilespmem:v14+s16+$0x0] =	vst.idx.msk $0xffff, v15  }
0x221: {  	[tilespmem:v42+s16+$0x0] =	vst.idx.msk $0xffff, v25  }
0x222: {  	v10 =	vor.u32 v13, v9;
	[tilespmem:v11+s16+$0x0] =	vst.idx.msk $0xffff, v35  }
0x223: {  	[tilespmem:v21+s16+$0x0] =	vst.idx.msk $0xffff, v19  }
0x224: {  	[tilespmem:v51+s16+$0x0] =	vst.idx.msk $0xffff, v41  }
0x225: {  	[tilespmem:v39+s16+$0x0] =	vst.idx.msk $0xffff, v1  }
0x226: {  	[tilespmem:v60+s16+$0x0] =	vst.idx.msk $0xffff, v27  }
0x227: {  	[tilespmem:v10+s16+$0x0] =	vst.idx.msk $0xffff, v8  }
0x228: {  	v8 =	vld [tilespmem:$0x1FA70]  }
0x229: {  	v1 =	vor.u32 v47, v9;
	_ =	sdelay $0x1  }
0x22a: {  	v10 =	vld [tilespmem:$0x1FA80];
	_ =	sdelay $0x2  }
0x22b: {  	[tilespmem:v1+s16+$0x0] =	vst.idx.msk $0xffff, v7  }
0x22c: {  	[tilespmem:v4+s16+$0x0] =	vst.idx.msk $0xffff, v5  }
0x22d: {  	[tilespmem:v8+s16+$0x0] =	vst.idx.msk $0xffff, v10  }
0x22e: {  	v9 =	vor.u32 v40, v49;
	v1 =	vld [tilespmem:$0x1FAC0]  }
0x22f: {  	v11 =	vor.u32 v20, v49;
	_ =	sdelay $0x3  }
0x230: {  	[tilespmem:v9+s16+$0x0] =	vst.idx.msk $0xffff, v1  }
0x231: {  	[tilespmem:v11+s16+$0x0] =	vst.idx.msk $0xffff, v3  }
0x232: {  	v1 =	vld [tilespmem:$0x1FAB0];
	_ =	sdelay $0x2  }
0x233: {  	v3 =	vld [tilespmem:$0x1FAD0];
	_ =	sdelay $0x4  }
0x234: {  	[tilespmem:v1+s16+$0x0] =	vst.idx.msk $0xffff, v3  }
0x235: {  	v1 =	vld [tilespmem:$0x1FA90];
	_ =	sdelay $0x7  }
0x236: {  	[tilespmem:v1+s16+$0x0] =	vst.idx.msk $0xffff, v2  }
0x237: {  	v1 =	vld [tilespmem:$0x1FB10];
	_ =	sdelay $0x4  }
0x238: {  	[tilespmem:v62+s16+$0x0] =	vst.idx.msk $0xffff, v1  }
0x239: {  	v1 =	vld [tilespmem:$0x1FAF0];
	_ =	sdelay $0x4  }
0x23a: {  	[tilespmem:v18+s16+$0x0] =	vst.idx.msk $0xffff, v1  }
0x23b: {  	v1 =	vld [tilespmem:$0x1FAE0];
	[tilespmem:v44+s16+$0x0] =	vst.idx.msk $0xffff, v32  }
0x23c: {  	[tilespmem:v61+s16+$0x0] =	vst.idx.msk $0xffff, v28  }
0x23d: {  	v0 =	vadd.f32 v0, v12;
	[tilespmem:v56+s16+$0x0] =	vst.idx.msk $0xffff, v46  }
0x23e: {  	[tilespmem:v53+s16+$0x0] =	vst.idx.msk $0xffff, v38  }
0x23f: {  	[tilespmem:v43+s16+$0x0] =	vst.idx.msk $0xffff, v0  }
0x240: {  	[tilespmem:v37+s16+$0x0] =	vst.idx.msk $0xffff, v31  }
0x241: {  	[tilespmem:v6+s16+$0x0] =	vst.idx.msk $0xffff, v1  }
0x242: {  	[tilespmem:v29+s16+$0x0] =	vst.idx.msk $0xffff, v33  }
0x243: {  	v0 =	vld [tilespmem:$0x1FAA0];
	_ =	sdelay $0x1  }
0x244: {  	s3 =	sshll.u32 s5, $0x12  }
0x245: {  	s3 =	sor.u32 s7, s3  }
0x246: {  	s3 =	sshrl.u32 s3, $0x3;
	[tilespmem:v34+s16+$0x0] =	vst.idx.msk $0xffff, v16  }
0x247: {  	s3 =	sadd.s32 s2, s3;
	[tilespmem:v24+s16+$0x0] =	vst.idx.msk $0xffff, v0  }
0x248: {  	[hbm4b:s3+s17] =	stream.strided.scatter [tilespmem:s21], [sflag:$0x6], $0x2000, s18, s17, $0x38;
	[tilespmem:$0x19680] =	vst v63  }
0x249: {  	s3 =	simm.s32 @!p0 $0x8  }
0x24a: {  	s10 =	sor.u32 $0x3, s10;
	_ =	swait.ge @!p0 [sflag:s3], $0x2000  }
0x24b: {  	s30 =	sshll.u32 s10, $0x7;
	[sflag:s3] =	ssyncset.done @!p0 $0x0  }
0x24c: {  	s31 =	sand.u32 $0x3FFFFF80, s30;
	[sflag:s3] =	ssyncadd.s32 @!p0 $0xFFFFE000  }
0x24d: {  	[tilespmem:s22], [sflag:$0x4] =	stream.indirect.gather [hbm4b:s4+s9], $0x40, s31, s9, $0xb8;
	[tilespmem:$0x19680] =	vst v63  }
0x24e: {  	_ =	swait.ge [sflag:s23], $0x2000  }
0x24f: {  	s5 =	sshll.u32 s12, $0x6;
	[sflag:s23] =	ssyncset.done $0x0  }
0x250: {  	s3 =	sand.u32 $0x3FFFFFC0, s5;
	[sflag:s23] =	ssyncadd.s32 $0xFFFFE000  }
0x251: {  	v0 =	vld [tilespmem:s3+$0x16400]  }
0x252: {  	v15 =	vld [tilespmem:$0x1FF50]  }
0x253: {  	v16 =	vld [tilespmem:$0x1FF60]  }
0x254: {  	v14 =	vlaneseq.u32;
	s8 =	simm.s32 $0x1;
	s30 =	simm.s32 $0x2;
	v17 =	vld [tilespmem:$0x1FE70]  }
0x255: {  	v8 =	vadd.s32 s8, v14;
	v10 =	vadd.s32 s30, v14;
	v21 =	vld [tilespmem:$0x1FE80]  }
0x256: {  	s6 =	simm.s32 $0x0;
	v12 =	vshll.u32 v10, $0x7;
	v48 =	vand.u32 $0x3F, v8;
	v18 =	vld [tilespmem:$0x1FE90];
	[tilespmem:$0x19600] =	vst v0  }
0x257: {  	v45 =	vand.u32 $0x3F, v10;
	v10 =	vor.u32 v14, v12;
	v1 =	vadd.s32 s6, v14;
	v19 =	vld [tilespmem:$0x1FEA0];
	[tilespmem:$0x19640] =	vst v0  }
0x258: {  	v49 =	vand.u32 $0x1C00, v12;
	v2 =	vshll.u32 v1, $0x7;
	v43 =	vand.u32 $0x3F, v1;
	v1 =	vld [tilespmem:s3+$0x16410]  }
0x259: {  	v47 =	vand.u32 $0x388, v10;
	v11 =	vshll.u32 v8, $0x7;
	v3 =	vor.u32 v14, v2;
	v20 =	vld [tilespmem:$0x1FEB0]  }
0x25a: {  	v53 =	vand.u32 $0x1C00, v11;
	v44 =	vand.u32 $0x1C00, v2;
	v3 =	vand.u32 $0x388, v3  }
0x25b: {  	v4 =	vor.u32 v15, v2;
	v5 =	vor.u32 v17, v2;
	v6 =	vor.u32 v21, v2  }
0x25c: {  	v7 =	vor.u32 v18, v2;
	v9 =	vor.u32 v19, v2;
	v8 =	vor.u32 v19, v11  }
0x25d: {  	v13 =	vor.u32 v15, v12;
	v63 =	vor.u32 v16, v12;
	v61 =	vor.u32 v21, v12;
	[tilespmem:$0x19610] =	vst v1  }
0x25e: {  	v62 =	vor.u32 v18, v12;
	v59 =	vor.u32 v19, v12;
	v60 =	vor.u32 v20, v12;
	[tilespmem:$0x19650] =	vst v1  }
0x25f: {  	[tilespmem:$0x1F870] =	vst v3;
	v29 =	vand.u32 $0x398, v4;
	v3 =	vand.u32 $0x3B8, v5;
	v1 =	vand.u32 $0x3C8, v6;
	v6 =	vld [tilespmem:s3+$0x16420]  }
0x260: {  	v4 =	vor.u32 v16, v11;
	v9 =	vand.u32 $0x3E8, v9;
	v0 =	vor.u32 v16, v2;
	[tilespmem:$0x1F890] =	vst v3  }
0x261: {  	v5 =	vor.u32 v21, v11;
	v31 =	vand.u32 $0x3D8, v7;
	[tilespmem:$0x1F8B0] =	vst v9;
	v0 =	vand.u32 $0x3A8, v0  }
0x262: {  	v7 =	vor.u32 v18, v11;
	v51 =	vand.u32 $0x3E8, v8;
	v46 =	vand.u32 $0x398, v13;
	[tilespmem:$0x1F880] =	vst v0  }
0x263: {  	v2 =	vor.u32 v20, v2;
	v57 =	vand.u32 $0x3A8, v4;
	v4 =	vld [tilespmem:$0x1FEC0];
	[tilespmem:$0x1F8A0] =	vst v1;
	v1 =	vor.u32 v17, v11  }
0x264: {  	v3 =	vor.u32 v15, v11;
	v9 =	vor.u32 v20, v11;
	v54 =	vand.u32 $0x3B8, v1;
	v1 =	vld [tilespmem:$0x1FF40];
	[tilespmem:$0x19620] =	vst v6  }
0x265: {  	v50 =	vand.u32 $0x3C8, v5;
	v55 =	vand.u32 $0x3D8, v7;
	v0 =	vor.u32 v14, v11;
	[tilespmem:$0x19660] =	vst v6  }
0x266: {  	s31 =	simm.s32 $0x3;
	v2 =	vand.u32 $0x3F8, v2;
	v56 =	vand.u32 $0x398, v3;
	v58 =	vand.u32 $0x388, v0;
	v0 =	vld [tilespmem:s3+$0x16430]  }
0x267: {  	v52 =	vand.u32 $0x3F8, v9;
	v3 =	vadd.s32 s31, v14;
	[tilespmem:$0x1F8C0] =	vst v2;
	v2 =	vor.u32 v17, v12  }
0x268: {  	v35 =	vor.u32 $0x4000, v4;
	v38 =	vor.u32 $0x4400, v4;
	v39 =	vor.u32 $0x4800, v4  }
0x269: {  	v40 =	vor.u32 $0x4C00, v4;
	v41 =	vor.u32 $0x5000, v4;
	v1 =	vor.u32 $0x4000, v1  }
0x26a: {  	v36 =	vor.u32 $0x5400, v4;
	v37 =	vor.u32 $0x5800, v4;
	[tilespmem:$0x1F8D0] =	vst v1;
	v1 =	vand.u32 $0x3F, v3  }
0x26b: {  	v42 =	vor.u32 $0x5C00, v4;
	v8 =	vor.u32 v35, v1;
	v7 =	vor.u32 v38, v1;
	[tilespmem:$0x19630] =	vst v0  }
0x26c: {  	s5 =	simm.s32 $0x19602;
	v6 =	vor.u32 v39, v1;
	v5 =	vor.u32 v40, v1;
	[tilespmem:$0x19670] =	vst v0;
	v0 =	vshll.u32 v3, $0x7  }
0x26d: {  	s6 =	simm.s32 $0x4;
	v13 =	vmovc v16;
	v12 =	vmovc v15;
	v4 =	vor.u32 v41, v1;
	v3 =	vld [tilespmem:s5+$0x1];
	v9 =	vor.u32 v14, v0;
	v10 =	vand.u32 $0x1C00, v0  }
.LBB2_7:
0x26e: {  	_ =	sdelay $0x1  }
0x26f: {  	v8 =	vld.idx.msk [tilespmem:v8+s13+$0x0], $0xffff  }
0x270: {  	v7 =	vld.idx.msk [tilespmem:v7+s13+$0x0], $0xffff  }
0x271: {  	v15 =	vld [tilespmem:$0x1FE70]  }
0x272: {  	v16 =	vld [tilespmem:$0x1FE80]  }
0x273: {  	v6 =	vld.idx.msk [tilespmem:v6+s13+$0x0], $0xffff  }
0x274: {  	v11 =	vor.u32 v36, v1;
	v26 =	vld [tilespmem:$0x1F8D0]  }
0x275: {  	v12 =	vor.u32 v12, v0;
	v13 =	vor.u32 v13, v0;
	v14 =	vor.u32 v37, v1;
	v5 =	vld.idx.msk [tilespmem:v5+s13+$0x0], $0xffff  }
0x276: {  	v1 =	vor.u32 v42, v1;
	v9 =	vand.u32 $0x388, v9;
	v17 =	vor.u32 v18, v0;
	v4 =	vld.idx.msk [tilespmem:v4+s13+$0x0], $0xffff  }
0x277: {  	v18 =	vor.u32 v19, v0;
	v21 =	vor.u32 v41, v45;
	v24 =	vor.u32 v42, v45  }
0x278: {  	v12 =	vand.u32 $0x398, v12;
	v13 =	vand.u32 $0x3A8, v13;
	v17 =	vand.u32 $0x3D8, v17  }
0x279: {  	v15 =	vor.u32 v15, v0;
	v16 =	vor.u32 v16, v0;
	v8 =	vadd.f32 v8, v3  }
0x27a: {  	v10 =	vor.u32 v26, v10;
	v7 =	vadd.f32 v7, v3;
	v6 =	vadd.f32 v6, v3  }
0x27b: {  	v0 =	vor.u32 v20, v0;
	v5 =	vadd.f32 v5, v3;
	v4 =	vadd.f32 v4, v3  }
0x27c: {  	v27 =	vld [tilespmem:$0x1F890];
	v53 =	vor.u32 v26, v53;
	v9 =	vor.u32 v9, v10;
	v12 =	vor.u32 v12, v10  }
0x27d: {  	v11 =	vld.idx.msk [tilespmem:v11+s13+$0x0], $0xffff;
	v13 =	vor.u32 v13, v10;
	v15 =	vand.u32 $0x3B8, v15;
	v16 =	vand.u32 $0x3C8, v16  }
0x27e: {  	v14 =	vld.idx.msk [tilespmem:v14+s13+$0x0], $0xffff;
	v58 =	vor.u32 v58, v53;
	v56 =	vor.u32 v56, v53;
	v57 =	vor.u32 v57, v53  }
0x27f: {  	v19 =	vld.idx.msk [tilespmem:v1+s13+$0x0], $0xffff;
	v54 =	vor.u32 v54, v53;
	v50 =	vor.u32 v50, v53;
	v15 =	vor.u32 v15, v10  }
0x280: {  	v21 =	vld.idx.msk [tilespmem:v21+s13+$0x0], $0xffff;
	v55 =	vor.u32 v55, v53;
	v51 =	vor.u32 v51, v53;
	v16 =	vor.u32 v16, v10  }
0x281: {  	v28 =	vld [tilespmem:$0x1F8A0];
	v52 =	vor.u32 v52, v53;
	[tilespmem:v9+s16+$0x0] =	vst.idx.msk $0xffff, v8;
	v8 =	vor.u32 v17, v10;
	v9 =	vand.u32 $0x3E8, v18  }
0x282: {  	v32 =	vld [tilespmem:$0x1F8B0];
	v18 =	vor.u32 v38, v45;
	[tilespmem:v12+s16+$0x0] =	vst.idx.msk $0xffff, v7;
	v7 =	vor.u32 v9, v10;
	v9 =	vand.u32 $0x3F8, v0  }
0x283: {  	v24 =	vld.idx.msk [tilespmem:v24+s13+$0x0], $0xffff;
	[tilespmem:v13+s16+$0x0] =	vst.idx.msk $0xffff, v6;
	v6 =	vor.u32 v9, v10;
	v9 =	vor.u32 v35, v48  }
0x284: {  	v53 =	vld [tilespmem:$0x1F880];
	v10 =	vor.u32 v38, v48;
	[tilespmem:v15+s16+$0x0] =	vst.idx.msk $0xffff, v5;
	v5 =	vadd.f32 v11, v3  }
0x285: {  	v17 =	vld [tilespmem:s5+$0xFFFFFFFF];
	v13 =	vor.u32 v39, v48;
	[tilespmem:v16+s16+$0x0] =	vst.idx.msk $0xffff, v4;
	v4 =	vadd.f32 v14, v3  }
0x286: {  	v0 =	vld [tilespmem:s5+$0x0];
	v3 =	vadd.f32 v19, v3;
	[tilespmem:v8+s16+$0x0] =	vst.idx.msk $0xffff, v5;
	v5 =	vor.u32 v40, v48  }
0x287: {  	v8 =	vor.u32 v41, v48;
	v18 =	vld.idx.msk [tilespmem:v18+s13+$0x0], $0xffff;
	[tilespmem:v7+s16+$0x0] =	vst.idx.msk $0xffff, v4  }
0x288: {  	v4 =	vor.u32 v36, v48;
	[tilespmem:v6+s16+$0x0] =	vst.idx.msk $0xffff, v3;
	v3 =	vld.idx.msk [tilespmem:v9+s13+$0x0], $0xffff  }
0x289: {  	v2 =	vand.u32 $0x3B8, v2;
	v22 =	vor.u32 v36, v45;
	v7 =	vor.u32 v37, v48;
	v10 =	vld.idx.msk [tilespmem:v10+s13+$0x0], $0xffff  }
0x28a: {  	v23 =	vor.u32 v37, v45;
	v49 =	vor.u32 v26, v49;
	v6 =	vor.u32 v42, v48;
	v13 =	vld.idx.msk [tilespmem:v13+s13+$0x0], $0xffff  }
0x28b: {  	v33 =	vor.u32 v38, v43;
	v44 =	vor.u32 v26, v44;
	v47 =	vor.u32 v47, v49;
	v5 =	vld.idx.msk [tilespmem:v5+s13+$0x0], $0xffff  }
0x28c: {  	v46 =	vor.u32 v46, v49;
	v2 =	vor.u32 v2, v49;
	v12 =	vand.u32 $0x3A8, v63;
	v8 =	vld.idx.msk [tilespmem:v8+s13+$0x0], $0xffff  }
0x28d: {  	v12 =	vor.u32 v12, v49;
	v11 =	vand.u32 $0x3C8, v61;
	v19 =	vor.u32 v39, v45;
	v4 =	vld.idx.msk [tilespmem:v4+s13+$0x0], $0xffff  }
0x28e: {  	v15 =	vand.u32 $0x3E8, v59;
	v14 =	vand.u32 $0x3D8, v62;
	v9 =	vor.u32 v35, v45;
	v7 =	vld.idx.msk [tilespmem:v7+s13+$0x0], $0xffff  }
0x28f: {  	v16 =	vand.u32 $0x3F8, v60;
	v11 =	vor.u32 v11, v49;
	v15 =	vor.u32 v15, v49;
	v6 =	vld.idx.msk [tilespmem:v6+s13+$0x0], $0xffff  }
0x290: {  	v14 =	vor.u32 v14, v49;
	v16 =	vor.u32 v16, v49;
	v49 =	vor.u32 v29, v44;
	v29 =	vld.idx.msk [tilespmem:v33+s13+$0x0], $0xffff  }
0x291: {  	v33 =	vld [tilespmem:$0x1F8C0];
	v3 =	vadd.f32 v3, v17;
	v10 =	vadd.f32 v10, v17  }
0x292: {  	v20 =	vor.u32 v40, v45;
	v19 =	vld.idx.msk [tilespmem:v19+s13+$0x0], $0xffff;
	v13 =	vadd.f32 v13, v17;
	v5 =	vadd.f32 v5, v17  }
0x293: {  	v9 =	vld.idx.msk [tilespmem:v9+s13+$0x0], $0xffff;
	v8 =	vadd.f32 v8, v17;
	v4 =	vadd.f32 v4, v17  }
0x294: {  	v25 =	vor.u32 v35, v43;
	v7 =	vadd.f32 v7, v17;
	v6 =	vadd.f32 v6, v17;
	v17 =	vld.idx.msk [tilespmem:v22+s13+$0x0], $0xffff  }
0x295: {  	v34 =	vor.u32 v39, v43;
	v27 =	vor.u32 v27, v44;
	[tilespmem:v58+s16+$0x0] =	vst.idx.msk $0xffff, v3;
	v22 =	vld.idx.msk [tilespmem:v23+s13+$0x0], $0xffff  }
0x296: {  	v28 =	vor.u32 v28, v44;
	v30 =	vor.u32 v31, v44;
	[tilespmem:v56+s16+$0x0] =	vst.idx.msk $0xffff, v10;
	v23 =	vld [tilespmem:$0x1F870]  }
0x297: {  	v32 =	vor.u32 v32, v44;
	v20 =	vld.idx.msk [tilespmem:v20+s13+$0x0], $0xffff;
	v26 =	vor.u32 v53, v44;
	[tilespmem:v57+s16+$0x0] =	vst.idx.msk $0xffff, v13  }
0x298: {  	v63 =	vor.u32 v42, v43;
	v59 =	vor.u32 v40, v43;
	[tilespmem:v54+s16+$0x0] =	vst.idx.msk $0xffff, v5;
	v5 =	vld [tilespmem:$0x1FF60]  }
0x299: {  	v61 =	vor.u32 v36, v43;
	v9 =	vadd.f32 v9, v0;
	[tilespmem:v50+s16+$0x0] =	vst.idx.msk $0xffff, v8;
	v8 =	vld [tilespmem:$0x1FE70]  }
0x29a: {  	v31 =	vld.idx.msk [tilespmem:v34+s13+$0x0], $0xffff;
	v34 =	vlaneseq.u32;
	v18 =	vadd.f32 v18, v0;
	v33 =	vor.u32 v33, v44;
	[tilespmem:v55+s16+$0x0] =	vst.idx.msk $0xffff, v4  }
0x29b: {  	v19 =	vadd.f32 v19, v0;
	[tilespmem:v47+s16+$0x0] =	vst.idx.msk $0xffff, v9;
	v23 =	vor.u32 v23, v44;
	v44 =	vadd.s32 s6, v34  }
0x29c: {  	v1 =	vld [tilespmem:s5+$0xFFFFFFFE];
	v20 =	vadd.f32 v20, v0;
	[tilespmem:v46+s16+$0x0] =	vst.idx.msk $0xffff, v18;
	v3 =	vadd.f32 v17, v0;
	v17 =	vshll.u32 v44, $0x7  }
0x29d: {  	v25 =	vld.idx.msk [tilespmem:v25+s13+$0x0], $0xffff;
	v60 =	vor.u32 v41, v43;
	[tilespmem:v12+s16+$0x0] =	vst.idx.msk $0xffff, v19;
	v5 =	vor.u32 v5, v17  }
0x29e: {  	v63 =	vld.idx.msk [tilespmem:v63+s13+$0x0], $0xffff;
	[tilespmem:v2+s16+$0x0] =	vst.idx.msk $0xffff, v20;
	v8 =	vor.u32 v8, v17;
	v2 =	vand.u32 $0x3A8, v5  }
0x29f: {  	v62 =	vor.u32 v37, v43;
	v4 =	vld [tilespmem:$0x1FE80];
	[tilespmem:$0x1F880] =	vst v2;
	v2 =	vand.u32 $0x3B8, v8  }
0x2a0: {  	[tilespmem:$0x1F890] =	vst v2;
	v2 =	vld [tilespmem:$0x1FF60]  }
0x2a1: {  	v45 =	vld.idx.msk [tilespmem:v59+s13+$0x0], $0xffff  }
0x2a2: {  	s3 =	sadd.s32 $0x1, s6;
	v61 =	vld.idx.msk [tilespmem:v61+s13+$0x0], $0xffff  }
0x2a3: {  	v21 =	vadd.f32 v21, v0;
	v60 =	vld.idx.msk [tilespmem:v60+s13+$0x0], $0xffff;
	v56 =	vadd.f32 v29, v1;
	v29 =	vadd.s32 s3, v34  }
0x2a4: {  	v62 =	vld.idx.msk [tilespmem:v62+s13+$0x0], $0xffff;
	[tilespmem:v51+s16+$0x0] =	vst.idx.msk $0xffff, v7;
	v18 =	vshll.u32 v29, $0x7;
	v4 =	vor.u32 v4, v17  }
0x2a5: {  	v13 =	vld [tilespmem:$0x1FF50];
	[tilespmem:v11+s16+$0x0] =	vst.idx.msk $0xffff, v21;
	v11 =	vor.u32 v2, v18;
	v2 =	vand.u32 $0x3C8, v4  }
0x2a6: {  	[tilespmem:$0x1F8A0] =	vst v2;
	v2 =	vld [tilespmem:$0x1FE70]  }
0x2a7: {  	s30 =	sadd.s32 $0x2, s6;
	v25 =	vadd.f32 v25, v1;
	v59 =	vadd.f32 v31, v1;
	[tilespmem:v52+s16+$0x0] =	vst.idx.msk $0xffff, v6;
	v6 =	vld [tilespmem:$0x1FEA0]  }
0x2a8: {  	v31 =	vadd.s32 s30, v34;
	v48 =	vand.u32 $0x3F, v29;
	v9 =	vld [tilespmem:$0x1FEB0];
	v10 =	vadd.f32 v22, v0  }
0x2a9: {  	v55 =	vadd.f32 v45, v1;
	v45 =	vand.u32 $0x3F, v31;
	v7 =	vld [tilespmem:$0x1FE90];
	v22 =	vor.u32 v34, v17;
	[tilespmem:v14+s16+$0x0] =	vst.idx.msk $0xffff, v3  }
0x2aa: {  	v51 =	vadd.f32 v60, v1;
	v19 =	vld [tilespmem:$0x1FEA0];
	v0 =	vadd.f32 v24, v0;
	v12 =	vand.u32 $0x388, v22;
	[tilespmem:v15+s16+$0x0] =	vst.idx.msk $0xffff, v10  }
0x2ab: {  	v52 =	vadd.f32 v61, v1;
	v53 =	vand.u32 $0x1C00, v18;
	[tilespmem:$0x1F870] =	vst v12;
	v3 =	vor.u32 v2, v18;
	v2 =	vld [tilespmem:$0x1FE80]  }
0x2ac: {  	v24 =	vshll.u32 v31, $0x7;
	v20 =	vld [tilespmem:$0x1FEB0];
	v43 =	vand.u32 $0x3F, v44;
	v6 =	vor.u32 v6, v17;
	[tilespmem:v16+s16+$0x0] =	vst.idx.msk $0xffff, v0  }
0x2ad: {  	v13 =	vor.u32 v13, v17;
	v9 =	vor.u32 v9, v17;
	v14 =	vld [tilespmem:$0x1FE80];
	v0 =	vand.u32 $0x3E8, v6;
	[tilespmem:v23+s16+$0x0] =	vst.idx.msk $0xffff, v25  }
0x2ae: {  	v7 =	vor.u32 v7, v17;
	v29 =	vand.u32 $0x398, v13;
	v5 =	vor.u32 v34, v18;
	v13 =	vld [tilespmem:$0x1FF60];
	[tilespmem:$0x1F8B0] =	vst v0  }
0x2af: {  	v44 =	vand.u32 $0x1C00, v17;
	v17 =	vadd.f32 v62, v1;
	v1 =	vadd.f32 v63, v1;
	v12 =	vld [tilespmem:$0x1FF50];
	[tilespmem:v49+s16+$0x0] =	vst.idx.msk $0xffff, v56  }
0x2b0: {  	v31 =	vand.u32 $0x3D8, v7;
	v10 =	vor.u32 v19, v18;
	[tilespmem:v26+s16+$0x0] =	vst.idx.msk $0xffff, v59;
	v4 =	vor.u32 v2, v18;
	v2 =	vld [tilespmem:$0x1FE90]  }
0x2b1: {  	v58 =	vand.u32 $0x388, v5;
	v6 =	vor.u32 v34, v24;
	v60 =	vor.u32 v20, v24;
	[tilespmem:v27+s16+$0x0] =	vst.idx.msk $0xffff, v55  }
0x2b2: {  	v0 =	vor.u32 v20, v18;
	v49 =	vand.u32 $0x1C00, v24;
	v61 =	vor.u32 v14, v24;
	[tilespmem:v28+s16+$0x0] =	vst.idx.msk $0xffff, v51  }
0x2b3: {  	v47 =	vand.u32 $0x388, v6;
	v59 =	vor.u32 v19, v24;
	v63 =	vor.u32 v13, v24;
	[tilespmem:v30+s16+$0x0] =	vst.idx.msk $0xffff, v52  }
0x2b4: {  	s31 =	sadd.s32 $0x3, s6;
	v8 =	vor.u32 v12, v18;
	v51 =	vand.u32 $0x3E8, v10;
	v52 =	vand.u32 $0x3F8, v0;
	[tilespmem:v32+s16+$0x0] =	vst.idx.msk $0xffff, v17  }
0x2b5: {  	v0 =	vadd.s32 s31, v34;
	[tilespmem:v33+s16+$0x0] =	vst.idx.msk $0xffff, v1;
	v7 =	vor.u32 v2, v18;
	v2 =	vand.u32 $0x3F8, v9;
	v18 =	vld [tilespmem:$0x1FE90]  }
0x2b6: {  	p0 =	slt.u32 s6, $0x3C;
	v56 =	vand.u32 $0x398, v8;
	v57 =	vand.u32 $0x3A8, v11;
	v1 =	vand.u32 $0x3F, v0;
	[tilespmem:$0x1F8C0] =	vst v2;
	v2 =	vld [tilespmem:$0x1FE70]  }
.Ltmp4:
0x2b7: {  	v0 =	vshll.u32 v0, $0x7;
	v8 =	vor.u32 v35, v1;
	v6 =	vor.u32 v39, v1;
	(pc) =	sbr.rel @p0 .LBB2_7-.Ltmp4, $4  }
0x2b8: {  	v5 =	vor.u32 v40, v1;
	v10 =	vand.u32 $0x1C00, v0;
	v54 =	vand.u32 $0x3B8, v3  }
0x2b9: {  	v50 =	vand.u32 $0x3C8, v4;
	v4 =	vor.u32 v41, v1;
	v9 =	vor.u32 v12, v24  }
0x2ba: {  	s5 =	sadd.s32 $0x4, s5;
	v55 =	vand.u32 $0x3D8, v7;
	v46 =	vand.u32 $0x398, v9;
	v7 =	vor.u32 v38, v1  }
0x2bb: {  	s6 =	sadd.s32 $0x4, s6;
	v3 =	vld [tilespmem:s5+$0x1];
	v9 =	vor.u32 v34, v0;
	v62 =	vor.u32 v18, v24;
	v2 =	vor.u32 v2, v24  }
0x2bc: {  	_ =	sdelay $0x3  }
0x2bd: {  	v8 =	vld.idx.msk [tilespmem:v8+s13+$0x0], $0xffff  }
0x2be: {  	v15 =	vld [tilespmem:$0x1FE70]  }
0x2bf: {  	v34 =	vld [tilespmem:$0x1F8D0]  }
0x2c0: {  	v11 =	vor.u32 v36, v1;
	v16 =	vld [tilespmem:$0x1FE80]  }
0x2c1: {  	v12 =	vor.u32 v12, v0;
	v13 =	vor.u32 v13, v0;
	v7 =	vld.idx.msk [tilespmem:v7+s13+$0x0], $0xffff;
	v14 =	vor.u32 v37, v1  }
0x2c2: {  	v6 =	vld.idx.msk [tilespmem:v6+s13+$0x0], $0xffff;
	v1 =	vor.u32 v42, v1;
	v9 =	vand.u32 $0x388, v9;
	v17 =	vor.u32 v18, v0  }
0x2c3: {  	v5 =	vld.idx.msk [tilespmem:v5+s13+$0x0], $0xffff;
	v18 =	vor.u32 v19, v0;
	v12 =	vand.u32 $0x398, v12;
	v13 =	vand.u32 $0x3A8, v13  }
0x2c4: {  	v4 =	vld.idx.msk [tilespmem:v4+s13+$0x0], $0xffff;
	v17 =	vand.u32 $0x3D8, v17;
	v15 =	vor.u32 v15, v0;
	v10 =	vor.u32 v34, v10  }
0x2c5: {  	v16 =	vor.u32 v16, v0;
	v0 =	vor.u32 v20, v0;
	v9 =	vor.u32 v9, v10  }
0x2c6: {  	v8 =	vadd.f32 v8, v3;
	v7 =	vadd.f32 v7, v3;
	v12 =	vor.u32 v12, v10  }
0x2c7: {  	v11 =	vld.idx.msk [tilespmem:v11+s13+$0x0], $0xffff;
	v6 =	vadd.f32 v6, v3;
	v13 =	vor.u32 v13, v10;
	v15 =	vand.u32 $0x3B8, v15  }
0x2c8: {  	v14 =	vld.idx.msk [tilespmem:v14+s13+$0x0], $0xffff;
	v5 =	vadd.f32 v5, v3;
	v16 =	vand.u32 $0x3C8, v16;
	v15 =	vor.u32 v15, v10  }
0x2c9: {  	v1 =	vld.idx.msk [tilespmem:v1+s13+$0x0], $0xffff;
	v4 =	vadd.f32 v4, v3;
	v20 =	vor.u32 v35, v43;
	v16 =	vor.u32 v16, v10  }
0x2ca: {  	v25 =	vor.u32 v34, v53;
	[tilespmem:v9+s16+$0x0] =	vst.idx.msk $0xffff, v8;
	v8 =	vor.u32 v17, v10;
	v9 =	vand.u32 $0x3E8, v18  }
0x2cb: {  	v0 =	vand.u32 $0x3F8, v0;
	v28 =	vor.u32 v58, v25;
	[tilespmem:v12+s16+$0x0] =	vst.idx.msk $0xffff, v7;
	v7 =	vor.u32 v9, v10  }
0x2cc: {  	v0 =	vor.u32 v0, v10;
	v9 =	vor.u32 v38, v48;
	[tilespmem:v13+s16+$0x0] =	vst.idx.msk $0xffff, v6  }
0x2cd: {  	v58 =	vand.u32 $0x3F8, v60;
	v10 =	vor.u32 v39, v48;
	[tilespmem:v15+s16+$0x0] =	vst.idx.msk $0xffff, v5;
	v5 =	vadd.f32 v11, v3  }
0x2ce: {  	v60 =	vld.idx.msk [tilespmem:v20+s13+$0x0], $0xffff;
	v12 =	vor.u32 v38, v45;
	[tilespmem:v16+s16+$0x0] =	vst.idx.msk $0xffff, v4;
	v4 =	vadd.f32 v14, v3  }
0x2cf: {  	v13 =	vld [tilespmem:s5+$0x0];
	[tilespmem:v8+s16+$0x0] =	vst.idx.msk $0xffff, v5  }
0x2d0: {  	v6 =	vor.u32 v35, v48;
	[tilespmem:v7+s16+$0x0] =	vst.idx.msk $0xffff, v4;
	v4 =	vld [tilespmem:s5+$0xFFFFFFFE]  }
0x2d1: {  	v11 =	vor.u32 v35, v45;
	v9 =	vld.idx.msk [tilespmem:v9+s13+$0x0], $0xffff  }
0x2d2: {  	v1 =	vadd.f32 v1, v3;
	v3 =	vor.u32 v40, v48;
	v10 =	vld.idx.msk [tilespmem:v10+s13+$0x0], $0xffff  }
0x2d3: {  	v5 =	vor.u32 v41, v48;
	v12 =	vld.idx.msk [tilespmem:v12+s13+$0x0], $0xffff  }
0x2d4: {  	v8 =	vor.u32 v37, v48;
	[tilespmem:v0+s16+$0x0] =	vst.idx.msk $0xffff, v1;
	v0 =	vld [tilespmem:s5+$0xFFFFFFFF]  }
0x2d5: {  	v19 =	vor.u32 v42, v45;
	v22 =	vor.u32 v39, v43;
	v7 =	vor.u32 v36, v48;
	v6 =	vld.idx.msk [tilespmem:v6+s13+$0x0], $0xffff  }
0x2d6: {  	v23 =	vor.u32 v40, v43;
	v32 =	vor.u32 v34, v44;
	v1 =	vor.u32 v42, v48;
	v11 =	vld.idx.msk [tilespmem:v11+s13+$0x0], $0xffff  }
0x2d7: {  	v34 =	vor.u32 v34, v49;
	v33 =	vor.u32 v56, v25;
	v14 =	vor.u32 v39, v45;
	v3 =	vld.idx.msk [tilespmem:v3+s13+$0x0], $0xffff  }
0x2d8: {  	v49 =	vor.u32 v57, v25;
	v53 =	vor.u32 v54, v25;
	v16 =	vor.u32 v41, v45;
	v5 =	vld.idx.msk [tilespmem:v5+s13+$0x0], $0xffff  }
0x2d9: {  	v54 =	vor.u32 v50, v25;
	v55 =	vor.u32 v55, v25;
	v56 =	vor.u32 v51, v25;
	v8 =	vld.idx.msk [tilespmem:v8+s13+$0x0], $0xffff  }
0x2da: {  	v25 =	vor.u32 v52, v25;
	v48 =	vor.u32 v40, v45;
	v7 =	vld.idx.msk [tilespmem:v7+s13+$0x0], $0xffff;
	v6 =	vadd.f32 v6, v0  }
0x2db: {  	v57 =	vand.u32 $0x3E8, v59;
	v17 =	vor.u32 v36, v45;
	v1 =	vld.idx.msk [tilespmem:v1+s13+$0x0], $0xffff;
	v9 =	vadd.f32 v9, v0  }
0x2dc: {  	v18 =	vor.u32 v37, v45;
	v14 =	vld.idx.msk [tilespmem:v14+s13+$0x0], $0xffff;
	v10 =	vadd.f32 v10, v0;
	[tilespmem:v28+s16+$0x0] =	vst.idx.msk $0xffff, v6  }
0x2dd: {  	v59 =	vor.u32 v47, v34;
	v16 =	vld.idx.msk [tilespmem:v16+s13+$0x0], $0xffff;
	v3 =	vadd.f32 v3, v0;
	[tilespmem:v33+s16+$0x0] =	vst.idx.msk $0xffff, v9  }
0x2de: {  	v28 =	vand.u32 $0x3D8, v62;
	v62 =	vld.idx.msk [tilespmem:v23+s13+$0x0], $0xffff;
	v5 =	vadd.f32 v5, v0;
	[tilespmem:v49+s16+$0x0] =	vst.idx.msk $0xffff, v10  }
0x2df: {  	v6 =	vand.u32 $0x3A8, v63;
	v7 =	vadd.f32 v7, v0;
	v10 =	vld.idx.msk [tilespmem:v48+s13+$0x0], $0xffff;
	[tilespmem:v53+s16+$0x0] =	vst.idx.msk $0xffff, v3  }
0x2e0: {  	v8 =	vadd.f32 v8, v0;
	v0 =	vadd.f32 v1, v0;
	v1 =	vld.idx.msk [tilespmem:v17+s13+$0x0], $0xffff;
	[tilespmem:v54+s16+$0x0] =	vst.idx.msk $0xffff, v5  }
0x2e1: {  	v3 =	vor.u32 v46, v34;
	v5 =	vor.u32 v6, v34;
	v6 =	vld.idx.msk [tilespmem:v18+s13+$0x0], $0xffff;
	[tilespmem:v55+s16+$0x0] =	vst.idx.msk $0xffff, v7  }
0x2e2: {  	v9 =	vand.u32 $0x3C8, v61;
	v18 =	vld [tilespmem:$0x1FE90]  }
0x2e3: {  	v7 =	vadd.f32 v11, v13;
	[tilespmem:v56+s16+$0x0] =	vst.idx.msk $0xffff, v8;
	v8 =	vor.u32 v9, v34;
	v9 =	vld.idx.msk [tilespmem:v19+s13+$0x0], $0xffff  }
0x2e4: {  	v21 =	vor.u32 v38, v43;
	v11 =	vadd.f32 v12, v13;
	v19 =	vld [tilespmem:$0x1FEA0];
	[tilespmem:v25+s16+$0x0] =	vst.idx.msk $0xffff, v0  }
0x2e5: {  	v2 =	vand.u32 $0x3B8, v2;
	v14 =	vadd.f32 v14, v13;
	v20 =	vld [tilespmem:$0x1FEB0];
	[tilespmem:v59+s16+$0x0] =	vst.idx.msk $0xffff, v7  }
0x2e6: {  	v24 =	vor.u32 v41, v43;
	v2 =	vor.u32 v2, v34;
	[tilespmem:v3+s16+$0x0] =	vst.idx.msk $0xffff, v11;
	v11 =	vld.idx.msk [tilespmem:v22+s13+$0x0], $0xffff  }
0x2e7: {  	v26 =	vor.u32 v36, v43;
	v22 =	vld [tilespmem:$0x1FF50];
	[tilespmem:v5+s16+$0x0] =	vst.idx.msk $0xffff, v14  }
0x2e8: {  	v5 =	vld [tilespmem:$0x1F870]  }
0x2e9: {  	v27 =	vor.u32 v37, v43;
	v61 =	vld.idx.msk [tilespmem:v21+s13+$0x0], $0xffff;
	v0 =	vor.u32 v28, v34;
	v10 =	vadd.f32 v10, v13  }
0x2ea: {  	v16 =	vadd.f32 v16, v13;
	v7 =	vor.u32 v57, v34;
	v23 =	vld [tilespmem:$0x1FF60]  }
0x2eb: {  	[tilespmem:v2+s16+$0x0] =	vst.idx.msk $0xffff, v10;
	v10 =	vld.idx.msk [tilespmem:v24+s13+$0x0], $0xffff  }
0x2ec: {  	v1 =	vadd.f32 v1, v13;
	v3 =	vor.u32 v58, v34;
	[tilespmem:v8+s16+$0x0] =	vst.idx.msk $0xffff, v16;
	v16 =	vld.idx.msk [tilespmem:v26+s13+$0x0], $0xffff  }
0x2ed: {  	v30 =	vor.u32 v42, v43;
	v6 =	vadd.f32 v6, v13;
	v8 =	vld [tilespmem:$0x1F880];
	v5 =	vor.u32 v5, v32  }
0x2ee: {  	v2 =	vor.u32 v29, v32;
	[tilespmem:v0+s16+$0x0] =	vst.idx.msk $0xffff, v1;
	v1 =	vld.idx.msk [tilespmem:v27+s13+$0x0], $0xffff  }
0x2ef: {  	v9 =	vadd.f32 v9, v13;
	v0 =	vld [tilespmem:$0x1F890];
	[tilespmem:v7+s16+$0x0] =	vst.idx.msk $0xffff, v6  }
0x2f0: {  	v12 =	vadd.f32 v60, v4;
	v6 =	vld [tilespmem:$0x1F8A0]  }
0x2f1: {  	v63 =	vadd.f32 v61, v4;
	v24 =	vld [tilespmem:$0x1FE70];
	[tilespmem:v3+s16+$0x0] =	vst.idx.msk $0xffff, v9  }
0x2f2: {  	v7 =	vld.idx.msk [tilespmem:v30+s13+$0x0], $0xffff;
	[tilespmem:v5+s16+$0x0] =	vst.idx.msk $0xffff, v12  }
0x2f3: {  	v5 =	vld [tilespmem:$0x1F8B0];
	[tilespmem:v2+s16+$0x0] =	vst.idx.msk $0xffff, v63  }
0x2f4: {  	v8 =	vor.u32 v8, v32;
	v2 =	vld [tilespmem:$0x1F8C0]  }
0x2f5: {  	v0 =	vor.u32 v0, v32  }
0x2f6: {  	v6 =	vor.u32 v6, v32  }
0x2f7: {  	v3 =	vor.u32 v31, v32;
	v9 =	vadd.f32 v11, v4  }
0x2f8: {  	v11 =	vadd.f32 v62, v4;
	v5 =	vor.u32 v5, v32  }
0x2f9: {  	v10 =	vadd.f32 v10, v4;
	[tilespmem:v8+s16+$0x0] =	vst.idx.msk $0xffff, v9;
	v2 =	vor.u32 v2, v32  }
0x2fa: {  	v8 =	vadd.f32 v16, v4;
	v25 =	vld [tilespmem:$0x1FE80];
	[tilespmem:v0+s16+$0x0] =	vst.idx.msk $0xffff, v11  }
0x2fb: {  	s3 =	sshll.u32 s12, $0x12;
	v0 =	vadd.f32 v1, v4;
	[tilespmem:v6+s16+$0x0] =	vst.idx.msk $0xffff, v10  }
0x2fc: {  	s3 =	sor.u32 s7, s3;
	v1 =	vadd.f32 v7, v4;
	[tilespmem:v3+s16+$0x0] =	vst.idx.msk $0xffff, v8  }
0x2fd: {  	s3 =	sshrl.u32 s3, $0x3;
	[tilespmem:v5+s16+$0x0] =	vst.idx.msk $0xffff, v0  }
0x2fe: {  	p0 =	seq.s32 s0, $0x31;
	s3 =	sadd.s32 s2, s3;
	[tilespmem:v2+s16+$0x0] =	vst.idx.msk $0xffff, v1  }
0x2ff: {  	[hbm4b:s3+s17] =	stream.strided.scatter [tilespmem:s24], [sflag:$0x7], $0x2000, s18, s17, $0x38;
	[tilespmem:$0x19680] =	vst v63  }
0x300: {  	s3 =	sshll.u32 @!p0 s0, $0x9;
	_ =	swait.ge [sflag:s25], $0x2000  }
0x301: {  	s6 =	simm.s32 @!p0 $0x6400;
	s3 =	sand.u32 @!p0 $0x3FFFFE00, s3;
	[sflag:s25] =	ssyncset.done $0x0  }
0x302: {  	s5 =	simm.s32 @!p0 $0x80;
	s3 =	sadd.s32 @!p0 $0x200, s3;
	[sflag:s25] =	ssyncadd.s32 $0xFFFFE000  }
0x303: {  	[tilespmem:s6], [sflag:$0x1] =	stream.indirect.gather @!p0 [hbm4b:s4+s5], $0x40, s3, s5, $0xb8;
	[tilespmem:$0x19680] =	vst v63  }
0x304: {  	_ =	swait.ge [sflag:s26], $0x2000  }
0x305: {  	s6 =	sshll.u32 s10, $0x6;
	[sflag:s26] =	ssyncset.done $0x0  }
0x306: {  	s3 =	sand.u32 $0x3FFFFFC0, s6;
	[sflag:s26] =	ssyncadd.s32 $0xFFFFE000  }
0x307: {  	v0 =	vld [tilespmem:s3+$0x16400];
	_ =	sdelay $0x3  }
0x308: {  	s30 =	simm.s32 $0x2;
	v16 =	vlaneseq.u32  }
0x309: {  	s8 =	simm.s32 $0x0;
	s12 =	simm.s32 $0x1;
	v10 =	vadd.s32 s30, v16;
	[tilespmem:$0x19600] =	vst v0  }
0x30a: {  	v8 =	vadd.s32 s12, v16;
	v26 =	vshll.u32 v10, $0x7;
	v1 =	vadd.s32 s8, v16;
	[tilespmem:$0x19640] =	vst v0  }
0x30b: {  	v45 =	vand.u32 $0x3F, v10;
	v2 =	vshll.u32 v1, $0x7;
	v43 =	vand.u32 $0x3F, v1;
	v1 =	vld [tilespmem:s3+$0x16410]  }
0x30c: {  	v11 =	vshll.u32 v8, $0x7;
	v51 =	vand.u32 $0x3F, v8;
	v10 =	vor.u32 v16, v26  }
0x30d: {  	v42 =	vor.u32 v22, v26;
	v58 =	vor.u32 v24, v26;
	v3 =	vor.u32 v16, v2  }
0x30e: {  	v4 =	vor.u32 v22, v2;
	v38 =	vand.u32 $0x388, v3;
	v3 =	vor.u32 v22, v11  }
0x30f: {  	v39 =	vand.u32 $0x398, v4;
	v4 =	vor.u32 v23, v11;
	v62 =	vand.u32 $0x398, v3;
	v3 =	vld [tilespmem:$0x1FF40]  }
0x310: {  	v46 =	vand.u32 $0x1C00, v26;
	v56 =	vor.u32 v18, v26;
	v60 =	vand.u32 $0x3A8, v4;
	v4 =	vld [tilespmem:$0x1FEC0];
	[tilespmem:$0x19610] =	vst v1  }
0x311: {  	v47 =	vor.u32 v19, v26;
	v5 =	vor.u32 v24, v2;
	v6 =	vor.u32 v25, v2;
	[tilespmem:$0x19650] =	vst v1  }
0x312: {  	v7 =	vor.u32 v18, v2;
	v9 =	vor.u32 v19, v2;
	v35 =	vand.u32 $0x3C8, v6;
	v6 =	vld [tilespmem:s3+$0x16420]  }
0x313: {  	v28 =	vand.u32 $0x3B8, v5;
	v5 =	vor.u32 v25, v11;
	v40 =	vand.u32 $0x3D8, v7  }
0x314: {  	v7 =	vor.u32 v18, v11;
	v41 =	vand.u32 $0x3E8, v9;
	v3 =	vor.u32 $0x6000, v3  }
0x315: {  	v9 =	vor.u32 v20, v11;
	v54 =	vand.u32 $0x3D8, v7;
	v7 =	vor.u32 $0x6000, v4;
	[tilespmem:$0x1F7E0] =	vst v3  }
0x316: {  	v8 =	vor.u32 v19, v11;
	v57 =	vand.u32 $0x3C8, v5;
	v53 =	vand.u32 $0x3F8, v9;
	[tilespmem:$0x1F7F0] =	vst v7  }
0x317: {  	v5 =	vor.u32 $0x6800, v4;
	v9 =	vor.u32 $0x6C00, v4;
	v0 =	vor.u32 v23, v2;
	[tilespmem:$0x19620] =	vst v6  }
0x318: {  	s31 =	simm.s32 $0x3;
	v31 =	vand.u32 $0x3A8, v0;
	v0 =	vor.u32 v16, v11;
	v1 =	vor.u32 v24, v11;
	[tilespmem:$0x19660] =	vst v6  }
0x319: {  	[tilespmem:$0x1F830] =	vst v5;
	v63 =	vand.u32 $0x388, v0;
	v59 =	vand.u32 $0x3B8, v1;
	v1 =	vadd.s32 s31, v16;
	v0 =	vld [tilespmem:s3+$0x16430]  }
0x31a: {  	v52 =	vand.u32 $0x3E8, v8;
	[tilespmem:$0x1F850] =	vst v9;
	v3 =	vand.u32 $0x3F, v1;
	v6 =	vor.u32 $0x6400, v4  }
0x31b: {  	v8 =	vor.u32 v7, v3;
	[tilespmem:$0x1F800] =	vst v6;
	v7 =	vor.u32 v6, v3;
	v6 =	vor.u32 $0x7400, v4  }
0x31c: {  	v49 =	vor.u32 v20, v26;
	v61 =	vand.u32 $0x1C00, v11;
	[tilespmem:$0x1F810] =	vst v6;
	v6 =	vor.u32 $0x7800, v4  }
0x31d: {  	v50 =	vand.u32 $0x388, v10;
	v48 =	vand.u32 $0x398, v42;
	v55 =	vor.u32 v25, v26;
	[tilespmem:$0x1F820] =	vst v6  }
0x31e: {  	v44 =	vand.u32 $0x1C00, v2;
	v10 =	vor.u32 $0x7000, v4;
	v2 =	vor.u32 v20, v2;
	[tilespmem:$0x19630] =	vst v0  }
0x31f: {  	v37 =	vand.u32 $0x3F8, v2;
	v2 =	vor.u32 v23, v26;
	[tilespmem:$0x19670] =	vst v0;
	v0 =	vor.u32 $0x7C00, v4  }
0x320: {  	s5 =	simm.s32 $0x19602;
	v1 =	vshll.u32 v1, $0x7;
	v6 =	vor.u32 v5, v3;
	v5 =	vor.u32 v9, v3;
	[tilespmem:$0x1F840] =	vst v0  }
0x321: {  	s6 =	simm.s32 $0x4;
	v9 =	vor.u32 v16, v1;
	v4 =	vor.u32 v10, v3;
	v0 =	vld [tilespmem:s5+$0x1];
	[tilespmem:$0x1F860] =	vst v10;
	v10 =	vand.u32 $0x1C00, v1  }
.LBB2_9:
0x322: {  	_ = 	snop  }
0x323: {  	v8 =	vld.idx.msk [tilespmem:v8+s13+$0x0], $0xffff  }
0x324: {  	v27 =	vld [tilespmem:$0x1F810]  }
0x325: {  	v29 =	vld [tilespmem:$0x1F820]  }
0x326: {  	v15 =	vld [tilespmem:$0x1FE70]  }
0x327: {  	v16 =	vld [tilespmem:$0x1FE80]  }
0x328: {  	v6 =	vld.idx.msk [tilespmem:v6+s13+$0x0], $0xffff  }
0x329: {  	v30 =	vld [tilespmem:$0x1F840]  }
0x32a: {  	v26 =	vld [tilespmem:$0x1F7E0]  }
0x32b: {  	v5 =	vld.idx.msk [tilespmem:v5+s13+$0x0], $0xffff  }
0x32c: {  	v12 =	vor.u32 v22, v1;
	v13 =	vor.u32 v23, v1;
	v34 =	vld [tilespmem:$0x1F850]  }
0x32d: {  	v9 =	vand.u32 $0x388, v9;
	v17 =	vor.u32 v18, v1;
	v18 =	vor.u32 v19, v1;
	v36 =	vld [tilespmem:$0x1F860]  }
0x32e: {  	v4 =	vld.idx.msk [tilespmem:v4+s13+$0x0], $0xffff;
	v19 =	vor.u32 v20, v1;
	v32 =	vand.u32 $0x3C8, v55;
	v11 =	vor.u32 v27, v3  }
0x32f: {  	v12 =	vand.u32 $0x398, v12;
	v13 =	vand.u32 $0x3A8, v13;
	v14 =	vor.u32 v29, v3  }
0x330: {  	v7 =	vld.idx.msk [tilespmem:v7+s13+$0x0], $0xffff;
	v15 =	vor.u32 v15, v1;
	v16 =	vor.u32 v16, v1;
	v3 =	vor.u32 v30, v3  }
0x331: {  	v42 =	vld [tilespmem:$0x1F800];
	v10 =	vor.u32 v26, v10;
	v8 =	vadd.f32 v8, v0;
	v20 =	vor.u32 v34, v45  }
0x332: {  	v33 =	vld [tilespmem:$0x1F830];
	v6 =	vadd.f32 v6, v0;
	v5 =	vadd.f32 v5, v0;
	v21 =	vor.u32 v36, v45  }
0x333: {  	v4 =	vadd.f32 v4, v0;
	v24 =	vor.u32 v30, v45;
	v9 =	vor.u32 v9, v10;
	v11 =	vld.idx.msk [tilespmem:v11+s13+$0x0], $0xffff  }
0x334: {  	v22 =	vor.u32 v27, v45;
	v23 =	vor.u32 v29, v45;
	v12 =	vor.u32 v12, v10;
	v14 =	vld.idx.msk [tilespmem:v14+s13+$0x0], $0xffff  }
0x335: {  	v13 =	vor.u32 v13, v10;
	v15 =	vand.u32 $0x3B8, v15;
	v1 =	vand.u32 $0x3C8, v16;
	v16 =	vld.idx.msk [tilespmem:v3+s13+$0x0], $0xffff  }
0x336: {  	v55 =	vor.u32 v27, v43;
	v44 =	vor.u32 v26, v44;
	v15 =	vor.u32 v15, v10;
	v20 =	vld.idx.msk [tilespmem:v20+s13+$0x0], $0xffff  }
0x337: {  	v46 =	vor.u32 v26, v46;
	v3 =	vadd.f32 v7, v0;
	v7 =	vor.u32 v1, v10;
	v21 =	vld.idx.msk [tilespmem:v21+s13+$0x0], $0xffff  }
0x338: {  	v17 =	vand.u32 $0x3D8, v17;
	v24 =	vld.idx.msk [tilespmem:v24+s13+$0x0], $0xffff;
	[tilespmem:v9+s16+$0x0] =	vst.idx.msk $0xffff, v8;
	v9 =	vand.u32 $0x3E8, v18;
	v18 =	vor.u32 v42, v45  }
0x339: {  	v1 =	vld [tilespmem:s5+$0xFFFFFFFE];
	v8 =	vor.u32 v17, v10;
	[tilespmem:v12+s16+$0x0] =	vst.idx.msk $0xffff, v3;
	v12 =	vand.u32 $0x3F8, v19;
	v19 =	vor.u32 v33, v45  }
0x33a: {  	v17 =	vld [tilespmem:s5+$0xFFFFFFFF];
	v9 =	vor.u32 v9, v10;
	[tilespmem:v13+s16+$0x0] =	vst.idx.msk $0xffff, v6;
	v6 =	vor.u32 v12, v10  }
0x33b: {  	v13 =	vld [tilespmem:$0x1F7F0];
	[tilespmem:v15+s16+$0x0] =	vst.idx.msk $0xffff, v5;
	v15 =	vand.u32 $0x3E8, v47;
	v47 =	vor.u32 v33, v43;
	v5 =	vadd.f32 v11, v0  }
0x33c: {  	v2 =	vand.u32 $0x3A8, v2;
	v3 =	vld [tilespmem:s5+$0x0];
	v11 =	vor.u32 v42, v51;
	[tilespmem:v7+s16+$0x0] =	vst.idx.msk $0xffff, v4;
	v4 =	vadd.f32 v14, v0  }
0x33d: {  	v7 =	vor.u32 v33, v51;
	v14 =	vand.u32 $0x3D8, v56;
	v56 =	vor.u32 v29, v43;
	v18 =	vld.idx.msk [tilespmem:v18+s13+$0x0], $0xffff  }
0x33e: {  	[tilespmem:v8+s16+$0x0] =	vst.idx.msk $0xffff, v5;
	v5 =	vor.u32 v34, v51;
	v8 =	vor.u32 v36, v51;
	v19 =	vld.idx.msk [tilespmem:v19+s13+$0x0], $0xffff  }
0x33f: {  	[tilespmem:v9+s16+$0x0] =	vst.idx.msk $0xffff, v4;
	v9 =	vor.u32 v29, v51;
	v29 =	vor.u32 v40, v44;
	v40 =	vld.idx.msk [tilespmem:v55+s13+$0x0], $0xffff  }
0x340: {  	v10 =	vor.u32 v13, v51;
	v4 =	vor.u32 v27, v51;
	v27 =	vor.u32 v35, v44;
	v35 =	vld.idx.msk [tilespmem:v47+s13+$0x0], $0xffff  }
0x341: {  	v50 =	vor.u32 v50, v46;
	v48 =	vor.u32 v48, v46;
	v0 =	vadd.f32 v16, v0;
	v11 =	vld.idx.msk [tilespmem:v11+s13+$0x0], $0xffff  }
0x342: {  	v2 =	vor.u32 v2, v46;
	v12 =	vand.u32 $0x3B8, v58;
	v58 =	vor.u32 v26, v61;
	v7 =	vld.idx.msk [tilespmem:v7+s13+$0x0], $0xffff  }
0x343: {  	v61 =	vor.u32 v63, v58;
	[tilespmem:v6+s16+$0x0] =	vst.idx.msk $0xffff, v0;
	v6 =	vor.u32 v30, v51;
	v5 =	vld.idx.msk [tilespmem:v5+s13+$0x0], $0xffff  }
0x344: {  	v62 =	vor.u32 v62, v58;
	v60 =	vor.u32 v60, v58;
	v25 =	vor.u32 v13, v43;
	v8 =	vld.idx.msk [tilespmem:v8+s13+$0x0], $0xffff  }
0x345: {  	v59 =	vor.u32 v59, v58;
	v57 =	vor.u32 v57, v58;
	v51 =	vor.u32 v36, v43;
	v0 =	vld.idx.msk [tilespmem:v10+s13+$0x0], $0xffff  }
0x346: {  	v54 =	vor.u32 v54, v58;
	v52 =	vor.u32 v52, v58;
	v10 =	vor.u32 v13, v45;
	v4 =	vld.idx.msk [tilespmem:v4+s13+$0x0], $0xffff  }
0x347: {  	v53 =	vor.u32 v53, v58;
	v12 =	vor.u32 v12, v46;
	v45 =	vor.u32 v42, v43;
	v9 =	vld.idx.msk [tilespmem:v9+s13+$0x0], $0xffff  }
0x348: {  	v58 =	vor.u32 v32, v46;
	v16 =	vand.u32 $0x3F8, v49;
	v49 =	vor.u32 v34, v43;
	v6 =	vld.idx.msk [tilespmem:v6+s13+$0x0], $0xffff  }
0x349: {  	v15 =	vor.u32 v15, v46;
	v14 =	vor.u32 v14, v46;
	v16 =	vor.u32 v16, v46;
	v25 =	vld.idx.msk [tilespmem:v25+s13+$0x0], $0xffff  }
0x34a: {  	v46 =	vor.u32 v39, v44;
	v39 =	vld.idx.msk [tilespmem:v51+s13+$0x0], $0xffff;
	v11 =	vadd.f32 v11, v17;
	v7 =	vadd.f32 v7, v17  }
0x34b: {  	v26 =	vor.u32 v28, v44;
	v5 =	vadd.f32 v5, v17;
	v8 =	vadd.f32 v8, v17;
	v10 =	vld.idx.msk [tilespmem:v10+s13+$0x0], $0xffff  }
0x34c: {  	v43 =	vor.u32 v30, v43;
	v0 =	vadd.f32 v0, v17;
	v4 =	vadd.f32 v4, v17;
	v28 =	vld.idx.msk [tilespmem:v45+s13+$0x0], $0xffff  }
0x34d: {  	v9 =	vadd.f32 v9, v17;
	v6 =	vadd.f32 v6, v17;
	v17 =	vld.idx.msk [tilespmem:v22+s13+$0x0], $0xffff  }
0x34e: {  	v63 =	vor.u32 v31, v44;
	v22 =	vld.idx.msk [tilespmem:v23+s13+$0x0], $0xffff;
	v23 =	vor.u32 v38, v44;
	[tilespmem:v61+s16+$0x0] =	vst.idx.msk $0xffff, v0  }
0x34f: {  	v31 =	vor.u32 v37, v44;
	v20 =	vadd.f32 v20, v3;
	v38 =	vld.idx.msk [tilespmem:v49+s13+$0x0], $0xffff;
	[tilespmem:v62+s16+$0x0] =	vst.idx.msk $0xffff, v11  }
0x350: {  	v21 =	vadd.f32 v21, v3;
	v18 =	vadd.f32 v18, v3;
	[tilespmem:v60+s16+$0x0] =	vst.idx.msk $0xffff, v7;
	v7 =	vld [tilespmem:$0x1FF50]  }
0x351: {  	v19 =	vadd.f32 v19, v3;
	v25 =	vadd.f32 v25, v1;
	v60 =	vld.idx.msk [tilespmem:v43+s13+$0x0], $0xffff;
	[tilespmem:v59+s16+$0x0] =	vst.idx.msk $0xffff, v5  }
0x352: {  	v10 =	vadd.f32 v10, v3;
	v5 =	vld [tilespmem:$0x1FF60];
	v0 =	vadd.f32 v17, v3;
	[tilespmem:v57+s16+$0x0] =	vst.idx.msk $0xffff, v8  }
0x353: {  	s30 =	sadd.s32 $0x2, s6;
	v32 =	vlaneseq.u32;
	v11 =	vadd.f32 v22, v3;
	v3 =	vadd.f32 v24, v3;
	v24 =	vld.idx.msk [tilespmem:v56+s13+$0x0], $0xffff;
	[tilespmem:v23+s16+$0x0] =	vst.idx.msk $0xffff, v25  }
0x354: {  	v37 =	vadd.s32 s6, v32;
	v30 =	vor.u32 v41, v44;
	v62 =	vadd.s32 s30, v32;
	v8 =	vld [tilespmem:$0x1FE70];
	[tilespmem:v54+s16+$0x0] =	vst.idx.msk $0xffff, v4  }
0x355: {  	s3 =	sadd.s32 $0x1, s6;
	v49 =	vadd.f32 v35, v1;
	v43 =	vand.u32 $0x3F, v37;
	v45 =	vand.u32 $0x3F, v62;
	v4 =	vld [tilespmem:$0x1FE80];
	[tilespmem:v50+s16+$0x0] =	vst.idx.msk $0xffff, v10  }
0x356: {  	v61 =	vadd.f32 v28, v1;
	v28 =	vadd.s32 s3, v32;
	v17 =	vshll.u32 v37, $0x7;
	v10 =	vld [tilespmem:$0x1FEB0];
	[tilespmem:v48+s16+$0x0] =	vst.idx.msk $0xffff, v18  }
0x357: {  	v51 =	vand.u32 $0x3F, v28;
	v22 =	vor.u32 v32, v17;
	v54 =	vadd.f32 v38, v1;
	[tilespmem:v2+s16+$0x0] =	vst.idx.msk $0xffff, v19;
	v2 =	vld [tilespmem:$0x1FF60]  }
0x358: {  	v44 =	vand.u32 $0x1C00, v17;
	[tilespmem:v52+s16+$0x0] =	vst.idx.msk $0xffff, v9;
	v9 =	vld [tilespmem:$0x1FE90];
	v52 =	vadd.f32 v39, v1;
	v18 =	vshll.u32 v28, $0x7  }
0x359: {  	v38 =	vand.u32 $0x388, v22;
	v22 =	vld [tilespmem:$0x1FF50];
	v7 =	vor.u32 v7, v17;
	[tilespmem:v53+s16+$0x0] =	vst.idx.msk $0xffff, v6;
	v53 =	vadd.f32 v40, v1  }
0x35a: {  	[tilespmem:v46+s16+$0x0] =	vst.idx.msk $0xffff, v61;
	v6 =	vld [tilespmem:$0x1FEA0];
	v61 =	vand.u32 $0x1C00, v18;
	v5 =	vor.u32 v5, v17;
	v39 =	vand.u32 $0x398, v7  }
0x35b: {  	v19 =	vld [tilespmem:$0x1FEA0];
	[tilespmem:v12+s16+$0x0] =	vst.idx.msk $0xffff, v20;
	v8 =	vor.u32 v8, v17;
	v12 =	vand.u32 $0x3A8, v5;
	v5 =	vor.u32 v32, v18  }
0x35c: {  	[tilespmem:v63+s16+$0x0] =	vst.idx.msk $0xffff, v49;
	v4 =	vor.u32 v4, v17;
	v28 =	vand.u32 $0x3B8, v8;
	v8 =	vor.u32 v2, v18;
	v2 =	vld [tilespmem:$0x1FE80]  }
0x35d: {  	[tilespmem:v26+s16+$0x0] =	vst.idx.msk $0xffff, v54;
	v20 =	vld [tilespmem:$0x1FEB0];
	v10 =	vor.u32 v10, v17;
	v63 =	vand.u32 $0x388, v5;
	v9 =	vor.u32 v9, v17  }
0x35e: {  	[tilespmem:v58+s16+$0x0] =	vst.idx.msk $0xffff, v21;
	v7 =	vor.u32 v22, v18;
	v35 =	vand.u32 $0x3C8, v4;
	v37 =	vand.u32 $0x3F8, v10  }
0x35f: {  	[tilespmem:v14+s16+$0x0] =	vst.idx.msk $0xffff, v0;
	v0 =	vld [tilespmem:$0x1FE70];
	v6 =	vor.u32 v6, v17;
	v17 =	vadd.f32 v24, v1;
	v24 =	vshll.u32 v62, $0x7  }
0x360: {  	[tilespmem:v15+s16+$0x0] =	vst.idx.msk $0xffff, v11;
	v15 =	vld [tilespmem:$0x1FE70];
	v1 =	vadd.f32 v60, v1;
	v40 =	vand.u32 $0x3D8, v9;
	v11 =	vor.u32 v19, v18  }
0x361: {  	[tilespmem:v16+s16+$0x0] =	vst.idx.msk $0xffff, v3;
	v62 =	vand.u32 $0x398, v7;
	v41 =	vand.u32 $0x3E8, v6;
	v4 =	vor.u32 v2, v18;
	v2 =	vld [tilespmem:$0x1FE90]  }
0x362: {  	v16 =	vld [tilespmem:$0x1FE80];
	v3 =	vor.u32 v20, v18;
	v6 =	vor.u32 v32, v24;
	v10 =	vor.u32 v22, v24  }
0x363: {  	[tilespmem:v27+s16+$0x0] =	vst.idx.msk $0xffff, v52;
	v46 =	vand.u32 $0x1C00, v24;
	v47 =	vor.u32 v19, v24;
	v49 =	vor.u32 v20, v24  }
0x364: {  	[tilespmem:v29+s16+$0x0] =	vst.idx.msk $0xffff, v53;
	v60 =	vand.u32 $0x3A8, v8;
	v52 =	vand.u32 $0x3E8, v11;
	v53 =	vand.u32 $0x3F8, v3  }
0x365: {  	s31 =	sadd.s32 $0x3, s6;
	v23 =	vld [tilespmem:$0x1FF60];
	v50 =	vand.u32 $0x388, v6;
	v48 =	vand.u32 $0x398, v10;
	v0 =	vor.u32 v0, v18  }
0x366: {  	p1 =	slt.u32 s6, $0x3C;
	v59 =	vand.u32 $0x3B8, v0;
	v0 =	vadd.s32 s31, v32;
	v9 =	vor.u32 v2, v18;
	v18 =	vld [tilespmem:$0x1FE90]  }
.Ltmp5:
0x367: {  	[tilespmem:v30+s16+$0x0] =	vst.idx.msk $0xffff, v17;
	v58 =	vor.u32 v15, v24;
	v55 =	vor.u32 v16, v24;
	v3 =	vand.u32 $0x3F, v0;
	(pc) =	sbr.rel @p1 .LBB2_9-.Ltmp5, $4  }
0x368: {  	[tilespmem:v31+s16+$0x0] =	vst.idx.msk $0xffff, v1;
	v1 =	vshll.u32 v0, $0x7;
	v57 =	vand.u32 $0x3C8, v4;
	v8 =	vor.u32 v13, v3  }
0x369: {  	v7 =	vor.u32 v42, v3;
	v6 =	vor.u32 v33, v3;
	v5 =	vor.u32 v34, v3  }
0x36a: {  	s5 =	sadd.s32 $0x4, s5;
	v4 =	vor.u32 v36, v3;
	v10 =	vand.u32 $0x1C00, v1;
	v2 =	vor.u32 v23, v24  }
0x36b: {  	s6 =	sadd.s32 $0x4, s6;
	v31 =	vmovc v12;
	v0 =	vld [tilespmem:s5+$0x1];
	v54 =	vand.u32 $0x3D8, v9;
	v9 =	vor.u32 v32, v1;
	v56 =	vor.u32 v18, v24  }
0x36c: {  	v24 =	vld [tilespmem:$0x1F810]  }
0x36d: {  	v25 =	vld [tilespmem:$0x1F820]  }
0x36e: {  	v21 =	vld [tilespmem:$0x1F7E0]  }
0x36f: {  	v29 =	vld [tilespmem:$0x1F840];
	_ =	sdelay $0x2  }
0x370: {  	v8 =	vld.idx.msk [tilespmem:v8+s13+$0x0], $0xffff;
	v11 =	vor.u32 v24, v3  }
0x371: {  	v7 =	vld.idx.msk [tilespmem:v7+s13+$0x0], $0xffff;
	v9 =	vand.u32 $0x388, v9;
	v12 =	vor.u32 v25, v3;
	v10 =	vor.u32 v21, v10  }
0x372: {  	v6 =	vld.idx.msk [tilespmem:v6+s13+$0x0], $0xffff;
	v13 =	vor.u32 v22, v1;
	v34 =	vor.u32 v29, v3;
	v9 =	vor.u32 v9, v10  }
0x373: {  	v5 =	vld.idx.msk [tilespmem:v5+s13+$0x0], $0xffff;
	v13 =	vand.u32 $0x398, v13  }
0x374: {  	v14 =	vor.u32 v23, v1;
	v4 =	vld.idx.msk [tilespmem:v4+s13+$0x0], $0xffff;
	v13 =	vor.u32 v13, v10  }
0x375: {  	v15 =	vor.u32 v15, v1;
	v14 =	vand.u32 $0x3A8, v14;
	v8 =	vadd.f32 v8, v0;
	v11 =	vld.idx.msk [tilespmem:v11+s13+$0x0], $0xffff  }
0x376: {  	v16 =	vor.u32 v16, v1;
	v17 =	vor.u32 v18, v1;
	v14 =	vor.u32 v14, v10;
	v12 =	vld.idx.msk [tilespmem:v12+s13+$0x0], $0xffff  }
0x377: {  	v15 =	vand.u32 $0x3B8, v15;
	v7 =	vadd.f32 v7, v0;
	v3 =	vld.idx.msk [tilespmem:v34+s13+$0x0], $0xffff;
	[tilespmem:v9+s16+$0x0] =	vst.idx.msk $0xffff, v8  }
0x378: {  	v18 =	vor.u32 v19, v1;
	v1 =	vor.u32 v20, v1;
	v15 =	vor.u32 v15, v10;
	v32 =	vld [tilespmem:$0x1F7F0]  }
0x379: {  	v36 =	vand.u32 $0x3C8, v16;
	v42 =	vand.u32 $0x3D8, v17;
	v6 =	vadd.f32 v6, v0;
	v30 =	vld [tilespmem:$0x1F800];
	[tilespmem:v13+s16+$0x0] =	vst.idx.msk $0xffff, v7  }
0x37a: {  	v5 =	vadd.f32 v5, v0;
	v7 =	vor.u32 v36, v10;
	v36 =	vor.u32 v24, v51;
	v20 =	vld [tilespmem:$0x1F830]  }
0x37b: {  	[tilespmem:v14+s16+$0x0] =	vst.idx.msk $0xffff, v6;
	v14 =	vor.u32 v42, v10;
	v42 =	vor.u32 v25, v51  }
0x37c: {  	v17 =	vld [tilespmem:s5+$0xFFFFFFFF]  }
0x37d: {  	v23 =	vand.u32 $0x3E8, v18;
	v4 =	vadd.f32 v4, v0;
	v26 =	vld [tilespmem:$0x1F850];
	[tilespmem:v15+s16+$0x0] =	vst.idx.msk $0xffff, v5;
	v8 =	vor.u32 v32, v51  }
0x37e: {  	v19 =	vor.u32 v21, v61;
	v34 =	vor.u32 v23, v10;
	v27 =	vld [tilespmem:$0x1F860];
	v9 =	vor.u32 v30, v51  }
0x37f: {  	v11 =	vadd.f32 v11, v0;
	[tilespmem:v7+s16+$0x0] =	vst.idx.msk $0xffff, v4;
	v4 =	vld.idx.msk [tilespmem:v36+s13+$0x0], $0xffff;
	v13 =	vor.u32 v20, v51  }
0x380: {  	v12 =	vadd.f32 v12, v0;
	v23 =	vadd.f32 v3, v0;
	v0 =	vld.idx.msk [tilespmem:v42+s13+$0x0], $0xffff;
	v42 =	vor.u32 v32, v45  }
0x381: {  	v36 =	vor.u32 v60, v19;
	v7 =	vld [tilespmem:s5+$0x0];
	v60 =	vor.u32 v20, v45  }
0x382: {  	v1 =	vand.u32 $0x3F8, v1;
	v22 =	vor.u32 v26, v51;
	v8 =	vld.idx.msk [tilespmem:v8+s13+$0x0], $0xffff  }
0x383: {  	v1 =	vor.u32 v1, v10;
	v9 =	vld.idx.msk [tilespmem:v9+s13+$0x0], $0xffff  }
0x384: {  	v33 =	vor.u32 v27, v51;
	v13 =	vld.idx.msk [tilespmem:v13+s13+$0x0], $0xffff  }
0x385: {  	v51 =	vor.u32 v29, v51;
	v10 =	vld.idx.msk [tilespmem:v42+s13+$0x0], $0xffff  }
0x386: {  	[tilespmem:v14+s16+$0x0] =	vst.idx.msk $0xffff, v11;
	v5 =	vld.idx.msk [tilespmem:v60+s13+$0x0], $0xffff  }
0x387: {  	[tilespmem:v34+s16+$0x0] =	vst.idx.msk $0xffff, v12;
	v6 =	vld.idx.msk [tilespmem:v22+s13+$0x0], $0xffff;
	v22 =	vor.u32 v63, v19  }
0x388: {  	[tilespmem:v1+s16+$0x0] =	vst.idx.msk $0xffff, v23;
	v23 =	vor.u32 v24, v45;
	v42 =	vor.u32 v53, v19  }
0x389: {  	v0 =	vadd.f32 v0, v17;
	v63 =	vor.u32 v57, v19;
	v3 =	vld.idx.msk [tilespmem:v33+s13+$0x0], $0xffff;
	v33 =	vor.u32 v62, v19  }
0x38a: {  	v11 =	vld.idx.msk [tilespmem:v51+s13+$0x0], $0xffff;
	v51 =	vor.u32 v59, v19;
	v59 =	vor.u32 v30, v45;
	v34 =	vadd.f32 v8, v17  }
0x38b: {  	v62 =	vor.u32 v26, v45;
	v9 =	vadd.f32 v9, v17;
	v61 =	vadd.f32 v13, v17  }
0x38c: {  	v10 =	vadd.f32 v10, v7;
	v5 =	vadd.f32 v5, v7;
	[tilespmem:v22+s16+$0x0] =	vst.idx.msk $0xffff, v34  }
0x38d: {  	v6 =	vadd.f32 v6, v17;
	v22 =	vor.u32 v27, v45;
	v34 =	vor.u32 v25, v45  }
0x38e: {  	v2 =	vand.u32 $0x3A8, v2;
	v45 =	vor.u32 v29, v45;
	[tilespmem:v33+s16+$0x0] =	vst.idx.msk $0xffff, v9;
	v33 =	vor.u32 v54, v19  }
0x38f: {  	v1 =	vld.idx.msk [tilespmem:v59+s13+$0x0], $0xffff;
	v3 =	vadd.f32 v3, v17;
	[tilespmem:v36+s16+$0x0] =	vst.idx.msk $0xffff, v61;
	v36 =	vor.u32 v52, v19  }
0x390: {  	v57 =	vadd.f32 v11, v17;
	v19 =	vor.u32 v21, v46;
	v52 =	vld.idx.msk [tilespmem:v62+s13+$0x0], $0xffff;
	v61 =	vor.u32 v32, v43  }
0x391: {  	[tilespmem:v51+s16+$0x0] =	vst.idx.msk $0xffff, v6;
	v51 =	vadd.f32 v4, v17;
	v53 =	vor.u32 v50, v19;
	v6 =	vld.idx.msk [tilespmem:v23+s13+$0x0], $0xffff  }
0x392: {  	v32 =	vor.u32 v26, v43;
	v54 =	vor.u32 v48, v19;
	[tilespmem:v63+s16+$0x0] =	vst.idx.msk $0xffff, v3;
	v8 =	vld.idx.msk [tilespmem:v22+s13+$0x0], $0xffff  }
0x393: {  	v21 =	vor.u32 v21, v44;
	v63 =	vor.u32 v30, v43;
	v59 =	vld.idx.msk [tilespmem:v34+s13+$0x0], $0xffff;
	[tilespmem:v33+s16+$0x0] =	vst.idx.msk $0xffff, v51  }
0x394: {  	v2 =	vor.u32 v2, v19;
	v30 =	vor.u32 v20, v43;
	v60 =	vld.idx.msk [tilespmem:v45+s13+$0x0], $0xffff;
	[tilespmem:v36+s16+$0x0] =	vst.idx.msk $0xffff, v0  }
0x395: {  	v34 =	vld [tilespmem:s5+$0xFFFFFFFE];
	v1 =	vadd.f32 v1, v7;
	v33 =	vor.u32 v27, v43;
	[tilespmem:v42+s16+$0x0] =	vst.idx.msk $0xffff, v57  }
0x396: {  	v62 =	vand.u32 $0x3B8, v58;
	v22 =	vand.u32 $0x3C8, v55;
	v36 =	vor.u32 v24, v43;
	v9 =	vld.idx.msk [tilespmem:v61+s13+$0x0], $0xffff;
	[tilespmem:v53+s16+$0x0] =	vst.idx.msk $0xffff, v10  }
0x397: {  	v48 =	vld.idx.msk [tilespmem:v32+s13+$0x0], $0xffff;
	v42 =	vor.u32 v25, v43;
	[tilespmem:v54+s16+$0x0] =	vst.idx.msk $0xffff, v1;
	v1 =	vor.u32 v62, v19  }
0x398: {  	v45 =	vand.u32 $0x3E8, v47;
	v47 =	vor.u32 v38, v21;
	v43 =	vor.u32 v29, v43;
	v10 =	vld.idx.msk [tilespmem:v63+s13+$0x0], $0xffff  }
0x399: {  	v23 =	vand.u32 $0x3D8, v56;
	v11 =	vld.idx.msk [tilespmem:v30+s13+$0x0], $0xffff;
	[tilespmem:v2+s16+$0x0] =	vst.idx.msk $0xffff, v5;
	v2 =	vor.u32 v22, v19  }
0x39a: {  	v4 =	vadd.f32 v52, v7;
	v5 =	vor.u32 v23, v19;
	v50 =	vld.idx.msk [tilespmem:v33+s13+$0x0], $0xffff  }
0x39b: {  	v46 =	vand.u32 $0x3F8, v49;
	v49 =	vor.u32 v39, v21;
	v52 =	vld.idx.msk [tilespmem:v36+s13+$0x0], $0xffff;
	v9 =	vadd.f32 v9, v34  }
0x39c: {  	v18 =	vor.u32 v45, v19;
	v8 =	vadd.f32 v8, v7;
	v54 =	vld.idx.msk [tilespmem:v42+s13+$0x0], $0xffff;
	[tilespmem:v1+s16+$0x0] =	vst.idx.msk $0xffff, v4  }
0x39d: {  	v51 =	vor.u32 v31, v21;
	v6 =	vadd.f32 v6, v7;
	v56 =	vld.idx.msk [tilespmem:v43+s13+$0x0], $0xffff;
	[tilespmem:v47+s16+$0x0] =	vst.idx.msk $0xffff, v9  }
0x39e: {  	v19 =	vor.u32 v46, v19;
	v10 =	vadd.f32 v10, v34;
	[tilespmem:v2+s16+$0x0] =	vst.idx.msk $0xffff, v8  }
0x39f: {  	v53 =	vor.u32 v28, v21;
	v0 =	vadd.f32 v59, v7;
	[tilespmem:v5+s16+$0x0] =	vst.idx.msk $0xffff, v6  }
0x3a0: {  	v55 =	vor.u32 v35, v21;
	v58 =	vadd.f32 v11, v34;
	[tilespmem:v49+s16+$0x0] =	vst.idx.msk $0xffff, v10  }
0x3a1: {  	v57 =	vor.u32 v40, v21;
	v3 =	vadd.f32 v60, v7;
	[tilespmem:v18+s16+$0x0] =	vst.idx.msk $0xffff, v0  }
0x3a2: {  	v59 =	vor.u32 v41, v21;
	v4 =	vadd.f32 v48, v34;
	[tilespmem:v51+s16+$0x0] =	vst.idx.msk $0xffff, v58  }
0x3a3: {  	v60 =	vor.u32 v37, v21;
	v8 =	vadd.f32 v50, v34;
	[tilespmem:v19+s16+$0x0] =	vst.idx.msk $0xffff, v3  }
0x3a4: {  	v61 =	vadd.f32 v52, v34;
	[tilespmem:v53+s16+$0x0] =	vst.idx.msk $0xffff, v4  }
0x3a5: {  	s3 =	sshll.u32 s10, $0x12;
	v62 =	vadd.f32 v54, v34;
	[tilespmem:v55+s16+$0x0] =	vst.idx.msk $0xffff, v8  }
0x3a6: {  	s3 =	sor.u32 s7, s3;
	v63 =	vadd.f32 v56, v34;
	[tilespmem:v57+s16+$0x0] =	vst.idx.msk $0xffff, v61  }
0x3a7: {  	s3 =	sshrl.u32 s3, $0x3;
	[tilespmem:v59+s16+$0x0] =	vst.idx.msk $0xffff, v62  }
.Ltmp6:
0x3a8: {  	s3 =	sadd.s32 s2, s3;
	[tilespmem:v60+s16+$0x0] =	vst.idx.msk $0xffff, v63;
	(pc) =	sbr.rel @p0 .LBB2_12-.Ltmp6, $4  }
0x3a9: {  	[hbm4b:s3+s17] =	stream.strided.scatter [tilespmem:s28], [sflag:$0x8], $0x2000, s18, s17, $0x38;
	[tilespmem:$0x19680] =	vst v63  }
0x3aa: {  	_ =	swait.ge [sflag:s29], $0x2000  }
0x3ab: {  	[sflag:s29] =	ssyncset.done $0x0  }
0x3ac: {  	[sflag:s29] =	ssyncadd.s32 $0xFFFFE000  }
0x3ad: {  	v11 =	vld [tilespmem:$0x1FEC0]  }
0x3ae: {  	v38 =	vld [tilespmem:$0x1FED0]  }
0x3af: {  	v45 =	vld [tilespmem:$0x1FEE0]  }
0x3b0: {  	v53 =	vld [tilespmem:$0x1FEF0]  }
.Ltmp7:
0x3b1: {  	v61 =	vld [tilespmem:$0x1FF00];
	(pc) =	sbr.rel .LBB2_2-.Ltmp7, $4  }
0x3b2: {  	s3 =	sshll.u32 s0, $0x9;
	v48 =	vld [tilespmem:$0x1FF10]  }
0x3b3: {  	v25 =	vld [tilespmem:$0x1FF20];
	s3 =	sand.u32 $0x3FFFFE00, s3  }
0x3b4: {  	s0 =	sadd.s32 $0x1, s0;
	v29 =	vld [tilespmem:$0x1FF30];
	s3 =	sadd.s32 $0x280, s3  }
0x3b5: {  	v24 =	vld [tilespmem:$0x1FF40];
	[tilespmem:s14], [sflag:$0x2] =	stream.indirect.gather [hbm4b:s4+s9], $0x40, s3, s9, $0xb8  }
.LBB2_13:
0x3b6: {  	_ =	sfence.sel $0x180000  }
0x3b7: {  	[bflag:$0x0] =	sbarrier.arrive $0xFFFF  }
0x3b8: {  	_ =	strace $0x90000047  }
0x3b9: {  	s0 =	stileid.u32;
	[bflag:$0x2] =	sbarrier.arrive $0xFFFF  }
0x3ba: {  	p0 =	sne.s32 s0, $0x0;
	s0 =	rddreg [dreg:$0x2]  }
0x3bb: {  	s0 =	sadd.s32 @!p0 $0x100000, s0  }
0x3bc: {  	[sflag:s0] =	ssyncadd.tile.s32 @!p0 $0x1;
	_ =	shalt  }
.Lfunc_end2:
_tile_overlayer_lowered:
.L_overlay_start_2:
0x3bd: {  	(tag) =	ssettag $0x2  }
0x3be: {  	s0 =	rddreg [dreg:$0x0];
	s2 =	stileid.u32  }
0x3bf: {  	s1 =	rddreg [dreg:$0x1];
	p0 =	sne.s32 s2, $0x0  }
0x3c0: {  	s3 =	rddreg [dreg:$0x2];
	[bflag:$0x3] =	sbarrier.arrive $0xFFFF;
	s2 =	simm.s32 @!p0 $0x1C09  }
0x3c1: {  	[timem:s3], [sflag:s2] =	dma.local @!p0 [hbm:s0], s1  }
0x3c2: {  	s0 =	simm.s32 @!p0 $0x9  }
0x3c3: {  	_ =	swait.ge @!p0 [sflag:s0], s1  }
0x3c4: {  	s1 =	ssub.s32 @!p0 $0x0, s1;
	[sflag:s0] =	ssyncset.done @!p0 $0x0  }
0x3c5: {  	[sflag:s0] =	ssyncadd.s32 @!p0 s1  }
0x3c6: {  	[bflag:$0x3] =	sbarrier.arrive $0xFFFF  }
0x3c7: {  	_ =	shalt  }

</sc_bundles>
